<compile_context>
chip_gen: v7x
topology: tpu7x:2x2x1
jax: 0.10.2.dev20260603
libtpu: 0.0.44.dev20260713+nightly
codegen_flags: <defaults>
</compile_context>

<pallas_src>
import functools

import jax
import jax.numpy as jnp
from jax import lax
from jax.experimental import pallas as pl
from jax.experimental.pallas import tpu as pltpu
from jax.experimental.pallas import tpu_sc as plsc

N = 10000
E = 320000
DIN = 128
BIG = 32
HID = 32
NF = 6

NC = 2
NS = 16
NW = NC * NS
EW = E // NW
CH = 125
NCH = EW // CH
CW = 16
SB = 1000
NSG = EW // SB
CPS = SB // CH
RB = 1250
RPT = 624
ZR = N // NS

_SC_MESH = dict(core_axis_name="c", subcore_axis_name="s",
                num_cores=NC, num_subcores=NS)
_SC_PARAMS = pltpu.CompilerParams(use_tc_tiling_on_sc=False,
                                  skip_device_barrier=True)


def _drain(acc, out_hbm, cid, sid):
    last = N - (NS - 1) * RPT

    @pl.when(sid < NS - 1)
    def _():
        pltpu.sync_copy(acc.at[pl.ds(sid * RPT, RPT)],
                        out_hbm.at[cid, pl.ds(sid * RPT, RPT)])

    @pl.when(sid == NS - 1)
    def _():
        pltpu.sync_copy(acc.at[pl.ds((NS - 1) * RPT, last)],
                        out_hbm.at[cid, pl.ds((NS - 1) * RPT, last)])


def _zero_acc(zrow, acc, sid, width):
    def z(i, c):
        zrow[i, :] = jnp.zeros((width,), jnp.float32)
        return c
    lax.fori_loop(0, ZR, z, 0)
    pltpu.sync_copy(zrow, acc.at[pl.ds(sid * ZR, ZR)])


def _pq_body(x_ref, w1_ref, p_ref, q_ref):
    x = x_ref[...]
    wa = w1_ref[0:DIN, :] - w1_ref[DIN:2 * DIN, :]
    wb = w1_ref[DIN:2 * DIN, :]
    p_ref[...] = jnp.dot(x, wa, preferred_element_type=jnp.float32)
    q_ref[...] = jnp.dot(x, wb, preferred_element_type=jnp.float32)


def _pq(x, w1):
    nb = 10
    blk = N // nb
    return pl.pallas_call(
        _pq_body,
        grid=(nb,),
        in_specs=[
            pl.BlockSpec((blk, DIN), lambda i: (i, 0)),
            pl.BlockSpec((2 * DIN, BIG), lambda i: (0, 0)),
        ],
        out_specs=[
            pl.BlockSpec((blk, BIG), lambda i: (i, 0)),
            pl.BlockSpec((blk, BIG), lambda i: (i, 0)),
        ],
        out_shape=[
            jax.ShapeDtypeStruct((N, BIG), jnp.float32),
            jax.ShapeDtypeStruct((N, BIG), jnp.float32),
        ],
    )(x, w1)


def _sc_gather_body(p_hbm, q_hbm, srcg_hbm, dstg_hbm, dsts_hbm,
                    h1_hbm, cnt_hbm,
                    sidx, didx, didx_s, stage0, stage1, ones_v, zrow, acc_c,
                    sem_p0, sem_p1, sem_q, sem_c, sem_s0, sem_s1):
    cid = lax.axis_index("c")
    sid = lax.axis_index("s")
    wid = sid * NC + cid

    _zero_acc(zrow, acc_c, sid, CW)

    pltpu.sync_copy(srcg_hbm.at[wid], sidx)
    pltpu.sync_copy(dstg_hbm.at[wid], didx)
    pltpu.sync_copy(dsts_hbm.at[wid], didx_s)

    def fill_ones(i, c):
        ones_v[i, :] = jnp.full((CW,), 1.0, jnp.float32)
        return c
    lax.fori_loop(0, CH, fill_ones, 0)

    plsc.subcore_barrier()

    def fire_p(s, buf, psem):
        pltpu.async_copy(p_hbm.at[didx.at[s]], buf, psem)

    def wait_p(s, buf, psem):
        pltpu.make_async_copy(p_hbm.at[didx.at[s]], buf, psem).wait()

    def fire_q(s, buf):
        pltpu.async_copy(q_hbm.at[sidx.at[s]], buf, sem_q, add=True)

    def wait_q(s, buf):
        pltpu.make_async_copy(q_hbm.at[sidx.at[s]], buf, sem_q).wait()

    def fire_counts(s):
        for j in range(CPS):
            pltpu.async_copy(ones_v, acc_c.at[didx_s.at[s, j]],
                             sem_c, add=True)

    def wait_counts(s):
        for j in range(CPS):
            pltpu.make_async_copy(ones_v, acc_c.at[didx_s.at[s, j]],
                                  sem_c).wait()

    def store(s, buf, st_sem):
        pltpu.async_copy(buf, h1_hbm.at[wid, s], st_sem)

    def wait_store(buf, st_sem):
        pltpu.make_async_copy(buf, h1_hbm.at[wid, 0], st_sem).wait()

    fire_p(0, stage0, sem_p0)
    npair = NSG // 2

    def pair_loop(t, c):
        s0 = t * 2
        fire_counts(s0)

        @pl.when(t > 0)
        def _():
            wait_store(stage1, sem_s1)
        fire_p(s0 + 1, stage1, sem_p1)
        wait_p(s0, stage0, sem_p0)
        fire_q(s0, stage0)
        fire_counts(s0 + 1)
        wait_q(s0, stage0)
        store(s0, stage0, sem_s0)
        wait_p(s0 + 1, stage1, sem_p1)
        fire_q(s0 + 1, stage1)

        @pl.when(t + 1 < npair)
        def _():
            wait_store(stage0, sem_s0)
            fire_p(s0 + 2, stage0, sem_p0)
        wait_q(s0 + 1, stage1)
        store(s0 + 1, stage1, sem_s1)
        wait_counts(s0)
        wait_counts(s0 + 1)
        return c
    lax.fori_loop(0, npair, pair_loop, 0)
    wait_store(stage0, sem_s0)
    wait_store(stage1, sem_s1)

    plsc.subcore_barrier()
    _drain(acc_c, cnt_hbm, cid, sid)


def _sc_gather(p, q, srcr, dstr):
    mesh = plsc.VectorSubcoreMesh(**_SC_MESH)
    f = functools.partial(
        pl.kernel,
        mesh=mesh,
        compiler_params=_SC_PARAMS,
        out_type=[
            jax.ShapeDtypeStruct((NW, NSG, SB, BIG), jnp.float32),
            jax.ShapeDtypeStruct((NC, N, CW), jnp.float32),
        ],
        scratch_types=[
            pltpu.VMEM((NSG, SB), jnp.int32),
            pltpu.VMEM((NSG, SB), jnp.int32),
            pltpu.VMEM((NSG, CPS, CH), jnp.int32),
            pltpu.VMEM((SB, BIG), jnp.float32),
            pltpu.VMEM((SB, BIG), jnp.float32),
            pltpu.VMEM((CH, CW), jnp.float32),
            pltpu.VMEM((ZR, CW), jnp.float32),
            pltpu.VMEM_SHARED((N, CW), jnp.float32),
            pltpu.SemaphoreType.DMA,
            pltpu.SemaphoreType.DMA,
            pltpu.SemaphoreType.DMA,
            pltpu.SemaphoreType.DMA,
            pltpu.SemaphoreType.DMA,
            pltpu.SemaphoreType.DMA,
        ],
    )(_sc_gather_body)
    return f(p, q, srcr, dstr, dstr.reshape(NW, NSG, CPS, CH))


def _mlp_body(h_ref, b1_ref, w2_ref, b2_ref, w3_ref, b3_ref, o_ref):
    r = 128 // BIG
    eye = jnp.eye(r, dtype=jnp.float32)
    w2bd = jnp.kron(eye, w2_ref[...])
    w3bd = jnp.kron(eye, w3_ref[...])
    t = jnp.maximum(h_ref[...] + b1_ref[...], 0.0)
    t = jnp.maximum(
        jnp.dot(t, w2bd, preferred_element_type=jnp.float32) + b2_ref[...], 0.0)
    o_ref[...] = jnp.maximum(
        jnp.dot(t, w3bd, preferred_element_type=jnp.float32) + b3_ref[...], 0.0)


def _mlp(h1, b1, w2, b2, w3, b3):
    lw = 128
    e4 = E * BIG // lw
    be = 8000
    nb = e4 // be
    r = lw // BIG
    b1t = jnp.tile(b1, (1, r))
    b2t = jnp.tile(b2, (1, r))
    b3t = jnp.tile(b3, (1, r))
    out = pl.pallas_call(
        _mlp_body,
        grid=(nb,),
        in_specs=[
            pl.BlockSpec((be, lw), lambda i: (i, 0)),
            pl.BlockSpec((1, lw), lambda i: (0, 0)),
            pl.BlockSpec((BIG, BIG), lambda i: (0, 0)),
            pl.BlockSpec((1, lw), lambda i: (0, 0)),
            pl.BlockSpec((BIG, BIG), lambda i: (0, 0)),
            pl.BlockSpec((1, lw), lambda i: (0, 0)),
        ],
        out_specs=pl.BlockSpec((be, lw), lambda i: (i, 0)),
        out_shape=jax.ShapeDtypeStruct((e4, lw), jnp.float32),
    )(h1.reshape(e4, lw), b1t, w2, b2t, w3, b3t)
    return out.reshape(E, BIG)


def _sc_scatter_body(msg_hbm, dst_hbm, sum_hbm,
                     didx, mrows0, mrows1, zrow, acc_s,
                     sem_l0, sem_l1, sem_c0, sem_c1):
    cid = lax.axis_index("c")
    sid = lax.axis_index("s")
    wid = sid * NC + cid

    _zero_acc(zrow, acc_s, sid, BIG)

    pltpu.sync_copy(dst_hbm.at[wid], didx)
    plsc.subcore_barrier()

    def load(b, buf, lsem):
        pltpu.async_copy(msg_hbm.at[wid, b], buf, lsem)

    def wait_load(buf, lsem):
        pltpu.make_async_copy(msg_hbm.at[wid, 0], buf, lsem).wait()

    def fire_sc(b, buf, csem):
        for j in range(CPS):
            pltpu.async_copy(buf.at[pl.ds(j * CH, CH)],
                             acc_s.at[didx.at[b, j]], csem, add=True)

    def wait_sc(b, buf, csem):
        for j in range(CPS):
            pltpu.make_async_copy(buf.at[pl.ds(j * CH, CH)],
                                  acc_s.at[didx.at[b, j]], csem).wait()

    load(0, mrows0, sem_l0)

    def pair(t, c):
        b0 = t * 2

        @pl.when(t > 0)
        def _():
            wait_sc(b0 - 1, mrows1, sem_c1)

        @pl.when(b0 + 1 < NSG)
        def _():
            load(b0 + 1, mrows1, sem_l1)
        wait_load(mrows0, sem_l0)
        fire_sc(b0, mrows0, sem_c0)

        @pl.when(b0 + 2 < NSG)
        def _():
            wait_sc(b0, mrows0, sem_c0)
            load(b0 + 2, mrows0, sem_l0)

        @pl.when(b0 + 1 < NSG)
        def _():
            wait_load(mrows1, sem_l1)
            fire_sc(b0 + 1, mrows1, sem_c1)
        return c
    lax.fori_loop(0, (NSG + 1) // 2, pair, 0)
    wait_sc(NSG - 2, mrows0, sem_c0)
    wait_sc(NSG - 1, mrows1, sem_c1)

    plsc.subcore_barrier()
    _drain(acc_s, sum_hbm, cid, sid)


def _sc_scatter(msgr, dstr):
    mesh = plsc.VectorSubcoreMesh(**_SC_MESH)
    f = functools.partial(
        pl.kernel,
        mesh=mesh,
        compiler_params=_SC_PARAMS,
        out_type=jax.ShapeDtypeStruct((NC, N, BIG), jnp.float32),
        scratch_types=[
            pltpu.VMEM((NSG, CPS, CH), jnp.int32),
            pltpu.VMEM((SB, BIG), jnp.float32),
            pltpu.VMEM((SB, BIG), jnp.float32),
            pltpu.VMEM((ZR, BIG), jnp.float32),
            pltpu.VMEM_SHARED((N, BIG), jnp.float32),
            pltpu.SemaphoreType.DMA,
            pltpu.SemaphoreType.DMA,
            pltpu.SemaphoreType.DMA,
            pltpu.SemaphoreType.DMA,
        ],
    )(_sc_scatter_body)
    return f(msgr, dstr)


def _flow_body(s_ref, c_ref, eps_ref,
               wmu_ref, bmu_ref, wvar_ref, bvar_ref,
               wu_ref, bu_ref, ww_ref, bw_ref, wb_ref, bb_ref,
               mu_ref, lv_ref, z0_ref, zk_ref, ldj_ref):
    cnt = c_ref[0][:, 0:1] + c_ref[1][:, 0:1]
    h = (s_ref[0] + s_ref[1]) / jnp.maximum(cnt, 1.0)
    hT = jnp.transpose(h, (1, 0))

    def head(w_ref, b_ref):
        wT = jnp.transpose(w_ref[...], (1, 0))
        bT = jnp.transpose(b_ref[...], (1, 0))
        return jnp.dot(wT, hT, preferred_element_type=jnp.float32) + bT

    mu = head(wmu_ref, bmu_ref)
    lv = head(wvar_ref, bvar_ref)
    uu = head(wu_ref, bu_ref)
    ww = head(ww_ref, bw_ref)
    bf = head(wb_ref, bb_ref)

    epsT = jnp.transpose(eps_ref[...], (1, 0))
    z = mu + epsT * jnp.exp(0.5 * lv)
    mu_ref[...] = jnp.transpose(mu, (1, 0))
    lv_ref[...] = jnp.transpose(lv, (1, 0))
    z0_ref[...] = jnp.transpose(z, (1, 0))

    ldj = jnp.zeros_like(bf[0:1])
    for k in range(NF):
        uk = uu[k * HID:(k + 1) * HID]
        wk = ww[k * HID:(k + 1) * HID]
        bk = bf[k:k + 1]
        uw = jnp.sum(wk * uk, axis=0, keepdims=True)
        m_uw = -1.0 + jnp.logaddexp(uw, 0.0)
        wns = jnp.sum(wk * wk, axis=0, keepdims=True)
        u_hat = uk + ((m_uw - uw) / wns) * wk
        wzb = jnp.sum(wk * z, axis=0, keepdims=True) + bk
        t = jnp.tanh(wzb)
        z = z + u_hat * t
        wu_dot = jnp.sum(wk * u_hat, axis=0, keepdims=True)
        ldj = ldj + jnp.log(jnp.abs(1.0 + (1.0 - t * t) * wu_dot))

    zk_ref[...] = jnp.transpose(z, (1, 0))
    ldj_ref[...] = jnp.transpose(ldj, (1, 0))


def _flow(sums, cnts, eps, wmu, bmu, wvar, bvar, wu, bu, ww, bw, wb, bb):
    nb = 10
    blk = N // nb
    full = lambda r, c: pl.BlockSpec((r, c), lambda i: (0, 0))
    return pl.pallas_call(
        _flow_body,
        grid=(nb,),
        in_specs=[
            pl.BlockSpec((NC, blk, BIG), lambda i: (0, i, 0)),
            pl.BlockSpec((NC, blk, CW), lambda i: (0, i, 0)),
            pl.BlockSpec((blk, HID), lambda i: (i, 0)),
            full(BIG, HID), full(1, HID),
            full(BIG, HID), full(1, HID),
            full(BIG, NF * HID), full(1, NF * HID),
            full(BIG, NF * HID), full(1, NF * HID),
            full(BIG, NF), full(1, NF),
        ],
        out_specs=[
            pl.BlockSpec((blk, HID), lambda i: (i, 0)),
            pl.BlockSpec((blk, HID), lambda i: (i, 0)),
            pl.BlockSpec((blk, HID), lambda i: (i, 0)),
            pl.BlockSpec((blk, HID), lambda i: (i, 0)),
            pl.BlockSpec((blk, 1), lambda i: (i, 0)),
        ],
        out_shape=[
            jax.ShapeDtypeStruct((N, HID), jnp.float32),
            jax.ShapeDtypeStruct((N, HID), jnp.float32),
            jax.ShapeDtypeStruct((N, HID), jnp.float32),
            jax.ShapeDtypeStruct((N, HID), jnp.float32),
            jax.ShapeDtypeStruct((N, 1), jnp.float32),
        ],
    )(sums, cnts, eps, wmu, bmu, wvar, bvar, wu, bu, ww, bw, wb, bb)


def kernel(x, edge_index, We1, be1, We2, be2, We3, be3, Wmu, bmu, Wvar, bvar,
           Wu, bu, Ww, bw, Wb, bb, Wd1, bd1, Wd2, bd2, Wd3, bd3):
    src = edge_index[0]
    dst = edge_index[1]

    p, q = _pq(x, We1)

    srcr = src.reshape(NW, NSG, SB)
    dstr = dst.reshape(NW, NSG, SB)

    h1r, cnt = _sc_gather(p, q, srcr, dstr)
    msg = _mlp(h1r.reshape(E, BIG), be1.reshape(1, BIG),
               We2, be2.reshape(1, BIG), We3, be3.reshape(1, BIG))
    sums = _sc_scatter(msg.reshape(NW, NSG, SB, BIG),
                       dstr.reshape(NW, NSG, CPS, CH))

    eps = jax.random.normal(jax.random.key(42), (N, HID), dtype=jnp.float32)
    mu, lv, z0, zk, ldj = _flow(
        sums, cnt, eps,
        Wmu, bmu.reshape(1, HID), Wvar, bvar.reshape(1, HID),
        Wu, bu.reshape(1, NF * HID), Ww, bw.reshape(1, NF * HID),
        Wb, bb.reshape(1, NF))

    return (zk, mu, lv, ldj.reshape(N), z0, zk)

# --- scband reference (transcript-rebuilt; emitter-appended) ---
"""Pipeline reference for scband-planar-vae-2731599200744 (READ-ONLY COPY).

The authoritative reference and input builder live on the scoring server;
editing this copy changes nothing except your own understanding.
"""

import jax, jax.numpy as jnp
import numpy as np

N = 10000
E = 320000
DIN = 128
DOUT = 128
BIG = 32
HID = 32
NF = 6

def _lin(key, din, dout):
    k1, k2 = jax.random.split(key)
    s = 1.0 / np.sqrt(din)
    W = jax.random.uniform(k1, (din, dout), minval=-s, maxval=s, dtype=jnp.float32)
    b = jax.random.uniform(k2, (dout,), minval=-s, maxval=s, dtype=jnp.float32)
    return W, b

def setup_inputs(seed: int = 0):
    key = jax.random.key(seed)
    ks = jax.random.split(key, 14)
    x = jax.random.normal(ks[0], (N, DIN), dtype=jnp.float32)
    edge_index = jax.random.randint(ks[1], (2, E), 0, N, dtype=jnp.int32)
    We1, be1 = _lin(ks[2], 2 * DIN, BIG)
    We2, be2 = _lin(ks[3], BIG, BIG)
    We3, be3 = _lin(ks[4], BIG, HID)
    Wmu, bmu = _lin(ks[5], BIG, HID)
    Wvar, bvar = _lin(ks[6], BIG, HID)
    Wu, bu = _lin(ks[7], BIG, NF * HID)
    Ww, bw = _lin(ks[8], BIG, NF * HID)
    Wb, bb = _lin(ks[9], BIG, NF)
    Wd1, bd1 = _lin(ks[10], 2 * HID, BIG)
    Wd2, bd2 = _lin(ks[11], BIG, BIG)
    Wd3, bd3 = _lin(ks[12], BIG, DOUT)
    return {"x": x, "edge_index": edge_index, "We1": We1, "be1": be1, "We2": We2, "be2": be2, "We3": We3, "be3": be3, "Wmu": Wmu, "bmu": bmu, "Wvar": Wvar, "bvar": bvar, "Wu": Wu, "bu": bu, "Ww": Ww, "bw": bw, "Wb": Wb, "bb": bb, "Wd1": Wd1, "bd1": bd1, "Wd2": Wd2, "bd2": bd2, "Wd3": Wd3, "bd3": bd3}

def _edgeconv(x, src, dst, layers, final_relu):
    xi = x[dst]
    xj = x[src]
    h = jnp.concatenate([xi, xj - xi], axis=-1)
    nl = len(layers)
    for i in range(nl):
        W, b = layers[i]
        h = h @ W + b
        if i < nl - 1 or final_relu:
            h = jax.nn.relu(h)
    s = jax.ops.segment_sum(h, dst, num_segments=x.shape[0])
    cnt = jax.ops.segment_sum(jnp.ones((dst.shape[0], 1), h.dtype), dst, num_segments=x.shape[0])
    return s / jnp.maximum(cnt, 1.0)

def reference(x, edge_index, We1, be1, We2, be2, We3, be3, Wmu, bmu, Wvar, bvar, Wu, bu, Ww, bw, Wb, bb, Wd1, bd1, Wd2, bd2, Wd3, bd3):
    src = edge_index[0]
    dst = edge_index[1]
    n = x.shape[0]
    h = _edgeconv(x, src, dst, [(We1, be1), (We2, be2), (We3, be3)], True)
    mu = h @ Wmu + bmu
    log_var = h @ Wvar + bvar
    u = (h @ Wu + bu).reshape(n, NF, HID, 1)
    w = (h @ Ww + bw).reshape(n, NF, 1, HID)
    b = (h @ Wb + bb).reshape(n, NF, 1, 1)
    eps = jax.random.normal(jax.random.key(42), mu.shape, dtype=jnp.float32)
    z0 = mu + eps * jnp.exp(0.5 * log_var)
    zk = z0
    log_det_j = jnp.zeros((n,), dtype=jnp.float32)
    for k in range(NF):
        uk = u[:, k]
        wk = w[:, k]
        bk = b[:, k]
        zke = zk[:, :, None]
        uw = jnp.matmul(wk, uk)
        m_uw = -1.0 + jax.nn.softplus(uw)
        w_norm_sq = jnp.sum(wk * wk, axis=2, keepdims=True)
        u_hat = uk + (m_uw - uw) * jnp.transpose(wk, (0, 2, 1)) / w_norm_sq
        wzb = jnp.matmul(wk, zke) + bk
        zk = (zke + u_hat * jnp.tanh(wzb))[:, :, 0]
        psi = wk * (1.0 - jnp.tanh(wzb) ** 2)
        log_det_j = log_det_j + jnp.log(jnp.abs(1.0 + jnp.matmul(psi, u_hat)))[:, 0, 0]
    _x_dec_unused = _edgeconv(zk, src, dst, [(Wd1, bd1), (Wd2, bd2), (Wd3, bd3)], False)
    x_decoded = zk
    return (x_decoded, mu, log_var, log_det_j, z0, zk)

if __name__ == "__main__":
    import jax
    _d = setup_inputs()
    print(jax.jit(kernel)(*tuple(_d.values())))

</pallas_src>

<mosaic_0001>
#map = affine_map<(d0, d1) -> (0, 0)>
#map1 = affine_map<(d0, d1) -> (0, 0, 0)>
#map2 = affine_map<(d0, d1) -> (0, 0, 0, 0)>
module attributes {stable_mosaic.version = 14 : i64} {
  func.func @_sc_gather_body(%arg0: i32, %arg1: i32, %arg2: memref<10000x32xf32, #tpu.memory_space<hbm>>, %arg3: memref<10000x32xf32, #tpu.memory_space<hbm>>, %arg4: memref<32x10x1000xi32, #tpu.memory_space<hbm>>, %arg5: memref<32x10x1000xi32, #tpu.memory_space<hbm>>, %arg6: memref<32x10x8x125xi32, #tpu.memory_space<hbm>>, %arg7: memref<32x10x1000x32xf32, #tpu.memory_space<hbm>>, %arg8: memref<2x10000x16xf32, #tpu.memory_space<hbm>>, %arg9: memref<10x1000xi32, #tpu.memory_space<vmem>>, %arg10: memref<10x1000xi32, #tpu.memory_space<vmem>>, %arg11: memref<10x8x125xi32, #tpu.memory_space<vmem>>, %arg12: memref<1000x32xf32, #tpu.memory_space<vmem>>, %arg13: memref<1000x32xf32, #tpu.memory_space<vmem>>, %arg14: memref<125x16xf32, #tpu.memory_space<vmem>>, %arg15: memref<625x16xf32, #tpu.memory_space<vmem>>, %arg16: memref<10000x16xf32, #tpu.memory_space<vmem_shared>>, %arg17: memref<!tpu.dma_semaphore, #tpu.memory_space<semaphore_mem>>, %arg18: memref<!tpu.dma_semaphore, #tpu.memory_space<semaphore_mem>>, %arg19: memref<!tpu.dma_semaphore, #tpu.memory_space<semaphore_mem>>, %arg20: memref<!tpu.dma_semaphore, #tpu.memory_space<semaphore_mem>>, %arg21: memref<!tpu.dma_semaphore, #tpu.memory_space<semaphore_mem>>, %arg22: memref<!tpu.dma_semaphore, #tpu.memory_space<semaphore_mem>>) attributes {dimension_semantics = [#tpu.dimension_semantics<core_parallel>, #tpu.dimension_semantics<subcore_parallel>], iteration_bounds = array<i64: 2, 16>, scalar_prefetch = 0 : i64, scratch_operands = 14 : i64, tpu.core_type = #tpu.core_type<sc_vector_subcore>, window_params = [{transform_indices = #map}, {transform_indices = #map}, {transform_indices = #map1}, {transform_indices = #map1}, {transform_indices = #map2}, {transform_indices = #map2}, {transform_indices = #map1}]} {
    %mul3A = arith.constant 2 : i32
    %mul3A_0 = arith.muli %arg1, %mul3A : i32
    %add3A = arith.addi %mul3A_0, %arg0 : i32
    %scan3A = arith.constant 0 : i32
    %scan3A_1 = arith.constant 0 : i32
    %scan3A_2 = arith.constant 625 : i32
    %scan3A_3 = arith.addi %scan3A_1, %scan3A_2 : i32
    %scan3A_4 = arith.constant 1 : i32
    scf.for %scan3A_50 = %scan3A_1 to %scan3A_3 step %scan3A_4  : i32 {
      %broadcast_in_dim3A = arith.constant 0.000000e+00 : f32
      %broadcast_in_dim3A_51 = vector.broadcast %broadcast_in_dim3A : f32 to vector<16xf32>
      %swap3A = arith.index_cast %scan3A_50 : i32 to index
      %swap3A_52 = arith.constant 0 : index
      %swap3A_53 = tpu.vector_load %arg15[%swap3A, %swap3A_52] {strides = array<i32>} : memref<625x16xf32, #tpu.memory_space<vmem>>, vector<1x16xf32>,
      %swap3A_54 = vector.shape_cast %swap3A_53 : vector<1x16xf32> to vector<16xf32>
      %swap3A_55 = vector.shape_cast %broadcast_in_dim3A_51 : vector<16xf32> to vector<1x16xf32>
      tpu.vector_store %arg15[%swap3A, %swap3A_52], %swap3A_55 {strides = array<i32>} : memref<625x16xf32, #tpu.memory_space<vmem>>, vector<1x16xf32>,
    }
    %scan3A_5 = arith.constant 625 : i32
    %mul3A_6 = arith.constant 625 : i32
    %mul3A_7 = arith.muli %arg1, %mul3A_6 : i32
    "tpu.region"() ({
      %run_scoped3A = tpu.sem_alloc : memref<!tpu.dma_semaphore, #tpu.memory_space<semaphore_mem>>
      %dma_start3A_50 = arith.constant 0 : i32
      %dma_start3A_51 = tpu.memref_slice %arg16[%mul3A_7, %dma_start3A_50] : memref<10000x16xf32, #tpu.memory_space<vmem_shared>> -> memref<625x16xf32, #tpu.memory_space<vmem_shared>>
      %dma_start3A_52 = arith.constant 0 : i32
      %dma_start3A_53 = tpu.memref_slice %arg16[%mul3A_7, %dma_start3A_52] : memref<10000x16xf32, #tpu.memory_space<vmem_shared>> -> memref<625x16xf32, #tpu.memory_space<vmem_shared>>
      tpu.enqueue_dma source(%arg15 : memref<625x16xf32, #tpu.memory_space<vmem>>) target(%dma_start3A_53 : memref<625x16xf32, #tpu.memory_space<vmem_shared>>) target_semaphore(%run_scoped3A : memref<!tpu.dma_semaphore, #tpu.memory_space<semaphore_mem>>)
      %dma_wait3A_54 = arith.constant 0 : i32
      %dma_wait3A_55 = tpu.memref_slice %arg16[%mul3A_7, %dma_wait3A_54] : memref<10000x16xf32, #tpu.memory_space<vmem_shared>> -> memref<625x16xf32, #tpu.memory_space<vmem_shared>>
      %dma_wait3A_56 = arith.constant 0 : i32
      %dma_wait3A_57 = tpu.memref_slice %arg16[%mul3A_7, %dma_wait3A_56] : memref<10000x16xf32, #tpu.memory_space<vmem_shared>> -> memref<625x16xf32, #tpu.memory_space<vmem_shared>>
      tpu.wait_dma2 semaphore(%run_scoped3A : memref<!tpu.dma_semaphore, #tpu.memory_space<semaphore_mem>>) src(%arg15 : memref<625x16xf32, #tpu.memory_space<vmem>>) dst(%dma_wait3A_57 : memref<625x16xf32, #tpu.memory_space<vmem_shared>>)
      tpu.yield
    }) : () -> ()
    "tpu.region"() ({
      %run_scoped3A = tpu.sem_alloc : memref<!tpu.dma_semaphore, #tpu.memory_space<semaphore_mem>>
      %dma_start3A_50 = arith.constant 0 : i32
      %dma_start3A_51 = arith.constant 0 : i32
      %dma_start3A_52 = tpu.memref_slice %arg4[%add3A, %dma_start3A_50, %dma_start3A_51] : memref<32x10x1000xi32, #tpu.memory_space<hbm>> -> memref<1x10x1000xi32, #tpu.memory_space<hbm>>
      %dma_start3A_53 = tpu.memref_squeeze %dma_start3A_52 : memref<1x10x1000xi32, #tpu.memory_space<hbm>> -> memref<10x1000xi32, #tpu.memory_space<hbm>>
      %dma_start3A_54 = arith.constant 0 : i32
      %dma_start3A_55 = arith.constant 0 : i32
      %dma_start3A_56 = tpu.memref_slice %arg4[%add3A, %dma_start3A_54, %dma_start3A_55] : memref<32x10x1000xi32, #tpu.memory_space<hbm>> -> memref<1x10x1000xi32, #tpu.memory_space<hbm>>
      %dma_start3A_57 = tpu.memref_squeeze %dma_start3A_56 : memref<1x10x1000xi32, #tpu.memory_space<hbm>> -> memref<10x1000xi32, #tpu.memory_space<hbm>>
      tpu.enqueue_dma source(%dma_start3A_57 : memref<10x1000xi32, #tpu.memory_space<hbm>>) target(%arg9 : memref<10x1000xi32, #tpu.memory_space<vmem>>) target_semaphore(%run_scoped3A : memref<!tpu.dma_semaphore, #tpu.memory_space<semaphore_mem>>)
      %dma_wait3A_58 = arith.constant 0 : i32
      %dma_wait3A_59 = arith.constant 0 : i32
      %dma_wait3A_60 = tpu.memref_slice %arg4[%add3A, %dma_wait3A_58, %dma_wait3A_59] : memref<32x10x1000xi32, #tpu.memory_space<hbm>> -> memref<1x10x1000xi32, #tpu.memory_space<hbm>>
      %dma_wait3A_61 = tpu.memref_squeeze %dma_wait3A_60 : memref<1x10x1000xi32, #tpu.memory_space<hbm>> -> memref<10x1000xi32, #tpu.memory_space<hbm>>
      %dma_wait3A_62 = arith.constant 0 : i32
      %dma_wait3A_63 = arith.constant 0 : i32
      %dma_wait3A_64 = tpu.memref_slice %arg4[%add3A, %dma_wait3A_62, %dma_wait3A_63] : memref<32x10x1000xi32, #tpu.memory_space<hbm>> -> memref<1x10x1000xi32, #tpu.memory_space<hbm>>
      %dma_wait3A_65 = tpu.memref_squeeze %dma_wait3A_64 : memref<1x10x1000xi32, #tpu.memory_space<hbm>> -> memref<10x1000xi32, #tpu.memory_space<hbm>>
      tpu.wait_dma2 semaphore(%run_scoped3A : memref<!tpu.dma_semaphore, #tpu.memory_space<semaphore_mem>>) src(%dma_wait3A_65 : memref<10x1000xi32, #tpu.memory_space<hbm>>) dst(%arg9 : memref<10x1000xi32, #tpu.memory_space<vmem>>)
      tpu.yield
    }) : () -> ()
    "tpu.region"() ({
      %run_scoped3A = tpu.sem_alloc : memref<!tpu.dma_semaphore, #tpu.memory_space<semaphore_mem>>
      %dma_start3A_50 = arith.constant 0 : i32
      %dma_start3A_51 = arith.constant 0 : i32
      %dma_start3A_52 = tpu.memref_slice %arg5[%add3A, %dma_start3A_50, %dma_start3A_51] : memref<32x10x1000xi32, #tpu.memory_space<hbm>> -> memref<1x10x1000xi32, #tpu.memory_space<hbm>>
      %dma_start3A_53 = tpu.memref_squeeze %dma_start3A_52 : memref<1x10x1000xi32, #tpu.memory_space<hbm>> -> memref<10x1000xi32, #tpu.memory_space<hbm>>
      %dma_start3A_54 = arith.constant 0 : i32
      %dma_start3A_55 = arith.constant 0 : i32
      %dma_start3A_56 = tpu.memref_slice %arg5[%add3A, %dma_start3A_54, %dma_start3A_55] : memref<32x10x1000xi32, #tpu.memory_space<hbm>> -> memref<1x10x1000xi32, #tpu.memory_space<hbm>>
      %dma_start3A_57 = tpu.memref_squeeze %dma_start3A_56 : memref<1x10x1000xi32, #tpu.memory_space<hbm>> -> memref<10x1000xi32, #tpu.memory_space<hbm>>
      tpu.enqueue_dma source(%dma_start3A_57 : memref<10x1000xi32, #tpu.memory_space<hbm>>) target(%arg10 : memref<10x1000xi32, #tpu.memory_space<vmem>>) target_semaphore(%run_scoped3A : memref<!tpu.dma_semaphore, #tpu.memory_space<semaphore_mem>>)
      %dma_wait3A_58 = arith.constant 0 : i32
      %dma_wait3A_59 = arith.constant 0 : i32
      %dma_wait3A_60 = tpu.memref_slice %arg5[%add3A, %dma_wait3A_58, %dma_wait3A_59] : memref<32x10x1000xi32, #tpu.memory_space<hbm>> -> memref<1x10x1000xi32, #tpu.memory_space<hbm>>
      %dma_wait3A_61 = tpu.memref_squeeze %dma_wait3A_60 : memref<1x10x1000xi32, #tpu.memory_space<hbm>> -> memref<10x1000xi32, #tpu.memory_space<hbm>>
      %dma_wait3A_62 = arith.constant 0 : i32
      %dma_wait3A_63 = arith.constant 0 : i32
      %dma_wait3A_64 = tpu.memref_slice %arg5[%add3A, %dma_wait3A_62, %dma_wait3A_63] : memref<32x10x1000xi32, #tpu.memory_space<hbm>> -> memref<1x10x1000xi32, #tpu.memory_space<hbm>>
      %dma_wait3A_65 = tpu.memref_squeeze %dma_wait3A_64 : memref<1x10x1000xi32, #tpu.memory_space<hbm>> -> memref<10x1000xi32, #tpu.memory_space<hbm>>
      tpu.wait_dma2 semaphore(%run_scoped3A : memref<!tpu.dma_semaphore, #tpu.memory_space<semaphore_mem>>) src(%dma_wait3A_65 : memref<10x1000xi32, #tpu.memory_space<hbm>>) dst(%arg10 : memref<10x1000xi32, #tpu.memory_space<vmem>>)
      tpu.yield
    }) : () -> ()
    "tpu.region"() ({
      %run_scoped3A = tpu.sem_alloc : memref<!tpu.dma_semaphore, #tpu.memory_space<semaphore_mem>>
      %dma_start3A_50 = arith.constant 0 : i32
      %dma_start3A_51 = arith.constant 0 : i32
      %dma_start3A_52 = arith.constant 0 : i32
      %dma_start3A_53 = tpu.memref_slice %arg6[%add3A, %dma_start3A_50, %dma_start3A_51, %dma_start3A_52] : memref<32x10x8x125xi32, #tpu.memory_space<hbm>> -> memref<1x10x8x125xi32, #tpu.memory_space<hbm>>
      %dma_start3A_54 = tpu.memref_squeeze %dma_start3A_53 : memref<1x10x8x125xi32, #tpu.memory_space<hbm>> -> memref<10x8x125xi32, #tpu.memory_space<hbm>>
      %dma_start3A_55 = arith.constant 0 : i32
      %dma_start3A_56 = arith.constant 0 : i32
      %dma_start3A_57 = arith.constant 0 : i32
      %dma_start3A_58 = tpu.memref_slice %arg6[%add3A, %dma_start3A_55, %dma_start3A_56, %dma_start3A_57] : memref<32x10x8x125xi32, #tpu.memory_space<hbm>> -> memref<1x10x8x125xi32, #tpu.memory_space<hbm>>
      %dma_start3A_59 = tpu.memref_squeeze %dma_start3A_58 : memref<1x10x8x125xi32, #tpu.memory_space<hbm>> -> memref<10x8x125xi32, #tpu.memory_space<hbm>>
      tpu.enqueue_dma source(%dma_start3A_59 : memref<10x8x125xi32, #tpu.memory_space<hbm>>) target(%arg11 : memref<10x8x125xi32, #tpu.memory_space<vmem>>) target_semaphore(%run_scoped3A : memref<!tpu.dma_semaphore, #tpu.memory_space<semaphore_mem>>)
      %dma_wait3A_60 = arith.constant 0 : i32
      %dma_wait3A_61 = arith.constant 0 : i32
      %dma_wait3A_62 = arith.constant 0 : i32
      %dma_wait3A_63 = tpu.memref_slice %arg6[%add3A, %dma_wait3A_60, %dma_wait3A_61, %dma_wait3A_62] : memref<32x10x8x125xi32, #tpu.memory_space<hbm>> -> memref<1x10x8x125xi32, #tpu.memory_space<hbm>>
      %dma_wait3A_64 = tpu.memref_squeeze %dma_wait3A_63 : memref<1x10x8x125xi32, #tpu.memory_space<hbm>> -> memref<10x8x125xi32, #tpu.memory_space<hbm>>
      %dma_wait3A_65 = arith.constant 0 : i32
      %dma_wait3A_66 = arith.constant 0 : i32
      %dma_wait3A_67 = arith.constant 0 : i32
      %dma_wait3A_68 = tpu.memref_slice %arg6[%add3A, %dma_wait3A_65, %dma_wait3A_66, %dma_wait3A_67] : memref<32x10x8x125xi32, #tpu.memory_space<hbm>> -> memref<1x10x8x125xi32, #tpu.memory_space<hbm>>
      %dma_wait3A_69 = tpu.memref_squeeze %dma_wait3A_68 : memref<1x10x8x125xi32, #tpu.memory_space<hbm>> -> memref<10x8x125xi32, #tpu.memory_space<hbm>>
      tpu.wait_dma2 semaphore(%run_scoped3A : memref<!tpu.dma_semaphore, #tpu.memory_space<semaphore_mem>>) src(%dma_wait3A_69 : memref<10x8x125xi32, #tpu.memory_space<hbm>>) dst(%arg11 : memref<10x8x125xi32, #tpu.memory_space<vmem>>)
      tpu.yield
    }) : () -> ()
    %scan3A_8 = arith.constant 0 : i32
    %scan3A_9 = arith.constant 0 : i32
    %scan3A_10 = arith.constant 125 : i32
    %scan3A_11 = arith.addi %scan3A_9, %scan3A_10 : i32
    %scan3A_12 = arith.constant 1 : i32
    scf.for %scan3A_50 = %scan3A_9 to %scan3A_11 step %scan3A_12  : i32 {
      %broadcast_in_dim3A = arith.constant 1.000000e+00 : f32
      %broadcast_in_dim3A_51 = vector.broadcast %broadcast_in_dim3A : f32 to vector<16xf32>
      %swap3A = arith.index_cast %scan3A_50 : i32 to index
      %swap3A_52 = arith.constant 0 : index
      %swap3A_53 = tpu.vector_load %arg14[%swap3A, %swap3A_52] {strides = array<i32>} : memref<125x16xf32, #tpu.memory_space<vmem>>, vector<1x16xf32>,
      %swap3A_54 = vector.shape_cast %swap3A_53 : vector<1x16xf32> to vector<16xf32>
      %swap3A_55 = vector.shape_cast %broadcast_in_dim3A_51 : vector<16xf32> to vector<1x16xf32>
      tpu.vector_store %arg14[%swap3A, %swap3A_52], %swap3A_55 {strides = array<i32>} : memref<125x16xf32, #tpu.memory_space<vmem>>, vector<1x16xf32>,
    }
    %scan3A_13 = arith.constant 125 : i32
    %barrier3A = arith.constant 0 : index
    tpu.barrier barrier_id(%barrier3A)
    %dma_start3A = arith.constant 0 : i32
    %dma_start3A_14 = arith.constant 0 : i32
    %dma_start3A_15 = tpu.memref_slice %arg10[%dma_start3A, %dma_start3A_14] : memref<10x1000xi32, #tpu.memory_space<vmem>> -> memref<1x1000xi32, #tpu.memory_space<vmem>>
    %dma_start3A_16 = tpu.memref_squeeze %dma_start3A_15 : memref<1x1000xi32, #tpu.memory_space<vmem>> -> memref<1000xi32, #tpu.memory_space<vmem>>
    %dma_start3A_17 = arith.constant 0 : i32
    %dma_start3A_18 = arith.constant 0 : i32
    %dma_start3A_19 = tpu.memref_slice %arg2[%dma_start3A_17, %dma_start3A_18] : memref<10000x32xf32, #tpu.memory_space<hbm>> -> memref<10000x32xf32, #tpu.memory_space<hbm>>
    tpu.enqueue_indirect_dma source(%dma_start3A_19 : memref<10000x32xf32, #tpu.memory_space<hbm>>) target(%arg12 : memref<1000x32xf32, #tpu.memory_space<vmem>>) offsets(%dma_start3A_16 : memref<1000xi32, #tpu.memory_space<vmem>>) semaphore(%arg17 : memref<!tpu.dma_semaphore, #tpu.memory_space<semaphore_mem>>)
    %scan3A_20 = arith.constant 0 : i32
    %scan3A_21 = arith.constant 0 : i32
    %scan3A_22 = arith.constant 5 : i32
    %scan3A_23 = arith.addi %scan3A_21, %scan3A_22 : i32
    %scan3A_24 = arith.constant 1 : i32
    scf.for %scan3A_50 = %scan3A_21 to %scan3A_23 step %scan3A_24  : i32 {
      %mul3A_51 = arith.constant 2 : i32
      %mul3A_52 = arith.muli %scan3A_50, %mul3A_51 : i32
      %dma_start3A_53 = arith.constant 0 : i32
      %dma_start3A_54 = arith.constant 0 : i32
      %dma_start3A_55 = tpu.memref_slice %arg11[%mul3A_52, %dma_start3A_53, %dma_start3A_54] : memref<10x8x125xi32, #tpu.memory_space<vmem>> -> memref<1x1x125xi32, #tpu.memory_space<vmem>>
      %dma_start3A_56 = tpu.memref_squeeze %dma_start3A_55 : memref<1x1x125xi32, #tpu.memory_space<vmem>> -> memref<125xi32, #tpu.memory_space<vmem>>
      %dma_start3A_57 = arith.constant 0 : i32
      %dma_start3A_58 = arith.constant 0 : i32
      %dma_start3A_59 = tpu.memref_slice %arg16[%dma_start3A_57, %dma_start3A_58] : memref<10000x16xf32, #tpu.memory_space<vmem_shared>> -> memref<10000x16xf32, #tpu.memory_space<vmem_shared>>
      tpu.enqueue_indirect_dma source(%arg14 : memref<125x16xf32, #tpu.memory_space<vmem>>) target(%dma_start3A_59 : memref<10000x16xf32, #tpu.memory_space<vmem_shared>>) offsets(%dma_start3A_56 : memref<125xi32, #tpu.memory_space<vmem>>) semaphore(%arg20 : memref<!tpu.dma_semaphore, #tpu.memory_space<semaphore_mem>>) {add = true}
      %dma_start3A_60 = arith.constant 1 : i32
      %dma_start3A_61 = arith.constant 0 : i32
      %dma_start3A_62 = tpu.memref_slice %arg11[%mul3A_52, %dma_start3A_60, %dma_start3A_61] : memref<10x8x125xi32, #tpu.memory_space<vmem>> -> memref<1x1x125xi32, #tpu.memory_space<vmem>>
      %dma_start3A_63 = tpu.memref_squeeze %dma_start3A_62 : memref<1x1x125xi32, #tpu.memory_space<vmem>> -> memref<125xi32, #tpu.memory_space<vmem>>
      %dma_start3A_64 = arith.constant 0 : i32
      %dma_start3A_65 = arith.constant 0 : i32
      %dma_start3A_66 = tpu.memref_slice %arg16[%dma_start3A_64, %dma_start3A_65] : memref<10000x16xf32, #tpu.memory_space<vmem_shared>> -> memref<10000x16xf32, #tpu.memory_space<vmem_shared>>
      tpu.enqueue_indirect_dma source(%arg14 : memref<125x16xf32, #tpu.memory_space<vmem>>) target(%dma_start3A_66 : memref<10000x16xf32, #tpu.memory_space<vmem_shared>>) offsets(%dma_start3A_63 : memref<125xi32, #tpu.memory_space<vmem>>) semaphore(%arg20 : memref<!tpu.dma_semaphore, #tpu.memory_space<semaphore_mem>>) {add = true}
      %dma_start3A_67 = arith.constant 2 : i32
      %dma_start3A_68 = arith.constant 0 : i32
      %dma_start3A_69 = tpu.memref_slice %arg11[%mul3A_52, %dma_start3A_67, %dma_start3A_68] : memref<10x8x125xi32, #tpu.memory_space<vmem>> -> memref<1x1x125xi32, #tpu.memory_space<vmem>>
      %dma_start3A_70 = tpu.memref_squeeze %dma_start3A_69 : memref<1x1x125xi32, #tpu.memory_space<vmem>> -> memref<125xi32, #tpu.memory_space<vmem>>
      %dma_start3A_71 = arith.constant 0 : i32
      %dma_start3A_72 = arith.constant 0 : i32
      %dma_start3A_73 = tpu.memref_slice %arg16[%dma_start3A_71, %dma_start3A_72] : memref<10000x16xf32, #tpu.memory_space<vmem_shared>> -> memref<10000x16xf32, #tpu.memory_space<vmem_shared>>
      tpu.enqueue_indirect_dma source(%arg14 : memref<125x16xf32, #tpu.memory_space<vmem>>) target(%dma_start3A_73 : memref<10000x16xf32, #tpu.memory_space<vmem_shared>>) offsets(%dma_start3A_70 : memref<125xi32, #tpu.memory_space<vmem>>) semaphore(%arg20 : memref<!tpu.dma_semaphore, #tpu.memory_space<semaphore_mem>>) {add = true}
      %dma_start3A_74 = arith.constant 3 : i32
      %dma_start3A_75 = arith.constant 0 : i32
      %dma_start3A_76 = tpu.memref_slice %arg11[%mul3A_52, %dma_start3A_74, %dma_start3A_75] : memref<10x8x125xi32, #tpu.memory_space<vmem>> -> memref<1x1x125xi32, #tpu.memory_space<vmem>>
      %dma_start3A_77 = tpu.memref_squeeze %dma_start3A_76 : memref<1x1x125xi32, #tpu.memory_space<vmem>> -> memref<125xi32, #tpu.memory_space<vmem>>
      %dma_start3A_78 = arith.constant 0 : i32
      %dma_start3A_79 = arith.constant 0 : i32
      %dma_start3A_80 = tpu.memref_slice %arg16[%dma_start3A_78, %dma_start3A_79] : memref<10000x16xf32, #tpu.memory_space<vmem_shared>> -> memref<10000x16xf32, #tpu.memory_space<vmem_shared>>
      tpu.enqueue_indirect_dma source(%arg14 : memref<125x16xf32, #tpu.memory_space<vmem>>) target(%dma_start3A_80 : memref<10000x16xf32, #tpu.memory_space<vmem_shared>>) offsets(%dma_start3A_77 : memref<125xi32, #tpu.memory_space<vmem>>) semaphore(%arg20 : memref<!tpu.dma_semaphore, #tpu.memory_space<semaphore_mem>>) {add = true}
      %dma_start3A_81 = arith.constant 4 : i32
      %dma_start3A_82 = arith.constant 0 : i32
      %dma_start3A_83 = tpu.memref_slice %arg11[%mul3A_52, %dma_start3A_81, %dma_start3A_82] : memref<10x8x125xi32, #tpu.memory_space<vmem>> -> memref<1x1x125xi32, #tpu.memory_space<vmem>>
      %dma_start3A_84 = tpu.memref_squeeze %dma_start3A_83 : memref<1x1x125xi32, #tpu.memory_space<vmem>> -> memref<125xi32, #tpu.memory_space<vmem>>
      %dma_start3A_85 = arith.constant 0 : i32
      %dma_start3A_86 = arith.constant 0 : i32
      %dma_start3A_87 = tpu.memref_slice %arg16[%dma_start3A_85, %dma_start3A_86] : memref<10000x16xf32, #tpu.memory_space<vmem_shared>> -> memref<10000x16xf32, #tpu.memory_space<vmem_shared>>
      tpu.enqueue_indirect_dma source(%arg14 : memref<125x16xf32, #tpu.memory_space<vmem>>) target(%dma_start3A_87 : memref<10000x16xf32, #tpu.memory_space<vmem_shared>>) offsets(%dma_start3A_84 : memref<125xi32, #tpu.memory_space<vmem>>) semaphore(%arg20 : memref<!tpu.dma_semaphore, #tpu.memory_space<semaphore_mem>>) {add = true}
      %dma_start3A_88 = arith.constant 5 : i32
      %dma_start3A_89 = arith.constant 0 : i32
      %dma_start3A_90 = tpu.memref_slice %arg11[%mul3A_52, %dma_start3A_88, %dma_start3A_89] : memref<10x8x125xi32, #tpu.memory_space<vmem>> -> memref<1x1x125xi32, #tpu.memory_space<vmem>>
      %dma_start3A_91 = tpu.memref_squeeze %dma_start3A_90 : memref<1x1x125xi32, #tpu.memory_space<vmem>> -> memref<125xi32, #tpu.memory_space<vmem>>
      %dma_start3A_92 = arith.constant 0 : i32
      %dma_start3A_93 = arith.constant 0 : i32
      %dma_start3A_94 = tpu.memref_slice %arg16[%dma_start3A_92, %dma_start3A_93] : memref<10000x16xf32, #tpu.memory_space<vmem_shared>> -> memref<10000x16xf32, #tpu.memory_space<vmem_shared>>
      tpu.enqueue_indirect_dma source(%arg14 : memref<125x16xf32, #tpu.memory_space<vmem>>) target(%dma_start3A_94 : memref<10000x16xf32, #tpu.memory_space<vmem_shared>>) offsets(%dma_start3A_91 : memref<125xi32, #tpu.memory_space<vmem>>) semaphore(%arg20 : memref<!tpu.dma_semaphore, #tpu.memory_space<semaphore_mem>>) {add = true}
      %dma_start3A_95 = arith.constant 6 : i32
      %dma_start3A_96 = arith.constant 0 : i32
      %dma_start3A_97 = tpu.memref_slice %arg11[%mul3A_52, %dma_start3A_95, %dma_start3A_96] : memref<10x8x125xi32, #tpu.memory_space<vmem>> -> memref<1x1x125xi32, #tpu.memory_space<vmem>>
      %dma_start3A_98 = tpu.memref_squeeze %dma_start3A_97 : memref<1x1x125xi32, #tpu.memory_space<vmem>> -> memref<125xi32, #tpu.memory_space<vmem>>
      %dma_start3A_99 = arith.constant 0 : i32
      %dma_start3A_100 = arith.constant 0 : i32
      %dma_start3A_101 = tpu.memref_slice %arg16[%dma_start3A_99, %dma_start3A_100] : memref<10000x16xf32, #tpu.memory_space<vmem_shared>> -> memref<10000x16xf32, #tpu.memory_space<vmem_shared>>
      tpu.enqueue_indirect_dma source(%arg14 : memref<125x16xf32, #tpu.memory_space<vmem>>) target(%dma_start3A_101 : memref<10000x16xf32, #tpu.memory_space<vmem_shared>>) offsets(%dma_start3A_98 : memref<125xi32, #tpu.memory_space<vmem>>) semaphore(%arg20 : memref<!tpu.dma_semaphore, #tpu.memory_space<semaphore_mem>>) {add = true}
      %dma_start3A_102 = arith.constant 7 : i32
      %dma_start3A_103 = arith.constant 0 : i32
      %dma_start3A_104 = tpu.memref_slice %arg11[%mul3A_52, %dma_start3A_102, %dma_start3A_103] : memref<10x8x125xi32, #tpu.memory_space<vmem>> -> memref<1x1x125xi32, #tpu.memory_space<vmem>>
      %dma_start3A_105 = tpu.memref_squeeze %dma_start3A_104 : memref<1x1x125xi32, #tpu.memory_space<vmem>> -> memref<125xi32, #tpu.memory_space<vmem>>
      %dma_start3A_106 = arith.constant 0 : i32
      %dma_start3A_107 = arith.constant 0 : i32
      %dma_start3A_108 = tpu.memref_slice %arg16[%dma_start3A_106, %dma_start3A_107] : memref<10000x16xf32, #tpu.memory_space<vmem_shared>> -> memref<10000x16xf32, #tpu.memory_space<vmem_shared>>
      tpu.enqueue_indirect_dma source(%arg14 : memref<125x16xf32, #tpu.memory_space<vmem>>) target(%dma_start3A_108 : memref<10000x16xf32, #tpu.memory_space<vmem_shared>>) offsets(%dma_start3A_105 : memref<125xi32, #tpu.memory_space<vmem>>) semaphore(%arg20 : memref<!tpu.dma_semaphore, #tpu.memory_space<semaphore_mem>>) {add = true}
      %gt3A = arith.constant 0 : i32
      %gt3A_109 = arith.cmpi sgt, %scan3A_50, %gt3A : i32
      %convert_element_type3A_110 = arith.extui %gt3A_109 : i1 to i32
      %cond3A_111 = arith.constant 0 : i32
      %cond3A_112 = arith.cmpi ne, %convert_element_type3A_110, %cond3A_111 : i32
      scf.if %cond3A_112 {
        %dma_wait3A_360 = arith.constant 0 : i32
        %dma_wait3A_361 = arith.constant 0 : i32
        %dma_wait3A_362 = arith.constant 0 : i32
        %dma_wait3A_363 = tpu.memref_slice %arg7[%add3A, %dma_wait3A_360, %dma_wait3A_361, %dma_wait3A_362] : memref<32x10x1000x32xf32, #tpu.memory_space<hbm>> -> memref<1x1x1000x32xf32, #tpu.memory_space<hbm>>
        %dma_wait3A_364 = tpu.memref_squeeze %dma_wait3A_363 : memref<1x1x1000x32xf32, #tpu.memory_space<hbm>> -> memref<1000x32xf32, #tpu.memory_space<hbm>>
        %dma_wait3A_365 = arith.constant 0 : i32
        %dma_wait3A_366 = arith.constant 0 : i32
        %dma_wait3A_367 = tpu.memref_slice %arg7[%add3A, %dma_wait3A_360, %dma_wait3A_365, %dma_wait3A_366] : memref<32x10x1000x32xf32, #tpu.memory_space<hbm>> -> memref<1x1x1000x32xf32, #tpu.memory_space<hbm>>
        %dma_wait3A_368 = tpu.memref_squeeze %dma_wait3A_367 : memref<1x1x1000x32xf32, #tpu.memory_space<hbm>> -> memref<1000x32xf32, #tpu.memory_space<hbm>>
        tpu.wait_dma2 semaphore(%arg22 : memref<!tpu.dma_semaphore, #tpu.memory_space<semaphore_mem>>) src(%arg13 : memref<1000x32xf32, #tpu.memory_space<vmem>>) dst(%dma_wait3A_368 : memref<1000x32xf32, #tpu.memory_space<hbm>>)
      } else {
      }
      %add3A_113 = arith.constant 1 : i32
      %add3A_114 = arith.addi %mul3A_52, %add3A_113 : i32
      %dma_start3A_115 = arith.constant 0 : i32
      %dma_start3A_116 = tpu.memref_slice %arg10[%add3A_114, %dma_start3A_115] : memref<10x1000xi32, #tpu.memory_space<vmem>> -> memref<1x1000xi32, #tpu.memory_space<vmem>>
      %dma_start3A_117 = tpu.memref_squeeze %dma_start3A_116 : memref<1x1000xi32, #tpu.memory_space<vmem>> -> memref<1000xi32, #tpu.memory_space<vmem>>
      %dma_start3A_118 = arith.constant 0 : i32
      %dma_start3A_119 = arith.constant 0 : i32
      %dma_start3A_120 = tpu.memref_slice %arg2[%dma_start3A_118, %dma_start3A_119] : memref<10000x32xf32, #tpu.memory_space<hbm>> -> memref<10000x32xf32, #tpu.memory_space<hbm>>
      tpu.enqueue_indirect_dma source(%dma_start3A_120 : memref<10000x32xf32, #tpu.memory_space<hbm>>) target(%arg13 : memref<1000x32xf32, #tpu.memory_space<vmem>>) offsets(%dma_start3A_117 : memref<1000xi32, #tpu.memory_space<vmem>>) semaphore(%arg18 : memref<!tpu.dma_semaphore, #tpu.memory_space<semaphore_mem>>)
      %dma_wait3A_121 = arith.constant 0 : i32
      %dma_wait3A_122 = tpu.memref_slice %arg10[%mul3A_52, %dma_wait3A_121] : memref<10x1000xi32, #tpu.memory_space<vmem>> -> memref<1x1000xi32, #tpu.memory_space<vmem>>
      %dma_wait3A_123 = tpu.memref_squeeze %dma_wait3A_122 : memref<1x1000xi32, #tpu.memory_space<vmem>> -> memref<1000xi32, #tpu.memory_space<vmem>>
      %dma_wait3A_124 = arith.constant 0 : i32
      %dma_wait3A_125 = arith.constant 0 : i32
      %dma_wait3A_126 = tpu.memref_slice %arg2[%dma_wait3A_124, %dma_wait3A_125] : memref<10000x32xf32, #tpu.memory_space<hbm>> -> memref<10000x32xf32, #tpu.memory_space<hbm>>
      tpu.wait_indirect_dma semaphore(%arg17 : memref<!tpu.dma_semaphore, #tpu.memory_space<semaphore_mem>>) src(%dma_wait3A_126 : memref<10000x32xf32, #tpu.memory_space<hbm>>) dst(%arg12 : memref<1000x32xf32, #tpu.memory_space<vmem>>)
      %dma_start3A_127 = arith.constant 0 : i32
      %dma_start3A_128 = tpu.memref_slice %arg9[%mul3A_52, %dma_start3A_127] : memref<10x1000xi32, #tpu.memory_space<vmem>> -> memref<1x1000xi32, #tpu.memory_space<vmem>>
      %dma_start3A_129 = tpu.memref_squeeze %dma_start3A_128 : memref<1x1000xi32, #tpu.memory_space<vmem>> -> memref<1000xi32, #tpu.memory_space<vmem>>
      %dma_start3A_130 = arith.constant 0 : i32
      %dma_start3A_131 = arith.constant 0 : i32
      %dma_start3A_132 = tpu.memref_slice %arg3[%dma_start3A_130, %dma_start3A_131] : memref<10000x32xf32, #tpu.memory_space<hbm>> -> memref<10000x32xf32, #tpu.memory_space<hbm>>
      tpu.enqueue_indirect_dma source(%dma_start3A_132 : memref<10000x32xf32, #tpu.memory_space<hbm>>) target(%arg12 : memref<1000x32xf32, #tpu.memory_space<vmem>>) offsets(%dma_start3A_129 : memref<1000xi32, #tpu.memory_space<vmem>>) semaphore(%arg19 : memref<!tpu.dma_semaphore, #tpu.memory_space<semaphore_mem>>) {add = true}
      %add3A_133 = arith.constant 1 : i32
      %add3A_134 = arith.addi %mul3A_52, %add3A_133 : i32
      %dma_start3A_135 = arith.constant 0 : i32
      %dma_start3A_136 = arith.constant 0 : i32
      %dma_start3A_137 = tpu.memref_slice %arg11[%add3A_134, %dma_start3A_135, %dma_start3A_136] : memref<10x8x125xi32, #tpu.memory_space<vmem>> -> memref<1x1x125xi32, #tpu.memory_space<vmem>>
      %dma_start3A_138 = tpu.memref_squeeze %dma_start3A_137 : memref<1x1x125xi32, #tpu.memory_space<vmem>> -> memref<125xi32, #tpu.memory_space<vmem>>
      %dma_start3A_139 = arith.constant 0 : i32
      %dma_start3A_140 = arith.constant 0 : i32
      %dma_start3A_141 = tpu.memref_slice %arg16[%dma_start3A_139, %dma_start3A_140] : memref<10000x16xf32, #tpu.memory_space<vmem_shared>> -> memref<10000x16xf32, #tpu.memory_space<vmem_shared>>
      tpu.enqueue_indirect_dma source(%arg14 : memref<125x16xf32, #tpu.memory_space<vmem>>) target(%dma_start3A_141 : memref<10000x16xf32, #tpu.memory_space<vmem_shared>>) offsets(%dma_start3A_138 : memref<125xi32, #tpu.memory_space<vmem>>) semaphore(%arg20 : memref<!tpu.dma_semaphore, #tpu.memory_space<semaphore_mem>>) {add = true}
      %dma_start3A_142 = arith.constant 1 : i32
      %dma_start3A_143 = arith.constant 0 : i32
      %dma_start3A_144 = tpu.memref_slice %arg11[%add3A_134, %dma_start3A_142, %dma_start3A_143] : memref<10x8x125xi32, #tpu.memory_space<vmem>> -> memref<1x1x125xi32, #tpu.memory_space<vmem>>
      %dma_start3A_145 = tpu.memref_squeeze %dma_start3A_144 : memref<1x1x125xi32, #tpu.memory_space<vmem>> -> memref<125xi32, #tpu.memory_space<vmem>>
      %dma_start3A_146 = arith.constant 0 : i32
      %dma_start3A_147 = arith.constant 0 : i32
      %dma_start3A_148 = tpu.memref_slice %arg16[%dma_start3A_146, %dma_start3A_147] : memref<10000x16xf32, #tpu.memory_space<vmem_shared>> -> memref<10000x16xf32, #tpu.memory_space<vmem_shared>>
      tpu.enqueue_indirect_dma source(%arg14 : memref<125x16xf32, #tpu.memory_space<vmem>>) target(%dma_start3A_148 : memref<10000x16xf32, #tpu.memory_space<vmem_shared>>) offsets(%dma_start3A_145 : memref<125xi32, #tpu.memory_space<vmem>>) semaphore(%arg20 : memref<!tpu.dma_semaphore, #tpu.memory_space<semaphore_mem>>) {add = true}
      %dma_start3A_149 = arith.constant 2 : i32
      %dma_start3A_150 = arith.constant 0 : i32
      %dma_start3A_151 = tpu.memref_slice %arg11[%add3A_134, %dma_start3A_149, %dma_start3A_150] : memref<10x8x125xi32, #tpu.memory_space<vmem>> -> memref<1x1x125xi32, #tpu.memory_space<vmem>>
      %dma_start3A_152 = tpu.memref_squeeze %dma_start3A_151 : memref<1x1x125xi32, #tpu.memory_space<vmem>> -> memref<125xi32, #tpu.memory_space<vmem>>
      %dma_start3A_153 = arith.constant 0 : i32
      %dma_start3A_154 = arith.constant 0 : i32
      %dma_start3A_155 = tpu.memref_slice %arg16[%dma_start3A_153, %dma_start3A_154] : memref<10000x16xf32, #tpu.memory_space<vmem_shared>> -> memref<10000x16xf32, #tpu.memory_space<vmem_shared>>
      tpu.enqueue_indirect_dma source(%arg14 : memref<125x16xf32, #tpu.memory_space<vmem>>) target(%dma_start3A_155 : memref<10000x16xf32, #tpu.memory_space<vmem_shared>>) offsets(%dma_start3A_152 : memref<125xi32, #tpu.memory_space<vmem>>) semaphore(%arg20 : memref<!tpu.dma_semaphore, #tpu.memory_space<semaphore_mem>>) {add = true}
      %dma_start3A_156 = arith.constant 3 : i32
      %dma_start3A_157 = arith.constant 0 : i32
      %dma_start3A_158 = tpu.memref_slice %arg11[%add3A_134, %dma_start3A_156, %dma_start3A_157] : memref<10x8x125xi32, #tpu.memory_space<vmem>> -> memref<1x1x125xi32, #tpu.memory_space<vmem>>
      %dma_start3A_159 = tpu.memref_squeeze %dma_start3A_158 : memref<1x1x125xi32, #tpu.memory_space<vmem>> -> memref<125xi32, #tpu.memory_space<vmem>>
      %dma_start3A_160 = arith.constant 0 : i32
      %dma_start3A_161 = arith.constant 0 : i32
      %dma_start3A_162 = tpu.memref_slice %arg16[%dma_start3A_160, %dma_start3A_161] : memref<10000x16xf32, #tpu.memory_space<vmem_shared>> -> memref<10000x16xf32, #tpu.memory_space<vmem_shared>>
      tpu.enqueue_indirect_dma source(%arg14 : memref<125x16xf32, #tpu.memory_space<vmem>>) target(%dma_start3A_162 : memref<10000x16xf32, #tpu.memory_space<vmem_shared>>) offsets(%dma_start3A_159 : memref<125xi32, #tpu.memory_space<vmem>>) semaphore(%arg20 : memref<!tpu.dma_semaphore, #tpu.memory_space<semaphore_mem>>) {add = true}
      %dma_start3A_163 = arith.constant 4 : i32
      %dma_start3A_164 = arith.constant 0 : i32
      %dma_start3A_165 = tpu.memref_slice %arg11[%add3A_134, %dma_start3A_163, %dma_start3A_164] : memref<10x8x125xi32, #tpu.memory_space<vmem>> -> memref<1x1x125xi32, #tpu.memory_space<vmem>>
      %dma_start3A_166 = tpu.memref_squeeze %dma_start3A_165 : memref<1x1x125xi32, #tpu.memory_space<vmem>> -> memref<125xi32, #tpu.memory_space<vmem>>
      %dma_start3A_167 = arith.constant 0 : i32
      %dma_start3A_168 = arith.constant 0 : i32
      %dma_start3A_169 = tpu.memref_slice %arg16[%dma_start3A_167, %dma_start3A_168] : memref<10000x16xf32, #tpu.memory_space<vmem_shared>> -> memref<10000x16xf32, #tpu.memory_space<vmem_shared>>
      tpu.enqueue_indirect_dma source(%arg14 : memref<125x16xf32, #tpu.memory_space<vmem>>) target(%dma_start3A_169 : memref<10000x16xf32, #tpu.memory_space<vmem_shared>>) offsets(%dma_start3A_166 : memref<125xi32, #tpu.memory_space<vmem>>) semaphore(%arg20 : memref<!tpu.dma_semaphore, #tpu.memory_space<semaphore_mem>>) {add = true}
      %dma_start3A_170 = arith.constant 5 : i32
      %dma_start3A_171 = arith.constant 0 : i32
      %dma_start3A_172 = tpu.memref_slice %arg11[%add3A_134, %dma_start3A_170, %dma_start3A_171] : memref<10x8x125xi32, #tpu.memory_space<vmem>> -> memref<1x1x125xi32, #tpu.memory_space<vmem>>
      %dma_start3A_173 = tpu.memref_squeeze %dma_start3A_172 : memref<1x1x125xi32, #tpu.memory_space<vmem>> -> memref<125xi32, #tpu.memory_space<vmem>>
      %dma_start3A_174 = arith.constant 0 : i32
      %dma_start3A_175 = arith.constant 0 : i32
      %dma_start3A_176 = tpu.memref_slice %arg16[%dma_start3A_174, %dma_start3A_175] : memref<10000x16xf32, #tpu.memory_space<vmem_shared>> -> memref<10000x16xf32, #tpu.memory_space<vmem_shared>>
      tpu.enqueue_indirect_dma source(%arg14 : memref<125x16xf32, #tpu.memory_space<vmem>>) target(%dma_start3A_176 : memref<10000x16xf32, #tpu.memory_space<vmem_shared>>) offsets(%dma_start3A_173 : memref<125xi32, #tpu.memory_space<vmem>>) semaphore(%arg20 : memref<!tpu.dma_semaphore, #tpu.memory_space<semaphore_mem>>) {add = true}
      %dma_start3A_177 = arith.constant 6 : i32
      %dma_start3A_178 = arith.constant 0 : i32
      %dma_start3A_179 = tpu.memref_slice %arg11[%add3A_134, %dma_start3A_177, %dma_start3A_178] : memref<10x8x125xi32, #tpu.memory_space<vmem>> -> memref<1x1x125xi32, #tpu.memory_space<vmem>>
      %dma_start3A_180 = tpu.memref_squeeze %dma_start3A_179 : memref<1x1x125xi32, #tpu.memory_space<vmem>> -> memref<125xi32, #tpu.memory_space<vmem>>
      %dma_start3A_181 = arith.constant 0 : i32
      %dma_start3A_182 = arith.constant 0 : i32
      %dma_start3A_183 = tpu.memref_slice %arg16[%dma_start3A_181, %dma_start3A_182] : memref<10000x16xf32, #tpu.memory_space<vmem_shared>> -> memref<10000x16xf32, #tpu.memory_space<vmem_shared>>
      tpu.enqueue_indirect_dma source(%arg14 : memref<125x16xf32, #tpu.memory_space<vmem>>) target(%dma_start3A_183 : memref<10000x16xf32, #tpu.memory_space<vmem_shared>>) offsets(%dma_start3A_180 : memref<125xi32, #tpu.memory_space<vmem>>) semaphore(%arg20 : memref<!tpu.dma_semaphore, #tpu.memory_space<semaphore_mem>>) {add = true}
      %dma_start3A_184 = arith.constant 7 : i32
      %dma_start3A_185 = arith.constant 0 : i32
      %dma_start3A_186 = tpu.memref_slice %arg11[%add3A_134, %dma_start3A_184, %dma_start3A_185] : memref<10x8x125xi32, #tpu.memory_space<vmem>> -> memref<1x1x125xi32, #tpu.memory_space<vmem>>
      %dma_start3A_187 = tpu.memref_squeeze %dma_start3A_186 : memref<1x1x125xi32, #tpu.memory_space<vmem>> -> memref<125xi32, #tpu.memory_space<vmem>>
      %dma_start3A_188 = arith.constant 0 : i32
      %dma_start3A_189 = arith.constant 0 : i32
      %dma_start3A_190 = tpu.memref_slice %arg16[%dma_start3A_188, %dma_start3A_189] : memref<10000x16xf32, #tpu.memory_space<vmem_shared>> -> memref<10000x16xf32, #tpu.memory_space<vmem_shared>>
      tpu.enqueue_indirect_dma source(%arg14 : memref<125x16xf32, #tpu.memory_space<vmem>>) target(%dma_start3A_190 : memref<10000x16xf32, #tpu.memory_space<vmem_shared>>) offsets(%dma_start3A_187 : memref<125xi32, #tpu.memory_space<vmem>>) semaphore(%arg20 : memref<!tpu.dma_semaphore, #tpu.memory_space<semaphore_mem>>) {add = true}
      %dma_wait3A_191 = arith.constant 0 : i32
      %dma_wait3A_192 = tpu.memref_slice %arg9[%mul3A_52, %dma_wait3A_191] : memref<10x1000xi32, #tpu.memory_space<vmem>> -> memref<1x1000xi32, #tpu.memory_space<vmem>>
      %dma_wait3A_193 = tpu.memref_squeeze %dma_wait3A_192 : memref<1x1000xi32, #tpu.memory_space<vmem>> -> memref<1000xi32, #tpu.memory_space<vmem>>
      %dma_wait3A_194 = arith.constant 0 : i32
      %dma_wait3A_195 = arith.constant 0 : i32
      %dma_wait3A_196 = tpu.memref_slice %arg3[%dma_wait3A_194, %dma_wait3A_195] : memref<10000x32xf32, #tpu.memory_space<hbm>> -> memref<10000x32xf32, #tpu.memory_space<hbm>>
      tpu.wait_indirect_dma semaphore(%arg19 : memref<!tpu.dma_semaphore, #tpu.memory_space<semaphore_mem>>) src(%dma_wait3A_196 : memref<10000x32xf32, #tpu.memory_space<hbm>>) dst(%arg12 : memref<1000x32xf32, #tpu.memory_space<vmem>>)
      %dma_start3A_197 = arith.constant 0 : i32
      %dma_start3A_198 = arith.constant 0 : i32
      %dma_start3A_199 = tpu.memref_slice %arg7[%add3A, %mul3A_52, %dma_start3A_197, %dma_start3A_198] : memref<32x10x1000x32xf32, #tpu.memory_space<hbm>> -> memref<1x1x1000x32xf32, #tpu.memory_space<hbm>>
      %dma_start3A_200 = tpu.memref_squeeze %dma_start3A_199 : memref<1x1x1000x32xf32, #tpu.memory_space<hbm>> -> memref<1000x32xf32, #tpu.memory_space<hbm>>
      %dma_start3A_201 = arith.constant 0 : i32
      %dma_start3A_202 = arith.constant 0 : i32
      %dma_start3A_203 = tpu.memref_slice %arg7[%add3A, %mul3A_52, %dma_start3A_201, %dma_start3A_202] : memref<32x10x1000x32xf32, #tpu.memory_space<hbm>> -> memref<1x1x1000x32xf32, #tpu.memory_space<hbm>>
      %dma_start3A_204 = tpu.memref_squeeze %dma_start3A_203 : memref<1x1x1000x32xf32, #tpu.memory_space<hbm>> -> memref<1000x32xf32, #tpu.memory_space<hbm>>
      tpu.enqueue_dma source(%arg12 : memref<1000x32xf32, #tpu.memory_space<vmem>>) target(%dma_start3A_204 : memref<1000x32xf32, #tpu.memory_space<hbm>>) target_semaphore(%arg21 : memref<!tpu.dma_semaphore, #tpu.memory_space<semaphore_mem>>)
      %add3A_205 = arith.constant 1 : i32
      %add3A_206 = arith.addi %mul3A_52, %add3A_205 : i32
      %dma_wait3A_207 = arith.constant 0 : i32
      %dma_wait3A_208 = tpu.memref_slice %arg10[%add3A_206, %dma_wait3A_207] : memref<10x1000xi32, #tpu.memory_space<vmem>> -> memref<1x1000xi32, #tpu.memory_space<vmem>>
      %dma_wait3A_209 = tpu.memref_squeeze %dma_wait3A_208 : memref<1x1000xi32, #tpu.memory_space<vmem>> -> memref<1000xi32, #tpu.memory_space<vmem>>
      %dma_wait3A_210 = arith.constant 0 : i32
      %dma_wait3A_211 = arith.constant 0 : i32
      %dma_wait3A_212 = tpu.memref_slice %arg2[%dma_wait3A_210, %dma_wait3A_211] : memref<10000x32xf32, #tpu.memory_space<hbm>> -> memref<10000x32xf32, #tpu.memory_space<hbm>>
      tpu.wait_indirect_dma semaphore(%arg18 : memref<!tpu.dma_semaphore, #tpu.memory_space<semaphore_mem>>) src(%dma_wait3A_212 : memref<10000x32xf32, #tpu.memory_space<hbm>>) dst(%arg13 : memref<1000x32xf32, #tpu.memory_space<vmem>>)
      %add3A_213 = arith.constant 1 : i32
      %add3A_214 = arith.addi %mul3A_52, %add3A_213 : i32
      %dma_start3A_215 = arith.constant 0 : i32
      %dma_start3A_216 = tpu.memref_slice %arg9[%add3A_214, %dma_start3A_215] : memref<10x1000xi32, #tpu.memory_space<vmem>> -> memref<1x1000xi32, #tpu.memory_space<vmem>>
      %dma_start3A_217 = tpu.memref_squeeze %dma_start3A_216 : memref<1x1000xi32, #tpu.memory_space<vmem>> -> memref<1000xi32, #tpu.memory_space<vmem>>
      %dma_start3A_218 = arith.constant 0 : i32
      %dma_start3A_219 = arith.constant 0 : i32
      %dma_start3A_220 = tpu.memref_slice %arg3[%dma_start3A_218, %dma_start3A_219] : memref<10000x32xf32, #tpu.memory_space<hbm>> -> memref<10000x32xf32, #tpu.memory_space<hbm>>
      tpu.enqueue_indirect_dma source(%dma_start3A_220 : memref<10000x32xf32, #tpu.memory_space<hbm>>) target(%arg13 : memref<1000x32xf32, #tpu.memory_space<vmem>>) offsets(%dma_start3A_217 : memref<1000xi32, #tpu.memory_space<vmem>>) semaphore(%arg19 : memref<!tpu.dma_semaphore, #tpu.memory_space<semaphore_mem>>) {add = true}
      %add3A_221 = arith.constant 1 : i32
      %add3A_222 = arith.addi %scan3A_50, %add3A_221 : i32
      %lt3A_223 = arith.constant 5 : i32
      %lt3A_224 = arith.cmpi slt, %add3A_222, %lt3A_223 : i32
      %convert_element_type3A_225 = arith.extui %lt3A_224 : i1 to i32
      %cond3A_226 = arith.constant 0 : i32
      %cond3A_227 = arith.cmpi ne, %convert_element_type3A_225, %cond3A_226 : i32
      scf.if %cond3A_227 {
        %dma_wait3A_360 = arith.constant 0 : i32
        %dma_wait3A_361 = arith.constant 0 : i32
        %dma_wait3A_362 = arith.constant 0 : i32
        %dma_wait3A_363 = tpu.memref_slice %arg7[%add3A, %dma_wait3A_360, %dma_wait3A_361, %dma_wait3A_362] : memref<32x10x1000x32xf32, #tpu.memory_space<hbm>> -> memref<1x1x1000x32xf32, #tpu.memory_space<hbm>>
        %dma_wait3A_364 = tpu.memref_squeeze %dma_wait3A_363 : memref<1x1x1000x32xf32, #tpu.memory_space<hbm>> -> memref<1000x32xf32, #tpu.memory_space<hbm>>
        %dma_wait3A_365 = arith.constant 0 : i32
        %dma_wait3A_366 = arith.constant 0 : i32
        %dma_wait3A_367 = tpu.memref_slice %arg7[%add3A, %dma_wait3A_360, %dma_wait3A_365, %dma_wait3A_366] : memref<32x10x1000x32xf32, #tpu.memory_space<hbm>> -> memref<1x1x1000x32xf32, #tpu.memory_space<hbm>>
        %dma_wait3A_368 = tpu.memref_squeeze %dma_wait3A_367 : memref<1x1x1000x32xf32, #tpu.memory_space<hbm>> -> memref<1000x32xf32, #tpu.memory_space<hbm>>
        tpu.wait_dma2 semaphore(%arg21 : memref<!tpu.dma_semaphore, #tpu.memory_space<semaphore_mem>>) src(%arg12 : memref<1000x32xf32, #tpu.memory_space<vmem>>) dst(%dma_wait3A_368 : memref<1000x32xf32, #tpu.memory_space<hbm>>)
        %add3A_369 = arith.constant 2 : i32
        %add3A_370 = arith.addi %mul3A_52, %add3A_369 : i32
        %dma_start3A_371 = arith.constant 0 : i32
        %dma_start3A_372 = tpu.memref_slice %arg10[%add3A_370, %dma_start3A_371] : memref<10x1000xi32, #tpu.memory_space<vmem>> -> memref<1x1000xi32, #tpu.memory_space<vmem>>
        %dma_start3A_373 = tpu.memref_squeeze %dma_start3A_372 : memref<1x1000xi32, #tpu.memory_space<vmem>> -> memref<1000xi32, #tpu.memory_space<vmem>>
        %dma_start3A_374 = arith.constant 0 : i32
        %dma_start3A_375 = arith.constant 0 : i32
        %dma_start3A_376 = tpu.memref_slice %arg2[%dma_start3A_374, %dma_start3A_375] : memref<10000x32xf32, #tpu.memory_space<hbm>> -> memref<10000x32xf32, #tpu.memory_space<hbm>>
        tpu.enqueue_indirect_dma source(%dma_start3A_376 : memref<10000x32xf32, #tpu.memory_space<hbm>>) target(%arg12 : memref<1000x32xf32, #tpu.memory_space<vmem>>) offsets(%dma_start3A_373 : memref<1000xi32, #tpu.memory_space<vmem>>) semaphore(%arg17 : memref<!tpu.dma_semaphore, #tpu.memory_space<semaphore_mem>>)
      } else {
      }
      %add3A_228 = arith.constant 1 : i32
      %add3A_229 = arith.addi %mul3A_52, %add3A_228 : i32
      %dma_wait3A_230 = arith.constant 0 : i32
      %dma_wait3A_231 = tpu.memref_slice %arg9[%add3A_229, %dma_wait3A_230] : memref<10x1000xi32, #tpu.memory_space<vmem>> -> memref<1x1000xi32, #tpu.memory_space<vmem>>
      %dma_wait3A_232 = tpu.memref_squeeze %dma_wait3A_231 : memref<1x1000xi32, #tpu.memory_space<vmem>> -> memref<1000xi32, #tpu.memory_space<vmem>>
      %dma_wait3A_233 = arith.constant 0 : i32
      %dma_wait3A_234 = arith.constant 0 : i32
      %dma_wait3A_235 = tpu.memref_slice %arg3[%dma_wait3A_233, %dma_wait3A_234] : memref<10000x32xf32, #tpu.memory_space<hbm>> -> memref<10000x32xf32, #tpu.memory_space<hbm>>
      tpu.wait_indirect_dma semaphore(%arg19 : memref<!tpu.dma_semaphore, #tpu.memory_space<semaphore_mem>>) src(%dma_wait3A_235 : memref<10000x32xf32, #tpu.memory_space<hbm>>) dst(%arg13 : memref<1000x32xf32, #tpu.memory_space<vmem>>)
      %add3A_236 = arith.constant 1 : i32
      %add3A_237 = arith.addi %mul3A_52, %add3A_236 : i32
      %dma_start3A_238 = arith.constant 0 : i32
      %dma_start3A_239 = arith.constant 0 : i32
      %dma_start3A_240 = tpu.memref_slice %arg7[%add3A, %add3A_237, %dma_start3A_238, %dma_start3A_239] : memref<32x10x1000x32xf32, #tpu.memory_space<hbm>> -> memref<1x1x1000x32xf32, #tpu.memory_space<hbm>>
      %dma_start3A_241 = tpu.memref_squeeze %dma_start3A_240 : memref<1x1x1000x32xf32, #tpu.memory_space<hbm>> -> memref<1000x32xf32, #tpu.memory_space<hbm>>
      %dma_start3A_242 = arith.constant 0 : i32
      %dma_start3A_243 = arith.constant 0 : i32
      %dma_start3A_244 = tpu.memref_slice %arg7[%add3A, %add3A_237, %dma_start3A_242, %dma_start3A_243] : memref<32x10x1000x32xf32, #tpu.memory_space<hbm>> -> memref<1x1x1000x32xf32, #tpu.memory_space<hbm>>
      %dma_start3A_245 = tpu.memref_squeeze %dma_start3A_244 : memref<1x1x1000x32xf32, #tpu.memory_space<hbm>> -> memref<1000x32xf32, #tpu.memory_space<hbm>>
      tpu.enqueue_dma source(%arg13 : memref<1000x32xf32, #tpu.memory_space<vmem>>) target(%dma_start3A_245 : memref<1000x32xf32, #tpu.memory_space<hbm>>) target_semaphore(%arg22 : memref<!tpu.dma_semaphore, #tpu.memory_space<semaphore_mem>>)
      %dma_wait3A_246 = arith.constant 0 : i32
      %dma_wait3A_247 = arith.constant 0 : i32
      %dma_wait3A_248 = tpu.memref_slice %arg11[%mul3A_52, %dma_wait3A_246, %dma_wait3A_247] : memref<10x8x125xi32, #tpu.memory_space<vmem>> -> memref<1x1x125xi32, #tpu.memory_space<vmem>>
      %dma_wait3A_249 = tpu.memref_squeeze %dma_wait3A_248 : memref<1x1x125xi32, #tpu.memory_space<vmem>> -> memref<125xi32, #tpu.memory_space<vmem>>
      %dma_wait3A_250 = arith.constant 0 : i32
      %dma_wait3A_251 = arith.constant 0 : i32
      %dma_wait3A_252 = tpu.memref_slice %arg16[%dma_wait3A_250, %dma_wait3A_251] : memref<10000x16xf32, #tpu.memory_space<vmem_shared>> -> memref<10000x16xf32, #tpu.memory_space<vmem_shared>>
      tpu.wait_indirect_dma semaphore(%arg20 : memref<!tpu.dma_semaphore, #tpu.memory_space<semaphore_mem>>) src(%arg14 : memref<125x16xf32, #tpu.memory_space<vmem>>) dst(%dma_wait3A_252 : memref<10000x16xf32, #tpu.memory_space<vmem_shared>>)
      %dma_wait3A_253 = arith.constant 1 : i32
      %dma_wait3A_254 = arith.constant 0 : i32
      %dma_wait3A_255 = tpu.memref_slice %arg11[%mul3A_52, %dma_wait3A_253, %dma_wait3A_254] : memref<10x8x125xi32, #tpu.memory_space<vmem>> -> memref<1x1x125xi32, #tpu.memory_space<vmem>>
      %dma_wait3A_256 = tpu.memref_squeeze %dma_wait3A_255 : memref<1x1x125xi32, #tpu.memory_space<vmem>> -> memref<125xi32, #tpu.memory_space<vmem>>
      %dma_wait3A_257 = arith.constant 0 : i32
      %dma_wait3A_258 = arith.constant 0 : i32
      %dma_wait3A_259 = tpu.memref_slice %arg16[%dma_wait3A_257, %dma_wait3A_258] : memref<10000x16xf32, #tpu.memory_space<vmem_shared>> -> memref<10000x16xf32, #tpu.memory_space<vmem_shared>>
      tpu.wait_indirect_dma semaphore(%arg20 : memref<!tpu.dma_semaphore, #tpu.memory_space<semaphore_mem>>) src(%arg14 : memref<125x16xf32, #tpu.memory_space<vmem>>) dst(%dma_wait3A_259 : memref<10000x16xf32, #tpu.memory_space<vmem_shared>>)
      %dma_wait3A_260 = arith.constant 2 : i32
      %dma_wait3A_261 = arith.constant 0 : i32
      %dma_wait3A_262 = tpu.memref_slice %arg11[%mul3A_52, %dma_wait3A_260, %dma_wait3A_261] : memref<10x8x125xi32, #tpu.memory_space<vmem>> -> memref<1x1x125xi32, #tpu.memory_space<vmem>>
      %dma_wait3A_263 = tpu.memref_squeeze %dma_wait3A_262 : memref<1x1x125xi32, #tpu.memory_space<vmem>> -> memref<125xi32, #tpu.memory_space<vmem>>
      %dma_wait3A_264 = arith.constant 0 : i32
      %dma_wait3A_265 = arith.constant 0 : i32
      %dma_wait3A_266 = tpu.memref_slice %arg16[%dma_wait3A_264, %dma_wait3A_265] : memref<10000x16xf32, #tpu.memory_space<vmem_shared>> -> memref<10000x16xf32, #tpu.memory_space<vmem_shared>>
      tpu.wait_indirect_dma semaphore(%arg20 : memref<!tpu.dma_semaphore, #tpu.memory_space<semaphore_mem>>) src(%arg14 : memref<125x16xf32, #tpu.memory_space<vmem>>) dst(%dma_wait3A_266 : memref<10000x16xf32, #tpu.memory_space<vmem_shared>>)
      %dma_wait3A_267 = arith.constant 3 : i32
      %dma_wait3A_268 = arith.constant 0 : i32
      %dma_wait3A_269 = tpu.memref_slice %arg11[%mul3A_52, %dma_wait3A_267, %dma_wait3A_268] : memref<10x8x125xi32, #tpu.memory_space<vmem>> -> memref<1x1x125xi32, #tpu.memory_space<vmem>>
      %dma_wait3A_270 = tpu.memref_squeeze %dma_wait3A_269 : memref<1x1x125xi32, #tpu.memory_space<vmem>> -> memref<125xi32, #tpu.memory_space<vmem>>
      %dma_wait3A_271 = arith.constant 0 : i32
      %dma_wait3A_272 = arith.constant 0 : i32
      %dma_wait3A_273 = tpu.memref_slice %arg16[%dma_wait3A_271, %dma_wait3A_272] : memref<10000x16xf32, #tpu.memory_space<vmem_shared>> -> memref<10000x16xf32, #tpu.memory_space<vmem_shared>>
      tpu.wait_indirect_dma semaphore(%arg20 : memref<!tpu.dma_semaphore, #tpu.memory_space<semaphore_mem>>) src(%arg14 : memref<125x16xf32, #tpu.memory_space<vmem>>) dst(%dma_wait3A_273 : memref<10000x16xf32, #tpu.memory_space<vmem_shared>>)
      %dma_wait3A_274 = arith.constant 4 : i32
      %dma_wait3A_275 = arith.constant 0 : i32
      %dma_wait3A_276 = tpu.memref_slice %arg11[%mul3A_52, %dma_wait3A_274, %dma_wait3A_275] : memref<10x8x125xi32, #tpu.memory_space<vmem>> -> memref<1x1x125xi32, #tpu.memory_space<vmem>>
      %dma_wait3A_277 = tpu.memref_squeeze %dma_wait3A_276 : memref<1x1x125xi32, #tpu.memory_space<vmem>> -> memref<125xi32, #tpu.memory_space<vmem>>
      %dma_wait3A_278 = arith.constant 0 : i32
      %dma_wait3A_279 = arith.constant 0 : i32
      %dma_wait3A_280 = tpu.memref_slice %arg16[%dma_wait3A_278, %dma_wait3A_279] : memref<10000x16xf32, #tpu.memory_space<vmem_shared>> -> memref<10000x16xf32, #tpu.memory_space<vmem_shared>>
      tpu.wait_indirect_dma semaphore(%arg20 : memref<!tpu.dma_semaphore, #tpu.memory_space<semaphore_mem>>) src(%arg14 : memref<125x16xf32, #tpu.memory_space<vmem>>) dst(%dma_wait3A_280 : memref<10000x16xf32, #tpu.memory_space<vmem_shared>>)
      %dma_wait3A_281 = arith.constant 5 : i32
      %dma_wait3A_282 = arith.constant 0 : i32
      %dma_wait3A_283 = tpu.memref_slice %arg11[%mul3A_52, %dma_wait3A_281, %dma_wait3A_282] : memref<10x8x125xi32, #tpu.memory_space<vmem>> -> memref<1x1x125xi32, #tpu.memory_space<vmem>>
      %dma_wait3A_284 = tpu.memref_squeeze %dma_wait3A_283 : memref<1x1x125xi32, #tpu.memory_space<vmem>> -> memref<125xi32, #tpu.memory_space<vmem>>
      %dma_wait3A_285 = arith.constant 0 : i32
      %dma_wait3A_286 = arith.constant 0 : i32
      %dma_wait3A_287 = tpu.memref_slice %arg16[%dma_wait3A_285, %dma_wait3A_286] : memref<10000x16xf32, #tpu.memory_space<vmem_shared>> -> memref<10000x16xf32, #tpu.memory_space<vmem_shared>>
      tpu.wait_indirect_dma semaphore(%arg20 : memref<!tpu.dma_semaphore, #tpu.memory_space<semaphore_mem>>) src(%arg14 : memref<125x16xf32, #tpu.memory_space<vmem>>) dst(%dma_wait3A_287 : memref<10000x16xf32, #tpu.memory_space<vmem_shared>>)
      %dma_wait3A_288 = arith.constant 6 : i32
      %dma_wait3A_289 = arith.constant 0 : i32
      %dma_wait3A_290 = tpu.memref_slice %arg11[%mul3A_52, %dma_wait3A_288, %dma_wait3A_289] : memref<10x8x125xi32, #tpu.memory_space<vmem>> -> memref<1x1x125xi32, #tpu.memory_space<vmem>>
      %dma_wait3A_291 = tpu.memref_squeeze %dma_wait3A_290 : memref<1x1x125xi32, #tpu.memory_space<vmem>> -> memref<125xi32, #tpu.memory_space<vmem>>
      %dma_wait3A_292 = arith.constant 0 : i32
      %dma_wait3A_293 = arith.constant 0 : i32
      %dma_wait3A_294 = tpu.memref_slice %arg16[%dma_wait3A_292, %dma_wait3A_293] : memref<10000x16xf32, #tpu.memory_space<vmem_shared>> -> memref<10000x16xf32, #tpu.memory_space<vmem_shared>>
      tpu.wait_indirect_dma semaphore(%arg20 : memref<!tpu.dma_semaphore, #tpu.memory_space<semaphore_mem>>) src(%arg14 : memref<125x16xf32, #tpu.memory_space<vmem>>) dst(%dma_wait3A_294 : memref<10000x16xf32, #tpu.memory_space<vmem_shared>>)
      %dma_wait3A_295 = arith.constant 7 : i32
      %dma_wait3A_296 = arith.constant 0 : i32
      %dma_wait3A_297 = tpu.memref_slice %arg11[%mul3A_52, %dma_wait3A_295, %dma_wait3A_296] : memref<10x8x125xi32, #tpu.memory_space<vmem>> -> memref<1x1x125xi32, #tpu.memory_space<vmem>>
      %dma_wait3A_298 = tpu.memref_squeeze %dma_wait3A_297 : memref<1x1x125xi32, #tpu.memory_space<vmem>> -> memref<125xi32, #tpu.memory_space<vmem>>
      %dma_wait3A_299 = arith.constant 0 : i32
      %dma_wait3A_300 = arith.constant 0 : i32
      %dma_wait3A_301 = tpu.memref_slice %arg16[%dma_wait3A_299, %dma_wait3A_300] : memref<10000x16xf32, #tpu.memory_space<vmem_shared>> -> memref<10000x16xf32, #tpu.memory_space<vmem_shared>>
      tpu.wait_indirect_dma semaphore(%arg20 : memref<!tpu.dma_semaphore, #tpu.memory_space<semaphore_mem>>) src(%arg14 : memref<125x16xf32, #tpu.memory_space<vmem>>) dst(%dma_wait3A_301 : memref<10000x16xf32, #tpu.memory_space<vmem_shared>>)
      %add3A_302 = arith.constant 1 : i32
      %add3A_303 = arith.addi %mul3A_52, %add3A_302 : i32
      %dma_wait3A_304 = arith.constant 0 : i32
      %dma_wait3A_305 = arith.constant 0 : i32
      %dma_wait3A_306 = tpu.memref_slice %arg11[%add3A_303, %dma_wait3A_304, %dma_wait3A_305] : memref<10x8x125xi32, #tpu.memory_space<vmem>> -> memref<1x1x125xi32, #tpu.memory_space<vmem>>
      %dma_wait3A_307 = tpu.memref_squeeze %dma_wait3A_306 : memref<1x1x125xi32, #tpu.memory_space<vmem>> -> memref<125xi32, #tpu.memory_space<vmem>>
      %dma_wait3A_308 = arith.constant 0 : i32
      %dma_wait3A_309 = arith.constant 0 : i32
      %dma_wait3A_310 = tpu.memref_slice %arg16[%dma_wait3A_308, %dma_wait3A_309] : memref<10000x16xf32, #tpu.memory_space<vmem_shared>> -> memref<10000x16xf32, #tpu.memory_space<vmem_shared>>
      tpu.wait_indirect_dma semaphore(%arg20 : memref<!tpu.dma_semaphore, #tpu.memory_space<semaphore_mem>>) src(%arg14 : memref<125x16xf32, #tpu.memory_space<vmem>>) dst(%dma_wait3A_310 : memref<10000x16xf32, #tpu.memory_space<vmem_shared>>)
      %dma_wait3A_311 = arith.constant 1 : i32
      %dma_wait3A_312 = arith.constant 0 : i32
      %dma_wait3A_313 = tpu.memref_slice %arg11[%add3A_303, %dma_wait3A_311, %dma_wait3A_312] : memref<10x8x125xi32, #tpu.memory_space<vmem>> -> memref<1x1x125xi32, #tpu.memory_space<vmem>>
      %dma_wait3A_314 = tpu.memref_squeeze %dma_wait3A_313 : memref<1x1x125xi32, #tpu.memory_space<vmem>> -> memref<125xi32, #tpu.memory_space<vmem>>
      %dma_wait3A_315 = arith.constant 0 : i32
      %dma_wait3A_316 = arith.constant 0 : i32
      %dma_wait3A_317 = tpu.memref_slice %arg16[%dma_wait3A_315, %dma_wait3A_316] : memref<10000x16xf32, #tpu.memory_space<vmem_shared>> -> memref<10000x16xf32, #tpu.memory_space<vmem_shared>>
      tpu.wait_indirect_dma semaphore(%arg20 : memref<!tpu.dma_semaphore, #tpu.memory_space<semaphore_mem>>) src(%arg14 : memref<125x16xf32, #tpu.memory_space<vmem>>) dst(%dma_wait3A_317 : memref<10000x16xf32, #tpu.memory_space<vmem_shared>>)
      %dma_wait3A_318 = arith.constant 2 : i32
      %dma_wait3A_319 = arith.constant 0 : i32
      %dma_wait3A_320 = tpu.memref_slice %arg11[%add3A_303, %dma_wait3A_318, %dma_wait3A_319] : memref<10x8x125xi32, #tpu.memory_space<vmem>> -> memref<1x1x125xi32, #tpu.memory_space<vmem>>
      %dma_wait3A_321 = tpu.memref_squeeze %dma_wait3A_320 : memref<1x1x125xi32, #tpu.memory_space<vmem>> -> memref<125xi32, #tpu.memory_space<vmem>>
      %dma_wait3A_322 = arith.constant 0 : i32
      %dma_wait3A_323 = arith.constant 0 : i32
      %dma_wait3A_324 = tpu.memref_slice %arg16[%dma_wait3A_322, %dma_wait3A_323] : memref<10000x16xf32, #tpu.memory_space<vmem_shared>> -> memref<10000x16xf32, #tpu.memory_space<vmem_shared>>
      tpu.wait_indirect_dma semaphore(%arg20 : memref<!tpu.dma_semaphore, #tpu.memory_space<semaphore_mem>>) src(%arg14 : memref<125x16xf32, #tpu.memory_space<vmem>>) dst(%dma_wait3A_324 : memref<10000x16xf32, #tpu.memory_space<vmem_shared>>)
      %dma_wait3A_325 = arith.constant 3 : i32
      %dma_wait3A_326 = arith.constant 0 : i32
      %dma_wait3A_327 = tpu.memref_slice %arg11[%add3A_303, %dma_wait3A_325, %dma_wait3A_326] : memref<10x8x125xi32, #tpu.memory_space<vmem>> -> memref<1x1x125xi32, #tpu.memory_space<vmem>>
      %dma_wait3A_328 = tpu.memref_squeeze %dma_wait3A_327 : memref<1x1x125xi32, #tpu.memory_space<vmem>> -> memref<125xi32, #tpu.memory_space<vmem>>
      %dma_wait3A_329 = arith.constant 0 : i32
      %dma_wait3A_330 = arith.constant 0 : i32
      %dma_wait3A_331 = tpu.memref_slice %arg16[%dma_wait3A_329, %dma_wait3A_330] : memref<10000x16xf32, #tpu.memory_space<vmem_shared>> -> memref<10000x16xf32, #tpu.memory_space<vmem_shared>>
      tpu.wait_indirect_dma semaphore(%arg20 : memref<!tpu.dma_semaphore, #tpu.memory_space<semaphore_mem>>) src(%arg14 : memref<125x16xf32, #tpu.memory_space<vmem>>) dst(%dma_wait3A_331 : memref<10000x16xf32, #tpu.memory_space<vmem_shared>>)
      %dma_wait3A_332 = arith.constant 4 : i32
      %dma_wait3A_333 = arith.constant 0 : i32
      %dma_wait3A_334 = tpu.memref_slice %arg11[%add3A_303, %dma_wait3A_332, %dma_wait3A_333] : memref<10x8x125xi32, #tpu.memory_space<vmem>> -> memref<1x1x125xi32, #tpu.memory_space<vmem>>
      %dma_wait3A_335 = tpu.memref_squeeze %dma_wait3A_334 : memref<1x1x125xi32, #tpu.memory_space<vmem>> -> memref<125xi32, #tpu.memory_space<vmem>>
      %dma_wait3A_336 = arith.constant 0 : i32
      %dma_wait3A_337 = arith.constant 0 : i32
      %dma_wait3A_338 = tpu.memref_slice %arg16[%dma_wait3A_336, %dma_wait3A_337] : memref<10000x16xf32, #tpu.memory_space<vmem_shared>> -> memref<10000x16xf32, #tpu.memory_space<vmem_shared>>
      tpu.wait_indirect_dma semaphore(%arg20 : memref<!tpu.dma_semaphore, #tpu.memory_space<semaphore_mem>>) src(%arg14 : memref<125x16xf32, #tpu.memory_space<vmem>>) dst(%dma_wait3A_338 : memref<10000x16xf32, #tpu.memory_space<vmem_shared>>)
      %dma_wait3A_339 = arith.constant 5 : i32
      %dma_wait3A_340 = arith.constant 0 : i32
      %dma_wait3A_341 = tpu.memref_slice %arg11[%add3A_303, %dma_wait3A_339, %dma_wait3A_340] : memref<10x8x125xi32, #tpu.memory_space<vmem>> -> memref<1x1x125xi32, #tpu.memory_space<vmem>>
      %dma_wait3A_342 = tpu.memref_squeeze %dma_wait3A_341 : memref<1x1x125xi32, #tpu.memory_space<vmem>> -> memref<125xi32, #tpu.memory_space<vmem>>
      %dma_wait3A_343 = arith.constant 0 : i32
      %dma_wait3A_344 = arith.constant 0 : i32
      %dma_wait3A_345 = tpu.memref_slice %arg16[%dma_wait3A_343, %dma_wait3A_344] : memref<10000x16xf32, #tpu.memory_space<vmem_shared>> -> memref<10000x16xf32, #tpu.memory_space<vmem_shared>>
      tpu.wait_indirect_dma semaphore(%arg20 : memref<!tpu.dma_semaphore, #tpu.memory_space<semaphore_mem>>) src(%arg14 : memref<125x16xf32, #tpu.memory_space<vmem>>) dst(%dma_wait3A_345 : memref<10000x16xf32, #tpu.memory_space<vmem_shared>>)
      %dma_wait3A_346 = arith.constant 6 : i32
      %dma_wait3A_347 = arith.constant 0 : i32
      %dma_wait3A_348 = tpu.memref_slice %arg11[%add3A_303, %dma_wait3A_346, %dma_wait3A_347] : memref<10x8x125xi32, #tpu.memory_space<vmem>> -> memref<1x1x125xi32, #tpu.memory_space<vmem>>
      %dma_wait3A_349 = tpu.memref_squeeze %dma_wait3A_348 : memref<1x1x125xi32, #tpu.memory_space<vmem>> -> memref<125xi32, #tpu.memory_space<vmem>>
      %dma_wait3A_350 = arith.constant 0 : i32
      %dma_wait3A_351 = arith.constant 0 : i32
      %dma_wait3A_352 = tpu.memref_slice %arg16[%dma_wait3A_350, %dma_wait3A_351] : memref<10000x16xf32, #tpu.memory_space<vmem_shared>> -> memref<10000x16xf32, #tpu.memory_space<vmem_shared>>
      tpu.wait_indirect_dma semaphore(%arg20 : memref<!tpu.dma_semaphore, #tpu.memory_space<semaphore_mem>>) src(%arg14 : memref<125x16xf32, #tpu.memory_space<vmem>>) dst(%dma_wait3A_352 : memref<10000x16xf32, #tpu.memory_space<vmem_shared>>)
      %dma_wait3A_353 = arith.constant 7 : i32
      %dma_wait3A_354 = arith.constant 0 : i32
      %dma_wait3A_355 = tpu.memref_slice %arg11[%add3A_303, %dma_wait3A_353, %dma_wait3A_354] : memref<10x8x125xi32, #tpu.memory_space<vmem>> -> memref<1x1x125xi32, #tpu.memory_space<vmem>>
      %dma_wait3A_356 = tpu.memref_squeeze %dma_wait3A_355 : memref<1x1x125xi32, #tpu.memory_space<vmem>> -> memref<125xi32, #tpu.memory_space<vmem>>
      %dma_wait3A_357 = arith.constant 0 : i32
      %dma_wait3A_358 = arith.constant 0 : i32
      %dma_wait3A_359 = tpu.memref_slice %arg16[%dma_wait3A_357, %dma_wait3A_358] : memref<10000x16xf32, #tpu.memory_space<vmem_shared>> -> memref<10000x16xf32, #tpu.memory_space<vmem_shared>>
      tpu.wait_indirect_dma semaphore(%arg20 : memref<!tpu.dma_semaphore, #tpu.memory_space<semaphore_mem>>) src(%arg14 : memref<125x16xf32, #tpu.memory_space<vmem>>) dst(%dma_wait3A_359 : memref<10000x16xf32, #tpu.memory_space<vmem_shared>>)
    }
    %scan3A_25 = arith.constant 5 : i32
    %dma_wait3A = arith.constant 0 : i32
    %dma_wait3A_26 = arith.constant 0 : i32
    %dma_wait3A_27 = arith.constant 0 : i32
    %dma_wait3A_28 = tpu.memref_slice %arg7[%add3A, %dma_wait3A, %dma_wait3A_26, %dma_wait3A_27] : memref<32x10x1000x32xf32, #tpu.memory_space<hbm>> -> memref<1x1x1000x32xf32, #tpu.memory_space<hbm>>
    %dma_wait3A_29 = tpu.memref_squeeze %dma_wait3A_28 : memref<1x1x1000x32xf32, #tpu.memory_space<hbm>> -> memref<1000x32xf32, #tpu.memory_space<hbm>>
    %dma_wait3A_30 = arith.constant 0 : i32
    %dma_wait3A_31 = arith.constant 0 : i32
    %dma_wait3A_32 = tpu.memref_slice %arg7[%add3A, %dma_wait3A, %dma_wait3A_30, %dma_wait3A_31] : memref<32x10x1000x32xf32, #tpu.memory_space<hbm>> -> memref<1x1x1000x32xf32, #tpu.memory_space<hbm>>
    %dma_wait3A_33 = tpu.memref_squeeze %dma_wait3A_32 : memref<1x1x1000x32xf32, #tpu.memory_space<hbm>> -> memref<1000x32xf32, #tpu.memory_space<hbm>>
    tpu.wait_dma2 semaphore(%arg21 : memref<!tpu.dma_semaphore, #tpu.memory_space<semaphore_mem>>) src(%arg12 : memref<1000x32xf32, #tpu.memory_space<vmem>>) dst(%dma_wait3A_33 : memref<1000x32xf32, #tpu.memory_space<hbm>>)
    %dma_wait3A_34 = arith.constant 0 : i32
    %dma_wait3A_35 = arith.constant 0 : i32
    %dma_wait3A_36 = arith.constant 0 : i32
    %dma_wait3A_37 = tpu.memref_slice %arg7[%add3A, %dma_wait3A_34, %dma_wait3A_35, %dma_wait3A_36] : memref<32x10x1000x32xf32, #tpu.memory_space<hbm>> -> memref<1x1x1000x32xf32, #tpu.memory_space<hbm>>
    %dma_wait3A_38 = tpu.memref_squeeze %dma_wait3A_37 : memref<1x1x1000x32xf32, #tpu.memory_space<hbm>> -> memref<1000x32xf32, #tpu.memory_space<hbm>>
    %dma_wait3A_39 = arith.constant 0 : i32
    %dma_wait3A_40 = arith.constant 0 : i32
    %dma_wait3A_41 = tpu.memref_slice %arg7[%add3A, %dma_wait3A_34, %dma_wait3A_39, %dma_wait3A_40] : memref<32x10x1000x32xf32, #tpu.memory_space<hbm>> -> memref<1x1x1000x32xf32, #tpu.memory_space<hbm>>
    %dma_wait3A_42 = tpu.memref_squeeze %dma_wait3A_41 : memref<1x1x1000x32xf32, #tpu.memory_space<hbm>> -> memref<1000x32xf32, #tpu.memory_space<hbm>>
    tpu.wait_dma2 semaphore(%arg22 : memref<!tpu.dma_semaphore, #tpu.memory_space<semaphore_mem>>) src(%arg13 : memref<1000x32xf32, #tpu.memory_space<vmem>>) dst(%dma_wait3A_42 : memref<1000x32xf32, #tpu.memory_space<hbm>>)
    %barrier3A_43 = arith.constant 0 : index
    tpu.barrier barrier_id(%barrier3A_43)
    %lt3A = arith.constant 15 : i32
    %lt3A_44 = arith.cmpi slt, %arg1, %lt3A : i32
    %convert_element_type3A = arith.extui %lt3A_44 : i1 to i32
    %cond3A = arith.constant 0 : i32
    %cond3A_45 = arith.cmpi ne, %convert_element_type3A, %cond3A : i32
    scf.if %cond3A_45 {
      %mul3A_50 = arith.constant 624 : i32
      %mul3A_51 = arith.muli %arg1, %mul3A_50 : i32
      %mul3A_52 = arith.constant 624 : i32
      %mul3A_53 = arith.muli %arg1, %mul3A_52 : i32
      "tpu.region"() ({
        %run_scoped3A = tpu.sem_alloc : memref<!tpu.dma_semaphore, #tpu.memory_space<semaphore_mem>>
        %dma_start3A_54 = arith.constant 0 : i32
        %dma_start3A_55 = tpu.memref_slice %arg8[%arg0, %mul3A_53, %dma_start3A_54] : memref<2x10000x16xf32, #tpu.memory_space<hbm>> -> memref<1x624x16xf32, #tpu.memory_space<hbm>>
        %dma_start3A_56 = tpu.memref_squeeze %dma_start3A_55 : memref<1x624x16xf32, #tpu.memory_space<hbm>> -> memref<624x16xf32, #tpu.memory_space<hbm>>
        %dma_start3A_57 = arith.constant 0 : i32
        %dma_start3A_58 = tpu.memref_slice %arg16[%mul3A_51, %dma_start3A_57] : memref<10000x16xf32, #tpu.memory_space<vmem_shared>> -> memref<624x16xf32, #tpu.memory_space<vmem_shared>>
        tpu.enqueue_dma source(%dma_start3A_58 : memref<624x16xf32, #tpu.memory_space<vmem_shared>>) target(%dma_start3A_56 : memref<624x16xf32, #tpu.memory_space<hbm>>) target_semaphore(%run_scoped3A : memref<!tpu.dma_semaphore, #tpu.memory_space<semaphore_mem>>)
        %dma_wait3A_59 = arith.constant 0 : i32
        %dma_wait3A_60 = tpu.memref_slice %arg8[%arg0, %mul3A_53, %dma_wait3A_59] : memref<2x10000x16xf32, #tpu.memory_space<hbm>> -> memref<1x624x16xf32, #tpu.memory_space<hbm>>
        %dma_wait3A_61 = tpu.memref_squeeze %dma_wait3A_60 : memref<1x624x16xf32, #tpu.memory_space<hbm>> -> memref<624x16xf32, #tpu.memory_space<hbm>>
        %dma_wait3A_62 = arith.constant 0 : i32
        %dma_wait3A_63 = tpu.memref_slice %arg16[%mul3A_51, %dma_wait3A_62] : memref<10000x16xf32, #tpu.memory_space<vmem_shared>> -> memref<624x16xf32, #tpu.memory_space<vmem_shared>>
        tpu.wait_dma2 semaphore(%run_scoped3A : memref<!tpu.dma_semaphore, #tpu.memory_space<semaphore_mem>>) src(%dma_wait3A_63 : memref<624x16xf32, #tpu.memory_space<vmem_shared>>) dst(%dma_wait3A_61 : memref<624x16xf32, #tpu.memory_space<hbm>>)
        tpu.yield
      }) : () -> ()
    } else {
    }
    %eq3A = arith.constant 15 : i32
    %eq3A_46 = arith.cmpi eq, %arg1, %eq3A : i32
    %convert_element_type3A_47 = arith.extui %eq3A_46 : i1 to i32
    %cond3A_48 = arith.constant 0 : i32
    %cond3A_49 = arith.cmpi ne, %convert_element_type3A_47, %cond3A_48 : i32
    scf.if %cond3A_49 {
      "tpu.region"() ({
        %run_scoped3A = tpu.sem_alloc : memref<!tpu.dma_semaphore, #tpu.memory_space<semaphore_mem>>
        %dma_start3A_50 = arith.constant 9360 : i32
        %dma_start3A_51 = arith.constant 0 : i32
        %dma_start3A_52 = tpu.memref_slice %arg8[%arg0, %dma_start3A_50, %dma_start3A_51] : memref<2x10000x16xf32, #tpu.memory_space<hbm>> -> memref<1x640x16xf32, #tpu.memory_space<hbm>>
        %dma_start3A_53 = tpu.memref_squeeze %dma_start3A_52 : memref<1x640x16xf32, #tpu.memory_space<hbm>> -> memref<640x16xf32, #tpu.memory_space<hbm>>
        %dma_start3A_54 = arith.constant 9360 : i32
        %dma_start3A_55 = arith.constant 0 : i32
        %dma_start3A_56 = tpu.memref_slice %arg16[%dma_start3A_54, %dma_start3A_55] : memref<10000x16xf32, #tpu.memory_space<vmem_shared>> -> memref<640x16xf32, #tpu.memory_space<vmem_shared>>
        tpu.enqueue_dma source(%dma_start3A_56 : memref<640x16xf32, #tpu.memory_space<vmem_shared>>) target(%dma_start3A_53 : memref<640x16xf32, #tpu.memory_space<hbm>>) target_semaphore(%run_scoped3A : memref<!tpu.dma_semaphore, #tpu.memory_space<semaphore_mem>>)
        %dma_wait3A_57 = arith.constant 9360 : i32
        %dma_wait3A_58 = arith.constant 0 : i32
        %dma_wait3A_59 = tpu.memref_slice %arg8[%arg0, %dma_wait3A_57, %dma_wait3A_58] : memref<2x10000x16xf32, #tpu.memory_space<hbm>> -> memref<1x640x16xf32, #tpu.memory_space<hbm>>
        %dma_wait3A_60 = tpu.memref_squeeze %dma_wait3A_59 : memref<1x640x16xf32, #tpu.memory_space<hbm>> -> memref<640x16xf32, #tpu.memory_space<hbm>>
        %dma_wait3A_61 = arith.constant 9360 : i32
        %dma_wait3A_62 = arith.constant 0 : i32
        %dma_wait3A_63 = tpu.memref_slice %arg16[%dma_wait3A_61, %dma_wait3A_62] : memref<10000x16xf32, #tpu.memory_space<vmem_shared>> -> memref<640x16xf32, #tpu.memory_space<vmem_shared>>
        tpu.wait_dma2 semaphore(%run_scoped3A : memref<!tpu.dma_semaphore, #tpu.memory_space<semaphore_mem>>) src(%dma_wait3A_63 : memref<640x16xf32, #tpu.memory_space<vmem_shared>>) dst(%dma_wait3A_60 : memref<640x16xf32, #tpu.memory_space<hbm>>)
        tpu.yield
      }) : () -> ()
    } else {
    }
    return
  }
}

#map = affine_map<(d0, d1) -> (0, 0, 0, 0)>
#map1 = affine_map<(d0, d1) -> (0, 0, 0)>
module attributes {stable_mosaic.version = 14 : i64} {
  func.func @_sc_scatter_body(%arg0: i32, %arg1: i32, %arg2: memref<32x10x1000x32xf32, #tpu.memory_space<hbm>>, %arg3: memref<32x10x8x125xi32, #tpu.memory_space<hbm>>, %arg4: memref<2x10000x32xf32, #tpu.memory_space<hbm>>, %arg5: memref<10x8x125xi32, #tpu.memory_space<vmem>>, %arg6: memref<1000x32xf32, #tpu.memory_space<vmem>>, %arg7: memref<1000x32xf32, #tpu.memory_space<vmem>>, %arg8: memref<625x32xf32, #tpu.memory_space<vmem>>, %arg9: memref<10000x32xf32, #tpu.memory_space<vmem_shared>>, %arg10: memref<!tpu.dma_semaphore, #tpu.memory_space<semaphore_mem>>, %arg11: memref<!tpu.dma_semaphore, #tpu.memory_space<semaphore_mem>>, %arg12: memref<!tpu.dma_semaphore, #tpu.memory_space<semaphore_mem>>, %arg13: memref<!tpu.dma_semaphore, #tpu.memory_space<semaphore_mem>>) attributes {dimension_semantics = [#tpu.dimension_semantics<core_parallel>, #tpu.dimension_semantics<subcore_parallel>], iteration_bounds = array<i64: 2, 16>, scalar_prefetch = 0 : i64, scratch_operands = 9 : i64, tpu.core_type = #tpu.core_type<sc_vector_subcore>, window_params = [{transform_indices = #map}, {transform_indices = #map}, {transform_indices = #map1}]} {
    %mul3A = arith.constant 2 : i32
    %mul3A_0 = arith.muli %arg1, %mul3A : i32
    %add3A = arith.addi %mul3A_0, %arg0 : i32
    %scan3A = arith.constant 0 : i32
    %scan3A_1 = arith.constant 0 : i32
    %scan3A_2 = arith.constant 625 : i32
    %scan3A_3 = arith.addi %scan3A_1, %scan3A_2 : i32
    %scan3A_4 = arith.constant 1 : i32
    scf.for %scan3A_204 = %scan3A_1 to %scan3A_3 step %scan3A_4  : i32 {
      %broadcast_in_dim3A = arith.constant 0.000000e+00 : f32
      %broadcast_in_dim3A_205 = vector.broadcast %broadcast_in_dim3A : f32 to vector<32xf32>
      %swap3A = arith.index_cast %scan3A_204 : i32 to index
      %swap3A_206 = arith.constant 0 : index
      %swap3A_207 = tpu.vector_load %arg8[%swap3A, %swap3A_206] {strides = array<i32>} : memref<625x32xf32, #tpu.memory_space<vmem>>, vector<1x32xf32>,
      %swap3A_208 = vector.shape_cast %swap3A_207 : vector<1x32xf32> to vector<32xf32>
      %swap3A_209 = vector.shape_cast %broadcast_in_dim3A_205 : vector<32xf32> to vector<1x32xf32>
      tpu.vector_store %arg8[%swap3A, %swap3A_206], %swap3A_209 {strides = array<i32>} : memref<625x32xf32, #tpu.memory_space<vmem>>, vector<1x32xf32>,
    }
    %scan3A_5 = arith.constant 625 : i32
    %mul3A_6 = arith.constant 625 : i32
    %mul3A_7 = arith.muli %arg1, %mul3A_6 : i32
    "tpu.region"() ({
      %run_scoped3A = tpu.sem_alloc : memref<!tpu.dma_semaphore, #tpu.memory_space<semaphore_mem>>
      %dma_start3A_204 = arith.constant 0 : i32
      %dma_start3A_205 = tpu.memref_slice %arg9[%mul3A_7, %dma_start3A_204] : memref<10000x32xf32, #tpu.memory_space<vmem_shared>> -> memref<625x32xf32, #tpu.memory_space<vmem_shared>>
      %dma_start3A_206 = arith.constant 0 : i32
      %dma_start3A_207 = tpu.memref_slice %arg9[%mul3A_7, %dma_start3A_206] : memref<10000x32xf32, #tpu.memory_space<vmem_shared>> -> memref<625x32xf32, #tpu.memory_space<vmem_shared>>
      tpu.enqueue_dma source(%arg8 : memref<625x32xf32, #tpu.memory_space<vmem>>) target(%dma_start3A_207 : memref<625x32xf32, #tpu.memory_space<vmem_shared>>) target_semaphore(%run_scoped3A : memref<!tpu.dma_semaphore, #tpu.memory_space<semaphore_mem>>)
      %dma_wait3A_208 = arith.constant 0 : i32
      %dma_wait3A_209 = tpu.memref_slice %arg9[%mul3A_7, %dma_wait3A_208] : memref<10000x32xf32, #tpu.memory_space<vmem_shared>> -> memref<625x32xf32, #tpu.memory_space<vmem_shared>>
      %dma_wait3A_210 = arith.constant 0 : i32
      %dma_wait3A_211 = tpu.memref_slice %arg9[%mul3A_7, %dma_wait3A_210] : memref<10000x32xf32, #tpu.memory_space<vmem_shared>> -> memref<625x32xf32, #tpu.memory_space<vmem_shared>>
      tpu.wait_dma2 semaphore(%run_scoped3A : memref<!tpu.dma_semaphore, #tpu.memory_space<semaphore_mem>>) src(%arg8 : memref<625x32xf32, #tpu.memory_space<vmem>>) dst(%dma_wait3A_211 : memref<625x32xf32, #tpu.memory_space<vmem_shared>>)
      tpu.yield
    }) : () -> ()
    "tpu.region"() ({
      %run_scoped3A = tpu.sem_alloc : memref<!tpu.dma_semaphore, #tpu.memory_space<semaphore_mem>>
      %dma_start3A_204 = arith.constant 0 : i32
      %dma_start3A_205 = arith.constant 0 : i32
      %dma_start3A_206 = arith.constant 0 : i32
      %dma_start3A_207 = tpu.memref_slice %arg3[%add3A, %dma_start3A_204, %dma_start3A_205, %dma_start3A_206] : memref<32x10x8x125xi32, #tpu.memory_space<hbm>> -> memref<1x10x8x125xi32, #tpu.memory_space<hbm>>
      %dma_start3A_208 = tpu.memref_squeeze %dma_start3A_207 : memref<1x10x8x125xi32, #tpu.memory_space<hbm>> -> memref<10x8x125xi32, #tpu.memory_space<hbm>>
      %dma_start3A_209 = arith.constant 0 : i32
      %dma_start3A_210 = arith.constant 0 : i32
      %dma_start3A_211 = arith.constant 0 : i32
      %dma_start3A_212 = tpu.memref_slice %arg3[%add3A, %dma_start3A_209, %dma_start3A_210, %dma_start3A_211] : memref<32x10x8x125xi32, #tpu.memory_space<hbm>> -> memref<1x10x8x125xi32, #tpu.memory_space<hbm>>
      %dma_start3A_213 = tpu.memref_squeeze %dma_start3A_212 : memref<1x10x8x125xi32, #tpu.memory_space<hbm>> -> memref<10x8x125xi32, #tpu.memory_space<hbm>>
      tpu.enqueue_dma source(%dma_start3A_213 : memref<10x8x125xi32, #tpu.memory_space<hbm>>) target(%arg5 : memref<10x8x125xi32, #tpu.memory_space<vmem>>) target_semaphore(%run_scoped3A : memref<!tpu.dma_semaphore, #tpu.memory_space<semaphore_mem>>)
      %dma_wait3A_214 = arith.constant 0 : i32
      %dma_wait3A_215 = arith.constant 0 : i32
      %dma_wait3A_216 = arith.constant 0 : i32
      %dma_wait3A_217 = tpu.memref_slice %arg3[%add3A, %dma_wait3A_214, %dma_wait3A_215, %dma_wait3A_216] : memref<32x10x8x125xi32, #tpu.memory_space<hbm>> -> memref<1x10x8x125xi32, #tpu.memory_space<hbm>>
      %dma_wait3A_218 = tpu.memref_squeeze %dma_wait3A_217 : memref<1x10x8x125xi32, #tpu.memory_space<hbm>> -> memref<10x8x125xi32, #tpu.memory_space<hbm>>
      %dma_wait3A_219 = arith.constant 0 : i32
      %dma_wait3A_220 = arith.constant 0 : i32
      %dma_wait3A_221 = arith.constant 0 : i32
      %dma_wait3A_222 = tpu.memref_slice %arg3[%add3A, %dma_wait3A_219, %dma_wait3A_220, %dma_wait3A_221] : memref<32x10x8x125xi32, #tpu.memory_space<hbm>> -> memref<1x10x8x125xi32, #tpu.memory_space<hbm>>
      %dma_wait3A_223 = tpu.memref_squeeze %dma_wait3A_222 : memref<1x10x8x125xi32, #tpu.memory_space<hbm>> -> memref<10x8x125xi32, #tpu.memory_space<hbm>>
      tpu.wait_dma2 semaphore(%run_scoped3A : memref<!tpu.dma_semaphore, #tpu.memory_space<semaphore_mem>>) src(%dma_wait3A_223 : memref<10x8x125xi32, #tpu.memory_space<hbm>>) dst(%arg5 : memref<10x8x125xi32, #tpu.memory_space<vmem>>)
      tpu.yield
    }) : () -> ()
    %barrier3A = arith.constant 0 : index
    tpu.barrier barrier_id(%barrier3A)
    %dma_start3A = arith.constant 0 : i32
    %dma_start3A_8 = arith.constant 0 : i32
    %dma_start3A_9 = arith.constant 0 : i32
    %dma_start3A_10 = tpu.memref_slice %arg2[%add3A, %dma_start3A, %dma_start3A_8, %dma_start3A_9] : memref<32x10x1000x32xf32, #tpu.memory_space<hbm>> -> memref<1x1x1000x32xf32, #tpu.memory_space<hbm>>
    %dma_start3A_11 = tpu.memref_squeeze %dma_start3A_10 : memref<1x1x1000x32xf32, #tpu.memory_space<hbm>> -> memref<1000x32xf32, #tpu.memory_space<hbm>>
    %dma_start3A_12 = arith.constant 0 : i32
    %dma_start3A_13 = arith.constant 0 : i32
    %dma_start3A_14 = tpu.memref_slice %arg2[%add3A, %dma_start3A, %dma_start3A_12, %dma_start3A_13] : memref<32x10x1000x32xf32, #tpu.memory_space<hbm>> -> memref<1x1x1000x32xf32, #tpu.memory_space<hbm>>
    %dma_start3A_15 = tpu.memref_squeeze %dma_start3A_14 : memref<1x1x1000x32xf32, #tpu.memory_space<hbm>> -> memref<1000x32xf32, #tpu.memory_space<hbm>>
    tpu.enqueue_dma source(%dma_start3A_15 : memref<1000x32xf32, #tpu.memory_space<hbm>>) target(%arg6 : memref<1000x32xf32, #tpu.memory_space<vmem>>) target_semaphore(%arg10 : memref<!tpu.dma_semaphore, #tpu.memory_space<semaphore_mem>>)
    %scan3A_16 = arith.constant 0 : i32
    %scan3A_17 = arith.constant 0 : i32
    %scan3A_18 = arith.constant 5 : i32
    %scan3A_19 = arith.addi %scan3A_17, %scan3A_18 : i32
    %scan3A_20 = arith.constant 1 : i32
    scf.for %scan3A_204 = %scan3A_17 to %scan3A_19 step %scan3A_20  : i32 {
      %mul3A_205 = arith.constant 2 : i32
      %mul3A_206 = arith.muli %scan3A_204, %mul3A_205 : i32
      %gt3A = arith.constant 0 : i32
      %gt3A_207 = arith.cmpi sgt, %scan3A_204, %gt3A : i32
      %convert_element_type3A_208 = arith.extui %gt3A_207 : i1 to i32
      %cond3A_209 = arith.constant 0 : i32
      %cond3A_210 = arith.cmpi ne, %convert_element_type3A_208, %cond3A_209 : i32
      scf.if %cond3A_210 {
        %sub3A = arith.constant 1 : i32
        %sub3A_321 = arith.subi %mul3A_206, %sub3A : i32
        %dma_wait3A_322 = arith.constant 0 : i32
        %dma_wait3A_323 = arith.constant 0 : i32
        %dma_wait3A_324 = arith.constant 0 : i32
        %dma_wait3A_325 = tpu.memref_slice %arg7[%dma_wait3A_323, %dma_wait3A_324] : memref<1000x32xf32, #tpu.memory_space<vmem>> -> memref<125x32xf32, #tpu.memory_space<vmem>>
        %dma_wait3A_326 = arith.constant 0 : i32
        %dma_wait3A_327 = tpu.memref_slice %arg5[%sub3A_321, %dma_wait3A_322, %dma_wait3A_326] : memref<10x8x125xi32, #tpu.memory_space<vmem>> -> memref<1x1x125xi32, #tpu.memory_space<vmem>>
        %dma_wait3A_328 = tpu.memref_squeeze %dma_wait3A_327 : memref<1x1x125xi32, #tpu.memory_space<vmem>> -> memref<125xi32, #tpu.memory_space<vmem>>
        %dma_wait3A_329 = arith.constant 0 : i32
        %dma_wait3A_330 = arith.constant 0 : i32
        %dma_wait3A_331 = tpu.memref_slice %arg9[%dma_wait3A_329, %dma_wait3A_330] : memref<10000x32xf32, #tpu.memory_space<vmem_shared>> -> memref<10000x32xf32, #tpu.memory_space<vmem_shared>>
        tpu.wait_indirect_dma semaphore(%arg13 : memref<!tpu.dma_semaphore, #tpu.memory_space<semaphore_mem>>) src(%dma_wait3A_325 : memref<125x32xf32, #tpu.memory_space<vmem>>) dst(%dma_wait3A_331 : memref<10000x32xf32, #tpu.memory_space<vmem_shared>>)
        %dma_wait3A_332 = arith.constant 1 : i32
        %dma_wait3A_333 = arith.constant 125 : i32
        %dma_wait3A_334 = arith.constant 0 : i32
        %dma_wait3A_335 = tpu.memref_slice %arg7[%dma_wait3A_333, %dma_wait3A_334] : memref<1000x32xf32, #tpu.memory_space<vmem>> -> memref<125x32xf32, #tpu.memory_space<vmem>>
        %dma_wait3A_336 = arith.constant 0 : i32
        %dma_wait3A_337 = tpu.memref_slice %arg5[%sub3A_321, %dma_wait3A_332, %dma_wait3A_336] : memref<10x8x125xi32, #tpu.memory_space<vmem>> -> memref<1x1x125xi32, #tpu.memory_space<vmem>>
        %dma_wait3A_338 = tpu.memref_squeeze %dma_wait3A_337 : memref<1x1x125xi32, #tpu.memory_space<vmem>> -> memref<125xi32, #tpu.memory_space<vmem>>
        %dma_wait3A_339 = arith.constant 0 : i32
        %dma_wait3A_340 = arith.constant 0 : i32
        %dma_wait3A_341 = tpu.memref_slice %arg9[%dma_wait3A_339, %dma_wait3A_340] : memref<10000x32xf32, #tpu.memory_space<vmem_shared>> -> memref<10000x32xf32, #tpu.memory_space<vmem_shared>>
        tpu.wait_indirect_dma semaphore(%arg13 : memref<!tpu.dma_semaphore, #tpu.memory_space<semaphore_mem>>) src(%dma_wait3A_335 : memref<125x32xf32, #tpu.memory_space<vmem>>) dst(%dma_wait3A_341 : memref<10000x32xf32, #tpu.memory_space<vmem_shared>>)
        %dma_wait3A_342 = arith.constant 2 : i32
        %dma_wait3A_343 = arith.constant 250 : i32
        %dma_wait3A_344 = arith.constant 0 : i32
        %dma_wait3A_345 = tpu.memref_slice %arg7[%dma_wait3A_343, %dma_wait3A_344] : memref<1000x32xf32, #tpu.memory_space<vmem>> -> memref<125x32xf32, #tpu.memory_space<vmem>>
        %dma_wait3A_346 = arith.constant 0 : i32
        %dma_wait3A_347 = tpu.memref_slice %arg5[%sub3A_321, %dma_wait3A_342, %dma_wait3A_346] : memref<10x8x125xi32, #tpu.memory_space<vmem>> -> memref<1x1x125xi32, #tpu.memory_space<vmem>>
        %dma_wait3A_348 = tpu.memref_squeeze %dma_wait3A_347 : memref<1x1x125xi32, #tpu.memory_space<vmem>> -> memref<125xi32, #tpu.memory_space<vmem>>
        %dma_wait3A_349 = arith.constant 0 : i32
        %dma_wait3A_350 = arith.constant 0 : i32
        %dma_wait3A_351 = tpu.memref_slice %arg9[%dma_wait3A_349, %dma_wait3A_350] : memref<10000x32xf32, #tpu.memory_space<vmem_shared>> -> memref<10000x32xf32, #tpu.memory_space<vmem_shared>>
        tpu.wait_indirect_dma semaphore(%arg13 : memref<!tpu.dma_semaphore, #tpu.memory_space<semaphore_mem>>) src(%dma_wait3A_345 : memref<125x32xf32, #tpu.memory_space<vmem>>) dst(%dma_wait3A_351 : memref<10000x32xf32, #tpu.memory_space<vmem_shared>>)
        %dma_wait3A_352 = arith.constant 3 : i32
        %dma_wait3A_353 = arith.constant 375 : i32
        %dma_wait3A_354 = arith.constant 0 : i32
        %dma_wait3A_355 = tpu.memref_slice %arg7[%dma_wait3A_353, %dma_wait3A_354] : memref<1000x32xf32, #tpu.memory_space<vmem>> -> memref<125x32xf32, #tpu.memory_space<vmem>>
        %dma_wait3A_356 = arith.constant 0 : i32
        %dma_wait3A_357 = tpu.memref_slice %arg5[%sub3A_321, %dma_wait3A_352, %dma_wait3A_356] : memref<10x8x125xi32, #tpu.memory_space<vmem>> -> memref<1x1x125xi32, #tpu.memory_space<vmem>>
        %dma_wait3A_358 = tpu.memref_squeeze %dma_wait3A_357 : memref<1x1x125xi32, #tpu.memory_space<vmem>> -> memref<125xi32, #tpu.memory_space<vmem>>
        %dma_wait3A_359 = arith.constant 0 : i32
        %dma_wait3A_360 = arith.constant 0 : i32
        %dma_wait3A_361 = tpu.memref_slice %arg9[%dma_wait3A_359, %dma_wait3A_360] : memref<10000x32xf32, #tpu.memory_space<vmem_shared>> -> memref<10000x32xf32, #tpu.memory_space<vmem_shared>>
        tpu.wait_indirect_dma semaphore(%arg13 : memref<!tpu.dma_semaphore, #tpu.memory_space<semaphore_mem>>) src(%dma_wait3A_355 : memref<125x32xf32, #tpu.memory_space<vmem>>) dst(%dma_wait3A_361 : memref<10000x32xf32, #tpu.memory_space<vmem_shared>>)
        %dma_wait3A_362 = arith.constant 4 : i32
        %dma_wait3A_363 = arith.constant 500 : i32
        %dma_wait3A_364 = arith.constant 0 : i32
        %dma_wait3A_365 = tpu.memref_slice %arg7[%dma_wait3A_363, %dma_wait3A_364] : memref<1000x32xf32, #tpu.memory_space<vmem>> -> memref<125x32xf32, #tpu.memory_space<vmem>>
        %dma_wait3A_366 = arith.constant 0 : i32
        %dma_wait3A_367 = tpu.memref_slice %arg5[%sub3A_321, %dma_wait3A_362, %dma_wait3A_366] : memref<10x8x125xi32, #tpu.memory_space<vmem>> -> memref<1x1x125xi32, #tpu.memory_space<vmem>>
        %dma_wait3A_368 = tpu.memref_squeeze %dma_wait3A_367 : memref<1x1x125xi32, #tpu.memory_space<vmem>> -> memref<125xi32, #tpu.memory_space<vmem>>
        %dma_wait3A_369 = arith.constant 0 : i32
        %dma_wait3A_370 = arith.constant 0 : i32
        %dma_wait3A_371 = tpu.memref_slice %arg9[%dma_wait3A_369, %dma_wait3A_370] : memref<10000x32xf32, #tpu.memory_space<vmem_shared>> -> memref<10000x32xf32, #tpu.memory_space<vmem_shared>>
        tpu.wait_indirect_dma semaphore(%arg13 : memref<!tpu.dma_semaphore, #tpu.memory_space<semaphore_mem>>) src(%dma_wait3A_365 : memref<125x32xf32, #tpu.memory_space<vmem>>) dst(%dma_wait3A_371 : memref<10000x32xf32, #tpu.memory_space<vmem_shared>>)
        %dma_wait3A_372 = arith.constant 5 : i32
        %dma_wait3A_373 = arith.constant 625 : i32
        %dma_wait3A_374 = arith.constant 0 : i32
        %dma_wait3A_375 = tpu.memref_slice %arg7[%dma_wait3A_373, %dma_wait3A_374] : memref<1000x32xf32, #tpu.memory_space<vmem>> -> memref<125x32xf32, #tpu.memory_space<vmem>>
        %dma_wait3A_376 = arith.constant 0 : i32
        %dma_wait3A_377 = tpu.memref_slice %arg5[%sub3A_321, %dma_wait3A_372, %dma_wait3A_376] : memref<10x8x125xi32, #tpu.memory_space<vmem>> -> memref<1x1x125xi32, #tpu.memory_space<vmem>>
        %dma_wait3A_378 = tpu.memref_squeeze %dma_wait3A_377 : memref<1x1x125xi32, #tpu.memory_space<vmem>> -> memref<125xi32, #tpu.memory_space<vmem>>
        %dma_wait3A_379 = arith.constant 0 : i32
        %dma_wait3A_380 = arith.constant 0 : i32
        %dma_wait3A_381 = tpu.memref_slice %arg9[%dma_wait3A_379, %dma_wait3A_380] : memref<10000x32xf32, #tpu.memory_space<vmem_shared>> -> memref<10000x32xf32, #tpu.memory_space<vmem_shared>>
        tpu.wait_indirect_dma semaphore(%arg13 : memref<!tpu.dma_semaphore, #tpu.memory_space<semaphore_mem>>) src(%dma_wait3A_375 : memref<125x32xf32, #tpu.memory_space<vmem>>) dst(%dma_wait3A_381 : memref<10000x32xf32, #tpu.memory_space<vmem_shared>>)
        %dma_wait3A_382 = arith.constant 6 : i32
        %dma_wait3A_383 = arith.constant 750 : i32
        %dma_wait3A_384 = arith.constant 0 : i32
        %dma_wait3A_385 = tpu.memref_slice %arg7[%dma_wait3A_383, %dma_wait3A_384] : memref<1000x32xf32, #tpu.memory_space<vmem>> -> memref<125x32xf32, #tpu.memory_space<vmem>>
        %dma_wait3A_386 = arith.constant 0 : i32
        %dma_wait3A_387 = tpu.memref_slice %arg5[%sub3A_321, %dma_wait3A_382, %dma_wait3A_386] : memref<10x8x125xi32, #tpu.memory_space<vmem>> -> memref<1x1x125xi32, #tpu.memory_space<vmem>>
        %dma_wait3A_388 = tpu.memref_squeeze %dma_wait3A_387 : memref<1x1x125xi32, #tpu.memory_space<vmem>> -> memref<125xi32, #tpu.memory_space<vmem>>
        %dma_wait3A_389 = arith.constant 0 : i32
        %dma_wait3A_390 = arith.constant 0 : i32
        %dma_wait3A_391 = tpu.memref_slice %arg9[%dma_wait3A_389, %dma_wait3A_390] : memref<10000x32xf32, #tpu.memory_space<vmem_shared>> -> memref<10000x32xf32, #tpu.memory_space<vmem_shared>>
        tpu.wait_indirect_dma semaphore(%arg13 : memref<!tpu.dma_semaphore, #tpu.memory_space<semaphore_mem>>) src(%dma_wait3A_385 : memref<125x32xf32, #tpu.memory_space<vmem>>) dst(%dma_wait3A_391 : memref<10000x32xf32, #tpu.memory_space<vmem_shared>>)
        %dma_wait3A_392 = arith.constant 7 : i32
        %dma_wait3A_393 = arith.constant 875 : i32
        %dma_wait3A_394 = arith.constant 0 : i32
        %dma_wait3A_395 = tpu.memref_slice %arg7[%dma_wait3A_393, %dma_wait3A_394] : memref<1000x32xf32, #tpu.memory_space<vmem>> -> memref<125x32xf32, #tpu.memory_space<vmem>>
        %dma_wait3A_396 = arith.constant 0 : i32
        %dma_wait3A_397 = tpu.memref_slice %arg5[%sub3A_321, %dma_wait3A_392, %dma_wait3A_396] : memref<10x8x125xi32, #tpu.memory_space<vmem>> -> memref<1x1x125xi32, #tpu.memory_space<vmem>>
        %dma_wait3A_398 = tpu.memref_squeeze %dma_wait3A_397 : memref<1x1x125xi32, #tpu.memory_space<vmem>> -> memref<125xi32, #tpu.memory_space<vmem>>
        %dma_wait3A_399 = arith.constant 0 : i32
        %dma_wait3A_400 = arith.constant 0 : i32
        %dma_wait3A_401 = tpu.memref_slice %arg9[%dma_wait3A_399, %dma_wait3A_400] : memref<10000x32xf32, #tpu.memory_space<vmem_shared>> -> memref<10000x32xf32, #tpu.memory_space<vmem_shared>>
        tpu.wait_indirect_dma semaphore(%arg13 : memref<!tpu.dma_semaphore, #tpu.memory_space<semaphore_mem>>) src(%dma_wait3A_395 : memref<125x32xf32, #tpu.memory_space<vmem>>) dst(%dma_wait3A_401 : memref<10000x32xf32, #tpu.memory_space<vmem_shared>>)
      } else {
      }
      %add3A_211 = arith.constant 1 : i32
      %add3A_212 = arith.addi %mul3A_206, %add3A_211 : i32
      %lt3A_213 = arith.constant 10 : i32
      %lt3A_214 = arith.cmpi slt, %add3A_212, %lt3A_213 : i32
      %convert_element_type3A_215 = arith.extui %lt3A_214 : i1 to i32
      %cond3A_216 = arith.constant 0 : i32
      %cond3A_217 = arith.cmpi ne, %convert_element_type3A_215, %cond3A_216 : i32
      scf.if %cond3A_217 {
        %add3A_321 = arith.constant 1 : i32
        %add3A_322 = arith.addi %mul3A_206, %add3A_321 : i32
        %dma_start3A_323 = arith.constant 0 : i32
        %dma_start3A_324 = arith.constant 0 : i32
        %dma_start3A_325 = tpu.memref_slice %arg2[%add3A, %add3A_322, %dma_start3A_323, %dma_start3A_324] : memref<32x10x1000x32xf32, #tpu.memory_space<hbm>> -> memref<1x1x1000x32xf32, #tpu.memory_space<hbm>>
        %dma_start3A_326 = tpu.memref_squeeze %dma_start3A_325 : memref<1x1x1000x32xf32, #tpu.memory_space<hbm>> -> memref<1000x32xf32, #tpu.memory_space<hbm>>
        %dma_start3A_327 = arith.constant 0 : i32
        %dma_start3A_328 = arith.constant 0 : i32
        %dma_start3A_329 = tpu.memref_slice %arg2[%add3A, %add3A_322, %dma_start3A_327, %dma_start3A_328] : memref<32x10x1000x32xf32, #tpu.memory_space<hbm>> -> memref<1x1x1000x32xf32, #tpu.memory_space<hbm>>
        %dma_start3A_330 = tpu.memref_squeeze %dma_start3A_329 : memref<1x1x1000x32xf32, #tpu.memory_space<hbm>> -> memref<1000x32xf32, #tpu.memory_space<hbm>>
        tpu.enqueue_dma source(%dma_start3A_330 : memref<1000x32xf32, #tpu.memory_space<hbm>>) target(%arg7 : memref<1000x32xf32, #tpu.memory_space<vmem>>) target_semaphore(%arg11 : memref<!tpu.dma_semaphore, #tpu.memory_space<semaphore_mem>>)
      } else {
      }
      %dma_wait3A_218 = arith.constant 0 : i32
      %dma_wait3A_219 = arith.constant 0 : i32
      %dma_wait3A_220 = arith.constant 0 : i32
      %dma_wait3A_221 = tpu.memref_slice %arg2[%add3A, %dma_wait3A_218, %dma_wait3A_219, %dma_wait3A_220] : memref<32x10x1000x32xf32, #tpu.memory_space<hbm>> -> memref<1x1x1000x32xf32, #tpu.memory_space<hbm>>
      %dma_wait3A_222 = tpu.memref_squeeze %dma_wait3A_221 : memref<1x1x1000x32xf32, #tpu.memory_space<hbm>> -> memref<1000x32xf32, #tpu.memory_space<hbm>>
      %dma_wait3A_223 = arith.constant 0 : i32
      %dma_wait3A_224 = arith.constant 0 : i32
      %dma_wait3A_225 = tpu.memref_slice %arg2[%add3A, %dma_wait3A_218, %dma_wait3A_223, %dma_wait3A_224] : memref<32x10x1000x32xf32, #tpu.memory_space<hbm>> -> memref<1x1x1000x32xf32, #tpu.memory_space<hbm>>
      %dma_wait3A_226 = tpu.memref_squeeze %dma_wait3A_225 : memref<1x1x1000x32xf32, #tpu.memory_space<hbm>> -> memref<1000x32xf32, #tpu.memory_space<hbm>>
      tpu.wait_dma2 semaphore(%arg10 : memref<!tpu.dma_semaphore, #tpu.memory_space<semaphore_mem>>) src(%dma_wait3A_226 : memref<1000x32xf32, #tpu.memory_space<hbm>>) dst(%arg6 : memref<1000x32xf32, #tpu.memory_space<vmem>>)
      %dma_start3A_227 = arith.constant 0 : i32
      %dma_start3A_228 = arith.constant 0 : i32
      %dma_start3A_229 = arith.constant 0 : i32
      %dma_start3A_230 = tpu.memref_slice %arg6[%dma_start3A_228, %dma_start3A_229] : memref<1000x32xf32, #tpu.memory_space<vmem>> -> memref<125x32xf32, #tpu.memory_space<vmem>>
      %dma_start3A_231 = arith.constant 0 : i32
      %dma_start3A_232 = tpu.memref_slice %arg5[%mul3A_206, %dma_start3A_227, %dma_start3A_231] : memref<10x8x125xi32, #tpu.memory_space<vmem>> -> memref<1x1x125xi32, #tpu.memory_space<vmem>>
      %dma_start3A_233 = tpu.memref_squeeze %dma_start3A_232 : memref<1x1x125xi32, #tpu.memory_space<vmem>> -> memref<125xi32, #tpu.memory_space<vmem>>
      %dma_start3A_234 = arith.constant 0 : i32
      %dma_start3A_235 = arith.constant 0 : i32
      %dma_start3A_236 = tpu.memref_slice %arg9[%dma_start3A_234, %dma_start3A_235] : memref<10000x32xf32, #tpu.memory_space<vmem_shared>> -> memref<10000x32xf32, #tpu.memory_space<vmem_shared>>
      tpu.enqueue_indirect_dma source(%dma_start3A_230 : memref<125x32xf32, #tpu.memory_space<vmem>>) target(%dma_start3A_236 : memref<10000x32xf32, #tpu.memory_space<vmem_shared>>) offsets(%dma_start3A_233 : memref<125xi32, #tpu.memory_space<vmem>>) semaphore(%arg12 : memref<!tpu.dma_semaphore, #tpu.memory_space<semaphore_mem>>) {add = true}
      %dma_start3A_237 = arith.constant 1 : i32
      %dma_start3A_238 = arith.constant 125 : i32
      %dma_start3A_239 = arith.constant 0 : i32
      %dma_start3A_240 = tpu.memref_slice %arg6[%dma_start3A_238, %dma_start3A_239] : memref<1000x32xf32, #tpu.memory_space<vmem>> -> memref<125x32xf32, #tpu.memory_space<vmem>>
      %dma_start3A_241 = arith.constant 0 : i32
      %dma_start3A_242 = tpu.memref_slice %arg5[%mul3A_206, %dma_start3A_237, %dma_start3A_241] : memref<10x8x125xi32, #tpu.memory_space<vmem>> -> memref<1x1x125xi32, #tpu.memory_space<vmem>>
      %dma_start3A_243 = tpu.memref_squeeze %dma_start3A_242 : memref<1x1x125xi32, #tpu.memory_space<vmem>> -> memref<125xi32, #tpu.memory_space<vmem>>
      %dma_start3A_244 = arith.constant 0 : i32
      %dma_start3A_245 = arith.constant 0 : i32
      %dma_start3A_246 = tpu.memref_slice %arg9[%dma_start3A_244, %dma_start3A_245] : memref<10000x32xf32, #tpu.memory_space<vmem_shared>> -> memref<10000x32xf32, #tpu.memory_space<vmem_shared>>
      tpu.enqueue_indirect_dma source(%dma_start3A_240 : memref<125x32xf32, #tpu.memory_space<vmem>>) target(%dma_start3A_246 : memref<10000x32xf32, #tpu.memory_space<vmem_shared>>) offsets(%dma_start3A_243 : memref<125xi32, #tpu.memory_space<vmem>>) semaphore(%arg12 : memref<!tpu.dma_semaphore, #tpu.memory_space<semaphore_mem>>) {add = true}
      %dma_start3A_247 = arith.constant 2 : i32
      %dma_start3A_248 = arith.constant 250 : i32
      %dma_start3A_249 = arith.constant 0 : i32
      %dma_start3A_250 = tpu.memref_slice %arg6[%dma_start3A_248, %dma_start3A_249] : memref<1000x32xf32, #tpu.memory_space<vmem>> -> memref<125x32xf32, #tpu.memory_space<vmem>>
      %dma_start3A_251 = arith.constant 0 : i32
      %dma_start3A_252 = tpu.memref_slice %arg5[%mul3A_206, %dma_start3A_247, %dma_start3A_251] : memref<10x8x125xi32, #tpu.memory_space<vmem>> -> memref<1x1x125xi32, #tpu.memory_space<vmem>>
      %dma_start3A_253 = tpu.memref_squeeze %dma_start3A_252 : memref<1x1x125xi32, #tpu.memory_space<vmem>> -> memref<125xi32, #tpu.memory_space<vmem>>
      %dma_start3A_254 = arith.constant 0 : i32
      %dma_start3A_255 = arith.constant 0 : i32
      %dma_start3A_256 = tpu.memref_slice %arg9[%dma_start3A_254, %dma_start3A_255] : memref<10000x32xf32, #tpu.memory_space<vmem_shared>> -> memref<10000x32xf32, #tpu.memory_space<vmem_shared>>
      tpu.enqueue_indirect_dma source(%dma_start3A_250 : memref<125x32xf32, #tpu.memory_space<vmem>>) target(%dma_start3A_256 : memref<10000x32xf32, #tpu.memory_space<vmem_shared>>) offsets(%dma_start3A_253 : memref<125xi32, #tpu.memory_space<vmem>>) semaphore(%arg12 : memref<!tpu.dma_semaphore, #tpu.memory_space<semaphore_mem>>) {add = true}
      %dma_start3A_257 = arith.constant 3 : i32
      %dma_start3A_258 = arith.constant 375 : i32
      %dma_start3A_259 = arith.constant 0 : i32
      %dma_start3A_260 = tpu.memref_slice %arg6[%dma_start3A_258, %dma_start3A_259] : memref<1000x32xf32, #tpu.memory_space<vmem>> -> memref<125x32xf32, #tpu.memory_space<vmem>>
      %dma_start3A_261 = arith.constant 0 : i32
      %dma_start3A_262 = tpu.memref_slice %arg5[%mul3A_206, %dma_start3A_257, %dma_start3A_261] : memref<10x8x125xi32, #tpu.memory_space<vmem>> -> memref<1x1x125xi32, #tpu.memory_space<vmem>>
      %dma_start3A_263 = tpu.memref_squeeze %dma_start3A_262 : memref<1x1x125xi32, #tpu.memory_space<vmem>> -> memref<125xi32, #tpu.memory_space<vmem>>
      %dma_start3A_264 = arith.constant 0 : i32
      %dma_start3A_265 = arith.constant 0 : i32
      %dma_start3A_266 = tpu.memref_slice %arg9[%dma_start3A_264, %dma_start3A_265] : memref<10000x32xf32, #tpu.memory_space<vmem_shared>> -> memref<10000x32xf32, #tpu.memory_space<vmem_shared>>
      tpu.enqueue_indirect_dma source(%dma_start3A_260 : memref<125x32xf32, #tpu.memory_space<vmem>>) target(%dma_start3A_266 : memref<10000x32xf32, #tpu.memory_space<vmem_shared>>) offsets(%dma_start3A_263 : memref<125xi32, #tpu.memory_space<vmem>>) semaphore(%arg12 : memref<!tpu.dma_semaphore, #tpu.memory_space<semaphore_mem>>) {add = true}
      %dma_start3A_267 = arith.constant 4 : i32
      %dma_start3A_268 = arith.constant 500 : i32
      %dma_start3A_269 = arith.constant 0 : i32
      %dma_start3A_270 = tpu.memref_slice %arg6[%dma_start3A_268, %dma_start3A_269] : memref<1000x32xf32, #tpu.memory_space<vmem>> -> memref<125x32xf32, #tpu.memory_space<vmem>>
      %dma_start3A_271 = arith.constant 0 : i32
      %dma_start3A_272 = tpu.memref_slice %arg5[%mul3A_206, %dma_start3A_267, %dma_start3A_271] : memref<10x8x125xi32, #tpu.memory_space<vmem>> -> memref<1x1x125xi32, #tpu.memory_space<vmem>>
      %dma_start3A_273 = tpu.memref_squeeze %dma_start3A_272 : memref<1x1x125xi32, #tpu.memory_space<vmem>> -> memref<125xi32, #tpu.memory_space<vmem>>
      %dma_start3A_274 = arith.constant 0 : i32
      %dma_start3A_275 = arith.constant 0 : i32
      %dma_start3A_276 = tpu.memref_slice %arg9[%dma_start3A_274, %dma_start3A_275] : memref<10000x32xf32, #tpu.memory_space<vmem_shared>> -> memref<10000x32xf32, #tpu.memory_space<vmem_shared>>
      tpu.enqueue_indirect_dma source(%dma_start3A_270 : memref<125x32xf32, #tpu.memory_space<vmem>>) target(%dma_start3A_276 : memref<10000x32xf32, #tpu.memory_space<vmem_shared>>) offsets(%dma_start3A_273 : memref<125xi32, #tpu.memory_space<vmem>>) semaphore(%arg12 : memref<!tpu.dma_semaphore, #tpu.memory_space<semaphore_mem>>) {add = true}
      %dma_start3A_277 = arith.constant 5 : i32
      %dma_start3A_278 = arith.constant 625 : i32
      %dma_start3A_279 = arith.constant 0 : i32
      %dma_start3A_280 = tpu.memref_slice %arg6[%dma_start3A_278, %dma_start3A_279] : memref<1000x32xf32, #tpu.memory_space<vmem>> -> memref<125x32xf32, #tpu.memory_space<vmem>>
      %dma_start3A_281 = arith.constant 0 : i32
      %dma_start3A_282 = tpu.memref_slice %arg5[%mul3A_206, %dma_start3A_277, %dma_start3A_281] : memref<10x8x125xi32, #tpu.memory_space<vmem>> -> memref<1x1x125xi32, #tpu.memory_space<vmem>>
      %dma_start3A_283 = tpu.memref_squeeze %dma_start3A_282 : memref<1x1x125xi32, #tpu.memory_space<vmem>> -> memref<125xi32, #tpu.memory_space<vmem>>
      %dma_start3A_284 = arith.constant 0 : i32
      %dma_start3A_285 = arith.constant 0 : i32
      %dma_start3A_286 = tpu.memref_slice %arg9[%dma_start3A_284, %dma_start3A_285] : memref<10000x32xf32, #tpu.memory_space<vmem_shared>> -> memref<10000x32xf32, #tpu.memory_space<vmem_shared>>
      tpu.enqueue_indirect_dma source(%dma_start3A_280 : memref<125x32xf32, #tpu.memory_space<vmem>>) target(%dma_start3A_286 : memref<10000x32xf32, #tpu.memory_space<vmem_shared>>) offsets(%dma_start3A_283 : memref<125xi32, #tpu.memory_space<vmem>>) semaphore(%arg12 : memref<!tpu.dma_semaphore, #tpu.memory_space<semaphore_mem>>) {add = true}
      %dma_start3A_287 = arith.constant 6 : i32
      %dma_start3A_288 = arith.constant 750 : i32
      %dma_start3A_289 = arith.constant 0 : i32
      %dma_start3A_290 = tpu.memref_slice %arg6[%dma_start3A_288, %dma_start3A_289] : memref<1000x32xf32, #tpu.memory_space<vmem>> -> memref<125x32xf32, #tpu.memory_space<vmem>>
      %dma_start3A_291 = arith.constant 0 : i32
      %dma_start3A_292 = tpu.memref_slice %arg5[%mul3A_206, %dma_start3A_287, %dma_start3A_291] : memref<10x8x125xi32, #tpu.memory_space<vmem>> -> memref<1x1x125xi32, #tpu.memory_space<vmem>>
      %dma_start3A_293 = tpu.memref_squeeze %dma_start3A_292 : memref<1x1x125xi32, #tpu.memory_space<vmem>> -> memref<125xi32, #tpu.memory_space<vmem>>
      %dma_start3A_294 = arith.constant 0 : i32
      %dma_start3A_295 = arith.constant 0 : i32
      %dma_start3A_296 = tpu.memref_slice %arg9[%dma_start3A_294, %dma_start3A_295] : memref<10000x32xf32, #tpu.memory_space<vmem_shared>> -> memref<10000x32xf32, #tpu.memory_space<vmem_shared>>
      tpu.enqueue_indirect_dma source(%dma_start3A_290 : memref<125x32xf32, #tpu.memory_space<vmem>>) target(%dma_start3A_296 : memref<10000x32xf32, #tpu.memory_space<vmem_shared>>) offsets(%dma_start3A_293 : memref<125xi32, #tpu.memory_space<vmem>>) semaphore(%arg12 : memref<!tpu.dma_semaphore, #tpu.memory_space<semaphore_mem>>) {add = true}
      %dma_start3A_297 = arith.constant 7 : i32
      %dma_start3A_298 = arith.constant 875 : i32
      %dma_start3A_299 = arith.constant 0 : i32
      %dma_start3A_300 = tpu.memref_slice %arg6[%dma_start3A_298, %dma_start3A_299] : memref<1000x32xf32, #tpu.memory_space<vmem>> -> memref<125x32xf32, #tpu.memory_space<vmem>>
      %dma_start3A_301 = arith.constant 0 : i32
      %dma_start3A_302 = tpu.memref_slice %arg5[%mul3A_206, %dma_start3A_297, %dma_start3A_301] : memref<10x8x125xi32, #tpu.memory_space<vmem>> -> memref<1x1x125xi32, #tpu.memory_space<vmem>>
      %dma_start3A_303 = tpu.memref_squeeze %dma_start3A_302 : memref<1x1x125xi32, #tpu.memory_space<vmem>> -> memref<125xi32, #tpu.memory_space<vmem>>
      %dma_start3A_304 = arith.constant 0 : i32
      %dma_start3A_305 = arith.constant 0 : i32
      %dma_start3A_306 = tpu.memref_slice %arg9[%dma_start3A_304, %dma_start3A_305] : memref<10000x32xf32, #tpu.memory_space<vmem_shared>> -> memref<10000x32xf32, #tpu.memory_space<vmem_shared>>
      tpu.enqueue_indirect_dma source(%dma_start3A_300 : memref<125x32xf32, #tpu.memory_space<vmem>>) target(%dma_start3A_306 : memref<10000x32xf32, #tpu.memory_space<vmem_shared>>) offsets(%dma_start3A_303 : memref<125xi32, #tpu.memory_space<vmem>>) semaphore(%arg12 : memref<!tpu.dma_semaphore, #tpu.memory_space<semaphore_mem>>) {add = true}
      %add3A_307 = arith.constant 2 : i32
      %add3A_308 = arith.addi %mul3A_206, %add3A_307 : i32
      %lt3A_309 = arith.constant 10 : i32
      %lt3A_310 = arith.cmpi slt, %add3A_308, %lt3A_309 : i32
      %convert_element_type3A_311 = arith.extui %lt3A_310 : i1 to i32
      %cond3A_312 = arith.constant 0 : i32
      %cond3A_313 = arith.cmpi ne, %convert_element_type3A_311, %cond3A_312 : i32
      scf.if %cond3A_313 {
        %dma_wait3A_321 = arith.constant 0 : i32
        %dma_wait3A_322 = arith.constant 0 : i32
        %dma_wait3A_323 = arith.constant 0 : i32
        %dma_wait3A_324 = tpu.memref_slice %arg6[%dma_wait3A_322, %dma_wait3A_323] : memref<1000x32xf32, #tpu.memory_space<vmem>> -> memref<125x32xf32, #tpu.memory_space<vmem>>
        %dma_wait3A_325 = arith.constant 0 : i32
        %dma_wait3A_326 = tpu.memref_slice %arg5[%mul3A_206, %dma_wait3A_321, %dma_wait3A_325] : memref<10x8x125xi32, #tpu.memory_space<vmem>> -> memref<1x1x125xi32, #tpu.memory_space<vmem>>
        %dma_wait3A_327 = tpu.memref_squeeze %dma_wait3A_326 : memref<1x1x125xi32, #tpu.memory_space<vmem>> -> memref<125xi32, #tpu.memory_space<vmem>>
        %dma_wait3A_328 = arith.constant 0 : i32
        %dma_wait3A_329 = arith.constant 0 : i32
        %dma_wait3A_330 = tpu.memref_slice %arg9[%dma_wait3A_328, %dma_wait3A_329] : memref<10000x32xf32, #tpu.memory_space<vmem_shared>> -> memref<10000x32xf32, #tpu.memory_space<vmem_shared>>
        tpu.wait_indirect_dma semaphore(%arg12 : memref<!tpu.dma_semaphore, #tpu.memory_space<semaphore_mem>>) src(%dma_wait3A_324 : memref<125x32xf32, #tpu.memory_space<vmem>>) dst(%dma_wait3A_330 : memref<10000x32xf32, #tpu.memory_space<vmem_shared>>)
        %dma_wait3A_331 = arith.constant 1 : i32
        %dma_wait3A_332 = arith.constant 125 : i32
        %dma_wait3A_333 = arith.constant 0 : i32
        %dma_wait3A_334 = tpu.memref_slice %arg6[%dma_wait3A_332, %dma_wait3A_333] : memref<1000x32xf32, #tpu.memory_space<vmem>> -> memref<125x32xf32, #tpu.memory_space<vmem>>
        %dma_wait3A_335 = arith.constant 0 : i32
        %dma_wait3A_336 = tpu.memref_slice %arg5[%mul3A_206, %dma_wait3A_331, %dma_wait3A_335] : memref<10x8x125xi32, #tpu.memory_space<vmem>> -> memref<1x1x125xi32, #tpu.memory_space<vmem>>
        %dma_wait3A_337 = tpu.memref_squeeze %dma_wait3A_336 : memref<1x1x125xi32, #tpu.memory_space<vmem>> -> memref<125xi32, #tpu.memory_space<vmem>>
        %dma_wait3A_338 = arith.constant 0 : i32
        %dma_wait3A_339 = arith.constant 0 : i32
        %dma_wait3A_340 = tpu.memref_slice %arg9[%dma_wait3A_338, %dma_wait3A_339] : memref<10000x32xf32, #tpu.memory_space<vmem_shared>> -> memref<10000x32xf32, #tpu.memory_space<vmem_shared>>
        tpu.wait_indirect_dma semaphore(%arg12 : memref<!tpu.dma_semaphore, #tpu.memory_space<semaphore_mem>>) src(%dma_wait3A_334 : memref<125x32xf32, #tpu.memory_space<vmem>>) dst(%dma_wait3A_340 : memref<10000x32xf32, #tpu.memory_space<vmem_shared>>)
        %dma_wait3A_341 = arith.constant 2 : i32
        %dma_wait3A_342 = arith.constant 250 : i32
        %dma_wait3A_343 = arith.constant 0 : i32
        %dma_wait3A_344 = tpu.memref_slice %arg6[%dma_wait3A_342, %dma_wait3A_343] : memref<1000x32xf32, #tpu.memory_space<vmem>> -> memref<125x32xf32, #tpu.memory_space<vmem>>
        %dma_wait3A_345 = arith.constant 0 : i32
        %dma_wait3A_346 = tpu.memref_slice %arg5[%mul3A_206, %dma_wait3A_341, %dma_wait3A_345] : memref<10x8x125xi32, #tpu.memory_space<vmem>> -> memref<1x1x125xi32, #tpu.memory_space<vmem>>
        %dma_wait3A_347 = tpu.memref_squeeze %dma_wait3A_346 : memref<1x1x125xi32, #tpu.memory_space<vmem>> -> memref<125xi32, #tpu.memory_space<vmem>>
        %dma_wait3A_348 = arith.constant 0 : i32
        %dma_wait3A_349 = arith.constant 0 : i32
        %dma_wait3A_350 = tpu.memref_slice %arg9[%dma_wait3A_348, %dma_wait3A_349] : memref<10000x32xf32, #tpu.memory_space<vmem_shared>> -> memref<10000x32xf32, #tpu.memory_space<vmem_shared>>
        tpu.wait_indirect_dma semaphore(%arg12 : memref<!tpu.dma_semaphore, #tpu.memory_space<semaphore_mem>>) src(%dma_wait3A_344 : memref<125x32xf32, #tpu.memory_space<vmem>>) dst(%dma_wait3A_350 : memref<10000x32xf32, #tpu.memory_space<vmem_shared>>)
        %dma_wait3A_351 = arith.constant 3 : i32
        %dma_wait3A_352 = arith.constant 375 : i32
        %dma_wait3A_353 = arith.constant 0 : i32
        %dma_wait3A_354 = tpu.memref_slice %arg6[%dma_wait3A_352, %dma_wait3A_353] : memref<1000x32xf32, #tpu.memory_space<vmem>> -> memref<125x32xf32, #tpu.memory_space<vmem>>
        %dma_wait3A_355 = arith.constant 0 : i32
        %dma_wait3A_356 = tpu.memref_slice %arg5[%mul3A_206, %dma_wait3A_351, %dma_wait3A_355] : memref<10x8x125xi32, #tpu.memory_space<vmem>> -> memref<1x1x125xi32, #tpu.memory_space<vmem>>
        %dma_wait3A_357 = tpu.memref_squeeze %dma_wait3A_356 : memref<1x1x125xi32, #tpu.memory_space<vmem>> -> memref<125xi32, #tpu.memory_space<vmem>>
        %dma_wait3A_358 = arith.constant 0 : i32
        %dma_wait3A_359 = arith.constant 0 : i32
        %dma_wait3A_360 = tpu.memref_slice %arg9[%dma_wait3A_358, %dma_wait3A_359] : memref<10000x32xf32, #tpu.memory_space<vmem_shared>> -> memref<10000x32xf32, #tpu.memory_space<vmem_shared>>
        tpu.wait_indirect_dma semaphore(%arg12 : memref<!tpu.dma_semaphore, #tpu.memory_space<semaphore_mem>>) src(%dma_wait3A_354 : memref<125x32xf32, #tpu.memory_space<vmem>>) dst(%dma_wait3A_360 : memref<10000x32xf32, #tpu.memory_space<vmem_shared>>)
        %dma_wait3A_361 = arith.constant 4 : i32
        %dma_wait3A_362 = arith.constant 500 : i32
        %dma_wait3A_363 = arith.constant 0 : i32
        %dma_wait3A_364 = tpu.memref_slice %arg6[%dma_wait3A_362, %dma_wait3A_363] : memref<1000x32xf32, #tpu.memory_space<vmem>> -> memref<125x32xf32, #tpu.memory_space<vmem>>
        %dma_wait3A_365 = arith.constant 0 : i32
        %dma_wait3A_366 = tpu.memref_slice %arg5[%mul3A_206, %dma_wait3A_361, %dma_wait3A_365] : memref<10x8x125xi32, #tpu.memory_space<vmem>> -> memref<1x1x125xi32, #tpu.memory_space<vmem>>
        %dma_wait3A_367 = tpu.memref_squeeze %dma_wait3A_366 : memref<1x1x125xi32, #tpu.memory_space<vmem>> -> memref<125xi32, #tpu.memory_space<vmem>>
        %dma_wait3A_368 = arith.constant 0 : i32
        %dma_wait3A_369 = arith.constant 0 : i32
        %dma_wait3A_370 = tpu.memref_slice %arg9[%dma_wait3A_368, %dma_wait3A_369] : memref<10000x32xf32, #tpu.memory_space<vmem_shared>> -> memref<10000x32xf32, #tpu.memory_space<vmem_shared>>
        tpu.wait_indirect_dma semaphore(%arg12 : memref<!tpu.dma_semaphore, #tpu.memory_space<semaphore_mem>>) src(%dma_wait3A_364 : memref<125x32xf32, #tpu.memory_space<vmem>>) dst(%dma_wait3A_370 : memref<10000x32xf32, #tpu.memory_space<vmem_shared>>)
        %dma_wait3A_371 = arith.constant 5 : i32
        %dma_wait3A_372 = arith.constant 625 : i32
        %dma_wait3A_373 = arith.constant 0 : i32
        %dma_wait3A_374 = tpu.memref_slice %arg6[%dma_wait3A_372, %dma_wait3A_373] : memref<1000x32xf32, #tpu.memory_space<vmem>> -> memref<125x32xf32, #tpu.memory_space<vmem>>
        %dma_wait3A_375 = arith.constant 0 : i32
        %dma_wait3A_376 = tpu.memref_slice %arg5[%mul3A_206, %dma_wait3A_371, %dma_wait3A_375] : memref<10x8x125xi32, #tpu.memory_space<vmem>> -> memref<1x1x125xi32, #tpu.memory_space<vmem>>
        %dma_wait3A_377 = tpu.memref_squeeze %dma_wait3A_376 : memref<1x1x125xi32, #tpu.memory_space<vmem>> -> memref<125xi32, #tpu.memory_space<vmem>>
        %dma_wait3A_378 = arith.constant 0 : i32
        %dma_wait3A_379 = arith.constant 0 : i32
        %dma_wait3A_380 = tpu.memref_slice %arg9[%dma_wait3A_378, %dma_wait3A_379] : memref<10000x32xf32, #tpu.memory_space<vmem_shared>> -> memref<10000x32xf32, #tpu.memory_space<vmem_shared>>
        tpu.wait_indirect_dma semaphore(%arg12 : memref<!tpu.dma_semaphore, #tpu.memory_space<semaphore_mem>>) src(%dma_wait3A_374 : memref<125x32xf32, #tpu.memory_space<vmem>>) dst(%dma_wait3A_380 : memref<10000x32xf32, #tpu.memory_space<vmem_shared>>)
        %dma_wait3A_381 = arith.constant 6 : i32
        %dma_wait3A_382 = arith.constant 750 : i32
        %dma_wait3A_383 = arith.constant 0 : i32
        %dma_wait3A_384 = tpu.memref_slice %arg6[%dma_wait3A_382, %dma_wait3A_383] : memref<1000x32xf32, #tpu.memory_space<vmem>> -> memref<125x32xf32, #tpu.memory_space<vmem>>
        %dma_wait3A_385 = arith.constant 0 : i32
        %dma_wait3A_386 = tpu.memref_slice %arg5[%mul3A_206, %dma_wait3A_381, %dma_wait3A_385] : memref<10x8x125xi32, #tpu.memory_space<vmem>> -> memref<1x1x125xi32, #tpu.memory_space<vmem>>
        %dma_wait3A_387 = tpu.memref_squeeze %dma_wait3A_386 : memref<1x1x125xi32, #tpu.memory_space<vmem>> -> memref<125xi32, #tpu.memory_space<vmem>>
        %dma_wait3A_388 = arith.constant 0 : i32
        %dma_wait3A_389 = arith.constant 0 : i32
        %dma_wait3A_390 = tpu.memref_slice %arg9[%dma_wait3A_388, %dma_wait3A_389] : memref<10000x32xf32, #tpu.memory_space<vmem_shared>> -> memref<10000x32xf32, #tpu.memory_space<vmem_shared>>
        tpu.wait_indirect_dma semaphore(%arg12 : memref<!tpu.dma_semaphore, #tpu.memory_space<semaphore_mem>>) src(%dma_wait3A_384 : memref<125x32xf32, #tpu.memory_space<vmem>>) dst(%dma_wait3A_390 : memref<10000x32xf32, #tpu.memory_space<vmem_shared>>)
        %dma_wait3A_391 = arith.constant 7 : i32
        %dma_wait3A_392 = arith.constant 875 : i32
        %dma_wait3A_393 = arith.constant 0 : i32
        %dma_wait3A_394 = tpu.memref_slice %arg6[%dma_wait3A_392, %dma_wait3A_393] : memref<1000x32xf32, #tpu.memory_space<vmem>> -> memref<125x32xf32, #tpu.memory_space<vmem>>
        %dma_wait3A_395 = arith.constant 0 : i32
        %dma_wait3A_396 = tpu.memref_slice %arg5[%mul3A_206, %dma_wait3A_391, %dma_wait3A_395] : memref<10x8x125xi32, #tpu.memory_space<vmem>> -> memref<1x1x125xi32, #tpu.memory_space<vmem>>
        %dma_wait3A_397 = tpu.memref_squeeze %dma_wait3A_396 : memref<1x1x125xi32, #tpu.memory_space<vmem>> -> memref<125xi32, #tpu.memory_space<vmem>>
        %dma_wait3A_398 = arith.constant 0 : i32
        %dma_wait3A_399 = arith.constant 0 : i32
        %dma_wait3A_400 = tpu.memref_slice %arg9[%dma_wait3A_398, %dma_wait3A_399] : memref<10000x32xf32, #tpu.memory_space<vmem_shared>> -> memref<10000x32xf32, #tpu.memory_space<vmem_shared>>
        tpu.wait_indirect_dma semaphore(%arg12 : memref<!tpu.dma_semaphore, #tpu.memory_space<semaphore_mem>>) src(%dma_wait3A_394 : memref<125x32xf32, #tpu.memory_space<vmem>>) dst(%dma_wait3A_400 : memref<10000x32xf32, #tpu.memory_space<vmem_shared>>)
        %add3A_401 = arith.constant 2 : i32
        %add3A_402 = arith.addi %mul3A_206, %add3A_401 : i32
        %dma_start3A_403 = arith.constant 0 : i32
        %dma_start3A_404 = arith.constant 0 : i32
        %dma_start3A_405 = tpu.memref_slice %arg2[%add3A, %add3A_402, %dma_start3A_403, %dma_start3A_404] : memref<32x10x1000x32xf32, #tpu.memory_space<hbm>> -> memref<1x1x1000x32xf32, #tpu.memory_space<hbm>>
        %dma_start3A_406 = tpu.memref_squeeze %dma_start3A_405 : memref<1x1x1000x32xf32, #tpu.memory_space<hbm>> -> memref<1000x32xf32, #tpu.memory_space<hbm>>
        %dma_start3A_407 = arith.constant 0 : i32
        %dma_start3A_408 = arith.constant 0 : i32
        %dma_start3A_409 = tpu.memref_slice %arg2[%add3A, %add3A_402, %dma_start3A_407, %dma_start3A_408] : memref<32x10x1000x32xf32, #tpu.memory_space<hbm>> -> memref<1x1x1000x32xf32, #tpu.memory_space<hbm>>
        %dma_start3A_410 = tpu.memref_squeeze %dma_start3A_409 : memref<1x1x1000x32xf32, #tpu.memory_space<hbm>> -> memref<1000x32xf32, #tpu.memory_space<hbm>>
        tpu.enqueue_dma source(%dma_start3A_410 : memref<1000x32xf32, #tpu.memory_space<hbm>>) target(%arg6 : memref<1000x32xf32, #tpu.memory_space<vmem>>) target_semaphore(%arg10 : memref<!tpu.dma_semaphore, #tpu.memory_space<semaphore_mem>>)
      } else {
      }
      %add3A_314 = arith.constant 1 : i32
      %add3A_315 = arith.addi %mul3A_206, %add3A_314 : i32
      %lt3A_316 = arith.constant 10 : i32
      %lt3A_317 = arith.cmpi slt, %add3A_315, %lt3A_316 : i32
      %convert_element_type3A_318 = arith.extui %lt3A_317 : i1 to i32
      %cond3A_319 = arith.constant 0 : i32
      %cond3A_320 = arith.cmpi ne, %convert_element_type3A_318, %cond3A_319 : i32
      scf.if %cond3A_320 {
        %dma_wait3A_321 = arith.constant 0 : i32
        %dma_wait3A_322 = arith.constant 0 : i32
        %dma_wait3A_323 = arith.constant 0 : i32
        %dma_wait3A_324 = tpu.memref_slice %arg2[%add3A, %dma_wait3A_321, %dma_wait3A_322, %dma_wait3A_323] : memref<32x10x1000x32xf32, #tpu.memory_space<hbm>> -> memref<1x1x1000x32xf32, #tpu.memory_space<hbm>>
        %dma_wait3A_325 = tpu.memref_squeeze %dma_wait3A_324 : memref<1x1x1000x32xf32, #tpu.memory_space<hbm>> -> memref<1000x32xf32, #tpu.memory_space<hbm>>
        %dma_wait3A_326 = arith.constant 0 : i32
        %dma_wait3A_327 = arith.constant 0 : i32
        %dma_wait3A_328 = tpu.memref_slice %arg2[%add3A, %dma_wait3A_321, %dma_wait3A_326, %dma_wait3A_327] : memref<32x10x1000x32xf32, #tpu.memory_space<hbm>> -> memref<1x1x1000x32xf32, #tpu.memory_space<hbm>>
        %dma_wait3A_329 = tpu.memref_squeeze %dma_wait3A_328 : memref<1x1x1000x32xf32, #tpu.memory_space<hbm>> -> memref<1000x32xf32, #tpu.memory_space<hbm>>
        tpu.wait_dma2 semaphore(%arg11 : memref<!tpu.dma_semaphore, #tpu.memory_space<semaphore_mem>>) src(%dma_wait3A_329 : memref<1000x32xf32, #tpu.memory_space<hbm>>) dst(%arg7 : memref<1000x32xf32, #tpu.memory_space<vmem>>)
        %add3A_330 = arith.constant 1 : i32
        %add3A_331 = arith.addi %mul3A_206, %add3A_330 : i32
        %dma_start3A_332 = arith.constant 0 : i32
        %dma_start3A_333 = arith.constant 0 : i32
        %dma_start3A_334 = arith.constant 0 : i32
        %dma_start3A_335 = tpu.memref_slice %arg7[%dma_start3A_333, %dma_start3A_334] : memref<1000x32xf32, #tpu.memory_space<vmem>> -> memref<125x32xf32, #tpu.memory_space<vmem>>
        %dma_start3A_336 = arith.constant 0 : i32
        %dma_start3A_337 = tpu.memref_slice %arg5[%add3A_331, %dma_start3A_332, %dma_start3A_336] : memref<10x8x125xi32, #tpu.memory_space<vmem>> -> memref<1x1x125xi32, #tpu.memory_space<vmem>>
        %dma_start3A_338 = tpu.memref_squeeze %dma_start3A_337 : memref<1x1x125xi32, #tpu.memory_space<vmem>> -> memref<125xi32, #tpu.memory_space<vmem>>
        %dma_start3A_339 = arith.constant 0 : i32
        %dma_start3A_340 = arith.constant 0 : i32
        %dma_start3A_341 = tpu.memref_slice %arg9[%dma_start3A_339, %dma_start3A_340] : memref<10000x32xf32, #tpu.memory_space<vmem_shared>> -> memref<10000x32xf32, #tpu.memory_space<vmem_shared>>
        tpu.enqueue_indirect_dma source(%dma_start3A_335 : memref<125x32xf32, #tpu.memory_space<vmem>>) target(%dma_start3A_341 : memref<10000x32xf32, #tpu.memory_space<vmem_shared>>) offsets(%dma_start3A_338 : memref<125xi32, #tpu.memory_space<vmem>>) semaphore(%arg13 : memref<!tpu.dma_semaphore, #tpu.memory_space<semaphore_mem>>) {add = true}
        %dma_start3A_342 = arith.constant 1 : i32
        %dma_start3A_343 = arith.constant 125 : i32
        %dma_start3A_344 = arith.constant 0 : i32
        %dma_start3A_345 = tpu.memref_slice %arg7[%dma_start3A_343, %dma_start3A_344] : memref<1000x32xf32, #tpu.memory_space<vmem>> -> memref<125x32xf32, #tpu.memory_space<vmem>>
        %dma_start3A_346 = arith.constant 0 : i32
        %dma_start3A_347 = tpu.memref_slice %arg5[%add3A_331, %dma_start3A_342, %dma_start3A_346] : memref<10x8x125xi32, #tpu.memory_space<vmem>> -> memref<1x1x125xi32, #tpu.memory_space<vmem>>
        %dma_start3A_348 = tpu.memref_squeeze %dma_start3A_347 : memref<1x1x125xi32, #tpu.memory_space<vmem>> -> memref<125xi32, #tpu.memory_space<vmem>>
        %dma_start3A_349 = arith.constant 0 : i32
        %dma_start3A_350 = arith.constant 0 : i32
        %dma_start3A_351 = tpu.memref_slice %arg9[%dma_start3A_349, %dma_start3A_350] : memref<10000x32xf32, #tpu.memory_space<vmem_shared>> -> memref<10000x32xf32, #tpu.memory_space<vmem_shared>>
        tpu.enqueue_indirect_dma source(%dma_start3A_345 : memref<125x32xf32, #tpu.memory_space<vmem>>) target(%dma_start3A_351 : memref<10000x32xf32, #tpu.memory_space<vmem_shared>>) offsets(%dma_start3A_348 : memref<125xi32, #tpu.memory_space<vmem>>) semaphore(%arg13 : memref<!tpu.dma_semaphore, #tpu.memory_space<semaphore_mem>>) {add = true}
        %dma_start3A_352 = arith.constant 2 : i32
        %dma_start3A_353 = arith.constant 250 : i32
        %dma_start3A_354 = arith.constant 0 : i32
        %dma_start3A_355 = tpu.memref_slice %arg7[%dma_start3A_353, %dma_start3A_354] : memref<1000x32xf32, #tpu.memory_space<vmem>> -> memref<125x32xf32, #tpu.memory_space<vmem>>
        %dma_start3A_356 = arith.constant 0 : i32
        %dma_start3A_357 = tpu.memref_slice %arg5[%add3A_331, %dma_start3A_352, %dma_start3A_356] : memref<10x8x125xi32, #tpu.memory_space<vmem>> -> memref<1x1x125xi32, #tpu.memory_space<vmem>>
        %dma_start3A_358 = tpu.memref_squeeze %dma_start3A_357 : memref<1x1x125xi32, #tpu.memory_space<vmem>> -> memref<125xi32, #tpu.memory_space<vmem>>
        %dma_start3A_359 = arith.constant 0 : i32
        %dma_start3A_360 = arith.constant 0 : i32
        %dma_start3A_361 = tpu.memref_slice %arg9[%dma_start3A_359, %dma_start3A_360] : memref<10000x32xf32, #tpu.memory_space<vmem_shared>> -> memref<10000x32xf32, #tpu.memory_space<vmem_shared>>
        tpu.enqueue_indirect_dma source(%dma_start3A_355 : memref<125x32xf32, #tpu.memory_space<vmem>>) target(%dma_start3A_361 : memref<10000x32xf32, #tpu.memory_space<vmem_shared>>) offsets(%dma_start3A_358 : memref<125xi32, #tpu.memory_space<vmem>>) semaphore(%arg13 : memref<!tpu.dma_semaphore, #tpu.memory_space<semaphore_mem>>) {add = true}
        %dma_start3A_362 = arith.constant 3 : i32
        %dma_start3A_363 = arith.constant 375 : i32
        %dma_start3A_364 = arith.constant 0 : i32
        %dma_start3A_365 = tpu.memref_slice %arg7[%dma_start3A_363, %dma_start3A_364] : memref<1000x32xf32, #tpu.memory_space<vmem>> -> memref<125x32xf32, #tpu.memory_space<vmem>>
        %dma_start3A_366 = arith.constant 0 : i32
        %dma_start3A_367 = tpu.memref_slice %arg5[%add3A_331, %dma_start3A_362, %dma_start3A_366] : memref<10x8x125xi32, #tpu.memory_space<vmem>> -> memref<1x1x125xi32, #tpu.memory_space<vmem>>
        %dma_start3A_368 = tpu.memref_squeeze %dma_start3A_367 : memref<1x1x125xi32, #tpu.memory_space<vmem>> -> memref<125xi32, #tpu.memory_space<vmem>>
        %dma_start3A_369 = arith.constant 0 : i32
        %dma_start3A_370 = arith.constant 0 : i32
        %dma_start3A_371 = tpu.memref_slice %arg9[%dma_start3A_369, %dma_start3A_370] : memref<10000x32xf32, #tpu.memory_space<vmem_shared>> -> memref<10000x32xf32, #tpu.memory_space<vmem_shared>>
        tpu.enqueue_indirect_dma source(%dma_start3A_365 : memref<125x32xf32, #tpu.memory_space<vmem>>) target(%dma_start3A_371 : memref<10000x32xf32, #tpu.memory_space<vmem_shared>>) offsets(%dma_start3A_368 : memref<125xi32, #tpu.memory_space<vmem>>) semaphore(%arg13 : memref<!tpu.dma_semaphore, #tpu.memory_space<semaphore_mem>>) {add = true}
        %dma_start3A_372 = arith.constant 4 : i32
        %dma_start3A_373 = arith.constant 500 : i32
        %dma_start3A_374 = arith.constant 0 : i32
        %dma_start3A_375 = tpu.memref_slice %arg7[%dma_start3A_373, %dma_start3A_374] : memref<1000x32xf32, #tpu.memory_space<vmem>> -> memref<125x32xf32, #tpu.memory_space<vmem>>
        %dma_start3A_376 = arith.constant 0 : i32
        %dma_start3A_377 = tpu.memref_slice %arg5[%add3A_331, %dma_start3A_372, %dma_start3A_376] : memref<10x8x125xi32, #tpu.memory_space<vmem>> -> memref<1x1x125xi32, #tpu.memory_space<vmem>>
        %dma_start3A_378 = tpu.memref_squeeze %dma_start3A_377 : memref<1x1x125xi32, #tpu.memory_space<vmem>> -> memref<125xi32, #tpu.memory_space<vmem>>
        %dma_start3A_379 = arith.constant 0 : i32
        %dma_start3A_380 = arith.constant 0 : i32
        %dma_start3A_381 = tpu.memref_slice %arg9[%dma_start3A_379, %dma_start3A_380] : memref<10000x32xf32, #tpu.memory_space<vmem_shared>> -> memref<10000x32xf32, #tpu.memory_space<vmem_shared>>
        tpu.enqueue_indirect_dma source(%dma_start3A_375 : memref<125x32xf32, #tpu.memory_space<vmem>>) target(%dma_start3A_381 : memref<10000x32xf32, #tpu.memory_space<vmem_shared>>) offsets(%dma_start3A_378 : memref<125xi32, #tpu.memory_space<vmem>>) semaphore(%arg13 : memref<!tpu.dma_semaphore, #tpu.memory_space<semaphore_mem>>) {add = true}
        %dma_start3A_382 = arith.constant 5 : i32
        %dma_start3A_383 = arith.constant 625 : i32
        %dma_start3A_384 = arith.constant 0 : i32
        %dma_start3A_385 = tpu.memref_slice %arg7[%dma_start3A_383, %dma_start3A_384] : memref<1000x32xf32, #tpu.memory_space<vmem>> -> memref<125x32xf32, #tpu.memory_space<vmem>>
        %dma_start3A_386 = arith.constant 0 : i32
        %dma_start3A_387 = tpu.memref_slice %arg5[%add3A_331, %dma_start3A_382, %dma_start3A_386] : memref<10x8x125xi32, #tpu.memory_space<vmem>> -> memref<1x1x125xi32, #tpu.memory_space<vmem>>
        %dma_start3A_388 = tpu.memref_squeeze %dma_start3A_387 : memref<1x1x125xi32, #tpu.memory_space<vmem>> -> memref<125xi32, #tpu.memory_space<vmem>>
        %dma_start3A_389 = arith.constant 0 : i32
        %dma_start3A_390 = arith.constant 0 : i32
        %dma_start3A_391 = tpu.memref_slice %arg9[%dma_start3A_389, %dma_start3A_390] : memref<10000x32xf32, #tpu.memory_space<vmem_shared>> -> memref<10000x32xf32, #tpu.memory_space<vmem_shared>>
        tpu.enqueue_indirect_dma source(%dma_start3A_385 : memref<125x32xf32, #tpu.memory_space<vmem>>) target(%dma_start3A_391 : memref<10000x32xf32, #tpu.memory_space<vmem_shared>>) offsets(%dma_start3A_388 : memref<125xi32, #tpu.memory_space<vmem>>) semaphore(%arg13 : memref<!tpu.dma_semaphore, #tpu.memory_space<semaphore_mem>>) {add = true}
        %dma_start3A_392 = arith.constant 6 : i32
        %dma_start3A_393 = arith.constant 750 : i32
        %dma_start3A_394 = arith.constant 0 : i32
        %dma_start3A_395 = tpu.memref_slice %arg7[%dma_start3A_393, %dma_start3A_394] : memref<1000x32xf32, #tpu.memory_space<vmem>> -> memref<125x32xf32, #tpu.memory_space<vmem>>
        %dma_start3A_396 = arith.constant 0 : i32
        %dma_start3A_397 = tpu.memref_slice %arg5[%add3A_331, %dma_start3A_392, %dma_start3A_396] : memref<10x8x125xi32, #tpu.memory_space<vmem>> -> memref<1x1x125xi32, #tpu.memory_space<vmem>>
        %dma_start3A_398 = tpu.memref_squeeze %dma_start3A_397 : memref<1x1x125xi32, #tpu.memory_space<vmem>> -> memref<125xi32, #tpu.memory_space<vmem>>
        %dma_start3A_399 = arith.constant 0 : i32
        %dma_start3A_400 = arith.constant 0 : i32
        %dma_start3A_401 = tpu.memref_slice %arg9[%dma_start3A_399, %dma_start3A_400] : memref<10000x32xf32, #tpu.memory_space<vmem_shared>> -> memref<10000x32xf32, #tpu.memory_space<vmem_shared>>
        tpu.enqueue_indirect_dma source(%dma_start3A_395 : memref<125x32xf32, #tpu.memory_space<vmem>>) target(%dma_start3A_401 : memref<10000x32xf32, #tpu.memory_space<vmem_shared>>) offsets(%dma_start3A_398 : memref<125xi32, #tpu.memory_space<vmem>>) semaphore(%arg13 : memref<!tpu.dma_semaphore, #tpu.memory_space<semaphore_mem>>) {add = true}
        %dma_start3A_402 = arith.constant 7 : i32
        %dma_start3A_403 = arith.constant 875 : i32
        %dma_start3A_404 = arith.constant 0 : i32
        %dma_start3A_405 = tpu.memref_slice %arg7[%dma_start3A_403, %dma_start3A_404] : memref<1000x32xf32, #tpu.memory_space<vmem>> -> memref<125x32xf32, #tpu.memory_space<vmem>>
        %dma_start3A_406 = arith.constant 0 : i32
        %dma_start3A_407 = tpu.memref_slice %arg5[%add3A_331, %dma_start3A_402, %dma_start3A_406] : memref<10x8x125xi32, #tpu.memory_space<vmem>> -> memref<1x1x125xi32, #tpu.memory_space<vmem>>
        %dma_start3A_408 = tpu.memref_squeeze %dma_start3A_407 : memref<1x1x125xi32, #tpu.memory_space<vmem>> -> memref<125xi32, #tpu.memory_space<vmem>>
        %dma_start3A_409 = arith.constant 0 : i32
        %dma_start3A_410 = arith.constant 0 : i32
        %dma_start3A_411 = tpu.memref_slice %arg9[%dma_start3A_409, %dma_start3A_410] : memref<10000x32xf32, #tpu.memory_space<vmem_shared>> -> memref<10000x32xf32, #tpu.memory_space<vmem_shared>>
        tpu.enqueue_indirect_dma source(%dma_start3A_405 : memref<125x32xf32, #tpu.memory_space<vmem>>) target(%dma_start3A_411 : memref<10000x32xf32, #tpu.memory_space<vmem_shared>>) offsets(%dma_start3A_408 : memref<125xi32, #tpu.memory_space<vmem>>) semaphore(%arg13 : memref<!tpu.dma_semaphore, #tpu.memory_space<semaphore_mem>>) {add = true}
      } else {
      }
    }
    %scan3A_21 = arith.constant 5 : i32
    %dma_wait3A = arith.constant 8 : i32
    %dma_wait3A_22 = arith.constant 0 : i32
    %dma_wait3A_23 = arith.constant 0 : i32
    %dma_wait3A_24 = arith.constant 0 : i32
    %dma_wait3A_25 = tpu.memref_slice %arg6[%dma_wait3A_23, %dma_wait3A_24] : memref<1000x32xf32, #tpu.memory_space<vmem>> -> memref<125x32xf32, #tpu.memory_space<vmem>>
    %dma_wait3A_26 = arith.constant 0 : i32
    %dma_wait3A_27 = tpu.memref_slice %arg5[%dma_wait3A, %dma_wait3A_22, %dma_wait3A_26] : memref<10x8x125xi32, #tpu.memory_space<vmem>> -> memref<1x1x125xi32, #tpu.memory_space<vmem>>
    %dma_wait3A_28 = tpu.memref_squeeze %dma_wait3A_27 : memref<1x1x125xi32, #tpu.memory_space<vmem>> -> memref<125xi32, #tpu.memory_space<vmem>>
    %dma_wait3A_29 = arith.constant 0 : i32
    %dma_wait3A_30 = arith.constant 0 : i32
    %dma_wait3A_31 = tpu.memref_slice %arg9[%dma_wait3A_29, %dma_wait3A_30] : memref<10000x32xf32, #tpu.memory_space<vmem_shared>> -> memref<10000x32xf32, #tpu.memory_space<vmem_shared>>
    tpu.wait_indirect_dma semaphore(%arg12 : memref<!tpu.dma_semaphore, #tpu.memory_space<semaphore_mem>>) src(%dma_wait3A_25 : memref<125x32xf32, #tpu.memory_space<vmem>>) dst(%dma_wait3A_31 : memref<10000x32xf32, #tpu.memory_space<vmem_shared>>)
    %dma_wait3A_32 = arith.constant 8 : i32
    %dma_wait3A_33 = arith.constant 1 : i32
    %dma_wait3A_34 = arith.constant 125 : i32
    %dma_wait3A_35 = arith.constant 0 : i32
    %dma_wait3A_36 = tpu.memref_slice %arg6[%dma_wait3A_34, %dma_wait3A_35] : memref<1000x32xf32, #tpu.memory_space<vmem>> -> memref<125x32xf32, #tpu.memory_space<vmem>>
    %dma_wait3A_37 = arith.constant 0 : i32
    %dma_wait3A_38 = tpu.memref_slice %arg5[%dma_wait3A_32, %dma_wait3A_33, %dma_wait3A_37] : memref<10x8x125xi32, #tpu.memory_space<vmem>> -> memref<1x1x125xi32, #tpu.memory_space<vmem>>
    %dma_wait3A_39 = tpu.memref_squeeze %dma_wait3A_38 : memref<1x1x125xi32, #tpu.memory_space<vmem>> -> memref<125xi32, #tpu.memory_space<vmem>>
    %dma_wait3A_40 = arith.constant 0 : i32
    %dma_wait3A_41 = arith.constant 0 : i32
    %dma_wait3A_42 = tpu.memref_slice %arg9[%dma_wait3A_40, %dma_wait3A_41] : memref<10000x32xf32, #tpu.memory_space<vmem_shared>> -> memref<10000x32xf32, #tpu.memory_space<vmem_shared>>
    tpu.wait_indirect_dma semaphore(%arg12 : memref<!tpu.dma_semaphore, #tpu.memory_space<semaphore_mem>>) src(%dma_wait3A_36 : memref<125x32xf32, #tpu.memory_space<vmem>>) dst(%dma_wait3A_42 : memref<10000x32xf32, #tpu.memory_space<vmem_shared>>)
    %dma_wait3A_43 = arith.constant 8 : i32
    %dma_wait3A_44 = arith.constant 2 : i32
    %dma_wait3A_45 = arith.constant 250 : i32
    %dma_wait3A_46 = arith.constant 0 : i32
    %dma_wait3A_47 = tpu.memref_slice %arg6[%dma_wait3A_45, %dma_wait3A_46] : memref<1000x32xf32, #tpu.memory_space<vmem>> -> memref<125x32xf32, #tpu.memory_space<vmem>>
    %dma_wait3A_48 = arith.constant 0 : i32
    %dma_wait3A_49 = tpu.memref_slice %arg5[%dma_wait3A_43, %dma_wait3A_44, %dma_wait3A_48] : memref<10x8x125xi32, #tpu.memory_space<vmem>> -> memref<1x1x125xi32, #tpu.memory_space<vmem>>
    %dma_wait3A_50 = tpu.memref_squeeze %dma_wait3A_49 : memref<1x1x125xi32, #tpu.memory_space<vmem>> -> memref<125xi32, #tpu.memory_space<vmem>>
    %dma_wait3A_51 = arith.constant 0 : i32
    %dma_wait3A_52 = arith.constant 0 : i32
    %dma_wait3A_53 = tpu.memref_slice %arg9[%dma_wait3A_51, %dma_wait3A_52] : memref<10000x32xf32, #tpu.memory_space<vmem_shared>> -> memref<10000x32xf32, #tpu.memory_space<vmem_shared>>
    tpu.wait_indirect_dma semaphore(%arg12 : memref<!tpu.dma_semaphore, #tpu.memory_space<semaphore_mem>>) src(%dma_wait3A_47 : memref<125x32xf32, #tpu.memory_space<vmem>>) dst(%dma_wait3A_53 : memref<10000x32xf32, #tpu.memory_space<vmem_shared>>)
    %dma_wait3A_54 = arith.constant 8 : i32
    %dma_wait3A_55 = arith.constant 3 : i32
    %dma_wait3A_56 = arith.constant 375 : i32
    %dma_wait3A_57 = arith.constant 0 : i32
    %dma_wait3A_58 = tpu.memref_slice %arg6[%dma_wait3A_56, %dma_wait3A_57] : memref<1000x32xf32, #tpu.memory_space<vmem>> -> memref<125x32xf32, #tpu.memory_space<vmem>>
    %dma_wait3A_59 = arith.constant 0 : i32
    %dma_wait3A_60 = tpu.memref_slice %arg5[%dma_wait3A_54, %dma_wait3A_55, %dma_wait3A_59] : memref<10x8x125xi32, #tpu.memory_space<vmem>> -> memref<1x1x125xi32, #tpu.memory_space<vmem>>
    %dma_wait3A_61 = tpu.memref_squeeze %dma_wait3A_60 : memref<1x1x125xi32, #tpu.memory_space<vmem>> -> memref<125xi32, #tpu.memory_space<vmem>>
    %dma_wait3A_62 = arith.constant 0 : i32
    %dma_wait3A_63 = arith.constant 0 : i32
    %dma_wait3A_64 = tpu.memref_slice %arg9[%dma_wait3A_62, %dma_wait3A_63] : memref<10000x32xf32, #tpu.memory_space<vmem_shared>> -> memref<10000x32xf32, #tpu.memory_space<vmem_shared>>
    tpu.wait_indirect_dma semaphore(%arg12 : memref<!tpu.dma_semaphore, #tpu.memory_space<semaphore_mem>>) src(%dma_wait3A_58 : memref<125x32xf32, #tpu.memory_space<vmem>>) dst(%dma_wait3A_64 : memref<10000x32xf32, #tpu.memory_space<vmem_shared>>)
    %dma_wait3A_65 = arith.constant 8 : i32
    %dma_wait3A_66 = arith.constant 4 : i32
    %dma_wait3A_67 = arith.constant 500 : i32
    %dma_wait3A_68 = arith.constant 0 : i32
    %dma_wait3A_69 = tpu.memref_slice %arg6[%dma_wait3A_67, %dma_wait3A_68] : memref<1000x32xf32, #tpu.memory_space<vmem>> -> memref<125x32xf32, #tpu.memory_space<vmem>>
    %dma_wait3A_70 = arith.constant 0 : i32
    %dma_wait3A_71 = tpu.memref_slice %arg5[%dma_wait3A_65, %dma_wait3A_66, %dma_wait3A_70] : memref<10x8x125xi32, #tpu.memory_space<vmem>> -> memref<1x1x125xi32, #tpu.memory_space<vmem>>
    %dma_wait3A_72 = tpu.memref_squeeze %dma_wait3A_71 : memref<1x1x125xi32, #tpu.memory_space<vmem>> -> memref<125xi32, #tpu.memory_space<vmem>>
    %dma_wait3A_73 = arith.constant 0 : i32
    %dma_wait3A_74 = arith.constant 0 : i32
    %dma_wait3A_75 = tpu.memref_slice %arg9[%dma_wait3A_73, %dma_wait3A_74] : memref<10000x32xf32, #tpu.memory_space<vmem_shared>> -> memref<10000x32xf32, #tpu.memory_space<vmem_shared>>
    tpu.wait_indirect_dma semaphore(%arg12 : memref<!tpu.dma_semaphore, #tpu.memory_space<semaphore_mem>>) src(%dma_wait3A_69 : memref<125x32xf32, #tpu.memory_space<vmem>>) dst(%dma_wait3A_75 : memref<10000x32xf32, #tpu.memory_space<vmem_shared>>)
    %dma_wait3A_76 = arith.constant 8 : i32
    %dma_wait3A_77 = arith.constant 5 : i32
    %dma_wait3A_78 = arith.constant 625 : i32
    %dma_wait3A_79 = arith.constant 0 : i32
    %dma_wait3A_80 = tpu.memref_slice %arg6[%dma_wait3A_78, %dma_wait3A_79] : memref<1000x32xf32, #tpu.memory_space<vmem>> -> memref<125x32xf32, #tpu.memory_space<vmem>>
    %dma_wait3A_81 = arith.constant 0 : i32
    %dma_wait3A_82 = tpu.memref_slice %arg5[%dma_wait3A_76, %dma_wait3A_77, %dma_wait3A_81] : memref<10x8x125xi32, #tpu.memory_space<vmem>> -> memref<1x1x125xi32, #tpu.memory_space<vmem>>
    %dma_wait3A_83 = tpu.memref_squeeze %dma_wait3A_82 : memref<1x1x125xi32, #tpu.memory_space<vmem>> -> memref<125xi32, #tpu.memory_space<vmem>>
    %dma_wait3A_84 = arith.constant 0 : i32
    %dma_wait3A_85 = arith.constant 0 : i32
    %dma_wait3A_86 = tpu.memref_slice %arg9[%dma_wait3A_84, %dma_wait3A_85] : memref<10000x32xf32, #tpu.memory_space<vmem_shared>> -> memref<10000x32xf32, #tpu.memory_space<vmem_shared>>
    tpu.wait_indirect_dma semaphore(%arg12 : memref<!tpu.dma_semaphore, #tpu.memory_space<semaphore_mem>>) src(%dma_wait3A_80 : memref<125x32xf32, #tpu.memory_space<vmem>>) dst(%dma_wait3A_86 : memref<10000x32xf32, #tpu.memory_space<vmem_shared>>)
    %dma_wait3A_87 = arith.constant 8 : i32
    %dma_wait3A_88 = arith.constant 6 : i32
    %dma_wait3A_89 = arith.constant 750 : i32
    %dma_wait3A_90 = arith.constant 0 : i32
    %dma_wait3A_91 = tpu.memref_slice %arg6[%dma_wait3A_89, %dma_wait3A_90] : memref<1000x32xf32, #tpu.memory_space<vmem>> -> memref<125x32xf32, #tpu.memory_space<vmem>>
    %dma_wait3A_92 = arith.constant 0 : i32
    %dma_wait3A_93 = tpu.memref_slice %arg5[%dma_wait3A_87, %dma_wait3A_88, %dma_wait3A_92] : memref<10x8x125xi32, #tpu.memory_space<vmem>> -> memref<1x1x125xi32, #tpu.memory_space<vmem>>
    %dma_wait3A_94 = tpu.memref_squeeze %dma_wait3A_93 : memref<1x1x125xi32, #tpu.memory_space<vmem>> -> memref<125xi32, #tpu.memory_space<vmem>>
    %dma_wait3A_95 = arith.constant 0 : i32
    %dma_wait3A_96 = arith.constant 0 : i32
    %dma_wait3A_97 = tpu.memref_slice %arg9[%dma_wait3A_95, %dma_wait3A_96] : memref<10000x32xf32, #tpu.memory_space<vmem_shared>> -> memref<10000x32xf32, #tpu.memory_space<vmem_shared>>
    tpu.wait_indirect_dma semaphore(%arg12 : memref<!tpu.dma_semaphore, #tpu.memory_space<semaphore_mem>>) src(%dma_wait3A_91 : memref<125x32xf32, #tpu.memory_space<vmem>>) dst(%dma_wait3A_97 : memref<10000x32xf32, #tpu.memory_space<vmem_shared>>)
    %dma_wait3A_98 = arith.constant 8 : i32
    %dma_wait3A_99 = arith.constant 7 : i32
    %dma_wait3A_100 = arith.constant 875 : i32
    %dma_wait3A_101 = arith.constant 0 : i32
    %dma_wait3A_102 = tpu.memref_slice %arg6[%dma_wait3A_100, %dma_wait3A_101] : memref<1000x32xf32, #tpu.memory_space<vmem>> -> memref<125x32xf32, #tpu.memory_space<vmem>>
    %dma_wait3A_103 = arith.constant 0 : i32
    %dma_wait3A_104 = tpu.memref_slice %arg5[%dma_wait3A_98, %dma_wait3A_99, %dma_wait3A_103] : memref<10x8x125xi32, #tpu.memory_space<vmem>> -> memref<1x1x125xi32, #tpu.memory_space<vmem>>
    %dma_wait3A_105 = tpu.memref_squeeze %dma_wait3A_104 : memref<1x1x125xi32, #tpu.memory_space<vmem>> -> memref<125xi32, #tpu.memory_space<vmem>>
    %dma_wait3A_106 = arith.constant 0 : i32
    %dma_wait3A_107 = arith.constant 0 : i32
    %dma_wait3A_108 = tpu.memref_slice %arg9[%dma_wait3A_106, %dma_wait3A_107] : memref<10000x32xf32, #tpu.memory_space<vmem_shared>> -> memref<10000x32xf32, #tpu.memory_space<vmem_shared>>
    tpu.wait_indirect_dma semaphore(%arg12 : memref<!tpu.dma_semaphore, #tpu.memory_space<semaphore_mem>>) src(%dma_wait3A_102 : memref<125x32xf32, #tpu.memory_space<vmem>>) dst(%dma_wait3A_108 : memref<10000x32xf32, #tpu.memory_space<vmem_shared>>)
    %dma_wait3A_109 = arith.constant 9 : i32
    %dma_wait3A_110 = arith.constant 0 : i32
    %dma_wait3A_111 = arith.constant 0 : i32
    %dma_wait3A_112 = arith.constant 0 : i32
    %dma_wait3A_113 = tpu.memref_slice %arg7[%dma_wait3A_111, %dma_wait3A_112] : memref<1000x32xf32, #tpu.memory_space<vmem>> -> memref<125x32xf32, #tpu.memory_space<vmem>>
    %dma_wait3A_114 = arith.constant 0 : i32
    %dma_wait3A_115 = tpu.memref_slice %arg5[%dma_wait3A_109, %dma_wait3A_110, %dma_wait3A_114] : memref<10x8x125xi32, #tpu.memory_space<vmem>> -> memref<1x1x125xi32, #tpu.memory_space<vmem>>
    %dma_wait3A_116 = tpu.memref_squeeze %dma_wait3A_115 : memref<1x1x125xi32, #tpu.memory_space<vmem>> -> memref<125xi32, #tpu.memory_space<vmem>>
    %dma_wait3A_117 = arith.constant 0 : i32
    %dma_wait3A_118 = arith.constant 0 : i32
    %dma_wait3A_119 = tpu.memref_slice %arg9[%dma_wait3A_117, %dma_wait3A_118] : memref<10000x32xf32, #tpu.memory_space<vmem_shared>> -> memref<10000x32xf32, #tpu.memory_space<vmem_shared>>
    tpu.wait_indirect_dma semaphore(%arg13 : memref<!tpu.dma_semaphore, #tpu.memory_space<semaphore_mem>>) src(%dma_wait3A_113 : memref<125x32xf32, #tpu.memory_space<vmem>>) dst(%dma_wait3A_119 : memref<10000x32xf32, #tpu.memory_space<vmem_shared>>)
    %dma_wait3A_120 = arith.constant 9 : i32
    %dma_wait3A_121 = arith.constant 1 : i32
    %dma_wait3A_122 = arith.constant 125 : i32
    %dma_wait3A_123 = arith.constant 0 : i32
    %dma_wait3A_124 = tpu.memref_slice %arg7[%dma_wait3A_122, %dma_wait3A_123] : memref<1000x32xf32, #tpu.memory_space<vmem>> -> memref<125x32xf32, #tpu.memory_space<vmem>>
    %dma_wait3A_125 = arith.constant 0 : i32
    %dma_wait3A_126 = tpu.memref_slice %arg5[%dma_wait3A_120, %dma_wait3A_121, %dma_wait3A_125] : memref<10x8x125xi32, #tpu.memory_space<vmem>> -> memref<1x1x125xi32, #tpu.memory_space<vmem>>
    %dma_wait3A_127 = tpu.memref_squeeze %dma_wait3A_126 : memref<1x1x125xi32, #tpu.memory_space<vmem>> -> memref<125xi32, #tpu.memory_space<vmem>>
    %dma_wait3A_128 = arith.constant 0 : i32
    %dma_wait3A_129 = arith.constant 0 : i32
    %dma_wait3A_130 = tpu.memref_slice %arg9[%dma_wait3A_128, %dma_wait3A_129] : memref<10000x32xf32, #tpu.memory_space<vmem_shared>> -> memref<10000x32xf32, #tpu.memory_space<vmem_shared>>
    tpu.wait_indirect_dma semaphore(%arg13 : memref<!tpu.dma_semaphore, #tpu.memory_space<semaphore_mem>>) src(%dma_wait3A_124 : memref<125x32xf32, #tpu.memory_space<vmem>>) dst(%dma_wait3A_130 : memref<10000x32xf32, #tpu.memory_space<vmem_shared>>)
    %dma_wait3A_131 = arith.constant 9 : i32
    %dma_wait3A_132 = arith.constant 2 : i32
    %dma_wait3A_133 = arith.constant 250 : i32
    %dma_wait3A_134 = arith.constant 0 : i32
    %dma_wait3A_135 = tpu.memref_slice %arg7[%dma_wait3A_133, %dma_wait3A_134] : memref<1000x32xf32, #tpu.memory_space<vmem>> -> memref<125x32xf32, #tpu.memory_space<vmem>>
    %dma_wait3A_136 = arith.constant 0 : i32
    %dma_wait3A_137 = tpu.memref_slice %arg5[%dma_wait3A_131, %dma_wait3A_132, %dma_wait3A_136] : memref<10x8x125xi32, #tpu.memory_space<vmem>> -> memref<1x1x125xi32, #tpu.memory_space<vmem>>
    %dma_wait3A_138 = tpu.memref_squeeze %dma_wait3A_137 : memref<1x1x125xi32, #tpu.memory_space<vmem>> -> memref<125xi32, #tpu.memory_space<vmem>>
    %dma_wait3A_139 = arith.constant 0 : i32
    %dma_wait3A_140 = arith.constant 0 : i32
    %dma_wait3A_141 = tpu.memref_slice %arg9[%dma_wait3A_139, %dma_wait3A_140] : memref<10000x32xf32, #tpu.memory_space<vmem_shared>> -> memref<10000x32xf32, #tpu.memory_space<vmem_shared>>
    tpu.wait_indirect_dma semaphore(%arg13 : memref<!tpu.dma_semaphore, #tpu.memory_space<semaphore_mem>>) src(%dma_wait3A_135 : memref<125x32xf32, #tpu.memory_space<vmem>>) dst(%dma_wait3A_141 : memref<10000x32xf32, #tpu.memory_space<vmem_shared>>)
    %dma_wait3A_142 = arith.constant 9 : i32
    %dma_wait3A_143 = arith.constant 3 : i32
    %dma_wait3A_144 = arith.constant 375 : i32
    %dma_wait3A_145 = arith.constant 0 : i32
    %dma_wait3A_146 = tpu.memref_slice %arg7[%dma_wait3A_144, %dma_wait3A_145] : memref<1000x32xf32, #tpu.memory_space<vmem>> -> memref<125x32xf32, #tpu.memory_space<vmem>>
    %dma_wait3A_147 = arith.constant 0 : i32
    %dma_wait3A_148 = tpu.memref_slice %arg5[%dma_wait3A_142, %dma_wait3A_143, %dma_wait3A_147] : memref<10x8x125xi32, #tpu.memory_space<vmem>> -> memref<1x1x125xi32, #tpu.memory_space<vmem>>
    %dma_wait3A_149 = tpu.memref_squeeze %dma_wait3A_148 : memref<1x1x125xi32, #tpu.memory_space<vmem>> -> memref<125xi32, #tpu.memory_space<vmem>>
    %dma_wait3A_150 = arith.constant 0 : i32
    %dma_wait3A_151 = arith.constant 0 : i32
    %dma_wait3A_152 = tpu.memref_slice %arg9[%dma_wait3A_150, %dma_wait3A_151] : memref<10000x32xf32, #tpu.memory_space<vmem_shared>> -> memref<10000x32xf32, #tpu.memory_space<vmem_shared>>
    tpu.wait_indirect_dma semaphore(%arg13 : memref<!tpu.dma_semaphore, #tpu.memory_space<semaphore_mem>>) src(%dma_wait3A_146 : memref<125x32xf32, #tpu.memory_space<vmem>>) dst(%dma_wait3A_152 : memref<10000x32xf32, #tpu.memory_space<vmem_shared>>)
    %dma_wait3A_153 = arith.constant 9 : i32
    %dma_wait3A_154 = arith.constant 4 : i32
    %dma_wait3A_155 = arith.constant 500 : i32
    %dma_wait3A_156 = arith.constant 0 : i32
    %dma_wait3A_157 = tpu.memref_slice %arg7[%dma_wait3A_155, %dma_wait3A_156] : memref<1000x32xf32, #tpu.memory_space<vmem>> -> memref<125x32xf32, #tpu.memory_space<vmem>>
    %dma_wait3A_158 = arith.constant 0 : i32
    %dma_wait3A_159 = tpu.memref_slice %arg5[%dma_wait3A_153, %dma_wait3A_154, %dma_wait3A_158] : memref<10x8x125xi32, #tpu.memory_space<vmem>> -> memref<1x1x125xi32, #tpu.memory_space<vmem>>
    %dma_wait3A_160 = tpu.memref_squeeze %dma_wait3A_159 : memref<1x1x125xi32, #tpu.memory_space<vmem>> -> memref<125xi32, #tpu.memory_space<vmem>>
    %dma_wait3A_161 = arith.constant 0 : i32
    %dma_wait3A_162 = arith.constant 0 : i32
    %dma_wait3A_163 = tpu.memref_slice %arg9[%dma_wait3A_161, %dma_wait3A_162] : memref<10000x32xf32, #tpu.memory_space<vmem_shared>> -> memref<10000x32xf32, #tpu.memory_space<vmem_shared>>
    tpu.wait_indirect_dma semaphore(%arg13 : memref<!tpu.dma_semaphore, #tpu.memory_space<semaphore_mem>>) src(%dma_wait3A_157 : memref<125x32xf32, #tpu.memory_space<vmem>>) dst(%dma_wait3A_163 : memref<10000x32xf32, #tpu.memory_space<vmem_shared>>)
    %dma_wait3A_164 = arith.constant 9 : i32
    %dma_wait3A_165 = arith.constant 5 : i32
    %dma_wait3A_166 = arith.constant 625 : i32
    %dma_wait3A_167 = arith.constant 0 : i32
    %dma_wait3A_168 = tpu.memref_slice %arg7[%dma_wait3A_166, %dma_wait3A_167] : memref<1000x32xf32, #tpu.memory_space<vmem>> -> memref<125x32xf32, #tpu.memory_space<vmem>>
    %dma_wait3A_169 = arith.constant 0 : i32
    %dma_wait3A_170 = tpu.memref_slice %arg5[%dma_wait3A_164, %dma_wait3A_165, %dma_wait3A_169] : memref<10x8x125xi32, #tpu.memory_space<vmem>> -> memref<1x1x125xi32, #tpu.memory_space<vmem>>
    %dma_wait3A_171 = tpu.memref_squeeze %dma_wait3A_170 : memref<1x1x125xi32, #tpu.memory_space<vmem>> -> memref<125xi32, #tpu.memory_space<vmem>>
    %dma_wait3A_172 = arith.constant 0 : i32
    %dma_wait3A_173 = arith.constant 0 : i32
    %dma_wait3A_174 = tpu.memref_slice %arg9[%dma_wait3A_172, %dma_wait3A_173] : memref<10000x32xf32, #tpu.memory_space<vmem_shared>> -> memref<10000x32xf32, #tpu.memory_space<vmem_shared>>
    tpu.wait_indirect_dma semaphore(%arg13 : memref<!tpu.dma_semaphore, #tpu.memory_space<semaphore_mem>>) src(%dma_wait3A_168 : memref<125x32xf32, #tpu.memory_space<vmem>>) dst(%dma_wait3A_174 : memref<10000x32xf32, #tpu.memory_space<vmem_shared>>)
    %dma_wait3A_175 = arith.constant 9 : i32
    %dma_wait3A_176 = arith.constant 6 : i32
    %dma_wait3A_177 = arith.constant 750 : i32
    %dma_wait3A_178 = arith.constant 0 : i32
    %dma_wait3A_179 = tpu.memref_slice %arg7[%dma_wait3A_177, %dma_wait3A_178] : memref<1000x32xf32, #tpu.memory_space<vmem>> -> memref<125x32xf32, #tpu.memory_space<vmem>>
    %dma_wait3A_180 = arith.constant 0 : i32
    %dma_wait3A_181 = tpu.memref_slice %arg5[%dma_wait3A_175, %dma_wait3A_176, %dma_wait3A_180] : memref<10x8x125xi32, #tpu.memory_space<vmem>> -> memref<1x1x125xi32, #tpu.memory_space<vmem>>
    %dma_wait3A_182 = tpu.memref_squeeze %dma_wait3A_181 : memref<1x1x125xi32, #tpu.memory_space<vmem>> -> memref<125xi32, #tpu.memory_space<vmem>>
    %dma_wait3A_183 = arith.constant 0 : i32
    %dma_wait3A_184 = arith.constant 0 : i32
    %dma_wait3A_185 = tpu.memref_slice %arg9[%dma_wait3A_183, %dma_wait3A_184] : memref<10000x32xf32, #tpu.memory_space<vmem_shared>> -> memref<10000x32xf32, #tpu.memory_space<vmem_shared>>
    tpu.wait_indirect_dma semaphore(%arg13 : memref<!tpu.dma_semaphore, #tpu.memory_space<semaphore_mem>>) src(%dma_wait3A_179 : memref<125x32xf32, #tpu.memory_space<vmem>>) dst(%dma_wait3A_185 : memref<10000x32xf32, #tpu.memory_space<vmem_shared>>)
    %dma_wait3A_186 = arith.constant 9 : i32
    %dma_wait3A_187 = arith.constant 7 : i32
    %dma_wait3A_188 = arith.constant 875 : i32
    %dma_wait3A_189 = arith.constant 0 : i32
    %dma_wait3A_190 = tpu.memref_slice %arg7[%dma_wait3A_188, %dma_wait3A_189] : memref<1000x32xf32, #tpu.memory_space<vmem>> -> memref<125x32xf32, #tpu.memory_space<vmem>>
    %dma_wait3A_191 = arith.constant 0 : i32
    %dma_wait3A_192 = tpu.memref_slice %arg5[%dma_wait3A_186, %dma_wait3A_187, %dma_wait3A_191] : memref<10x8x125xi32, #tpu.memory_space<vmem>> -> memref<1x1x125xi32, #tpu.memory_space<vmem>>
    %dma_wait3A_193 = tpu.memref_squeeze %dma_wait3A_192 : memref<1x1x125xi32, #tpu.memory_space<vmem>> -> memref<125xi32, #tpu.memory_space<vmem>>
    %dma_wait3A_194 = arith.constant 0 : i32
    %dma_wait3A_195 = arith.constant 0 : i32
    %dma_wait3A_196 = tpu.memref_slice %arg9[%dma_wait3A_194, %dma_wait3A_195] : memref<10000x32xf32, #tpu.memory_space<vmem_shared>> -> memref<10000x32xf32, #tpu.memory_space<vmem_shared>>
    tpu.wait_indirect_dma semaphore(%arg13 : memref<!tpu.dma_semaphore, #tpu.memory_space<semaphore_mem>>) src(%dma_wait3A_190 : memref<125x32xf32, #tpu.memory_space<vmem>>) dst(%dma_wait3A_196 : memref<10000x32xf32, #tpu.memory_space<vmem_shared>>)
    %barrier3A_197 = arith.constant 0 : index
    tpu.barrier barrier_id(%barrier3A_197)
    %lt3A = arith.constant 15 : i32
    %lt3A_198 = arith.cmpi slt, %arg1, %lt3A : i32
    %convert_element_type3A = arith.extui %lt3A_198 : i1 to i32
    %cond3A = arith.constant 0 : i32
    %cond3A_199 = arith.cmpi ne, %convert_element_type3A, %cond3A : i32
    scf.if %cond3A_199 {
      %mul3A_204 = arith.constant 624 : i32
      %mul3A_205 = arith.muli %arg1, %mul3A_204 : i32
      %mul3A_206 = arith.constant 624 : i32
      %mul3A_207 = arith.muli %arg1, %mul3A_206 : i32
      "tpu.region"() ({
        %run_scoped3A = tpu.sem_alloc : memref<!tpu.dma_semaphore, #tpu.memory_space<semaphore_mem>>
        %dma_start3A_208 = arith.constant 0 : i32
        %dma_start3A_209 = tpu.memref_slice %arg4[%arg0, %mul3A_207, %dma_start3A_208] : memref<2x10000x32xf32, #tpu.memory_space<hbm>> -> memref<1x624x32xf32, #tpu.memory_space<hbm>>
        %dma_start3A_210 = tpu.memref_squeeze %dma_start3A_209 : memref<1x624x32xf32, #tpu.memory_space<hbm>> -> memref<624x32xf32, #tpu.memory_space<hbm>>
        %dma_start3A_211 = arith.constant 0 : i32
        %dma_start3A_212 = tpu.memref_slice %arg9[%mul3A_205, %dma_start3A_211] : memref<10000x32xf32, #tpu.memory_space<vmem_shared>> -> memref<624x32xf32, #tpu.memory_space<vmem_shared>>
        tpu.enqueue_dma source(%dma_start3A_212 : memref<624x32xf32, #tpu.memory_space<vmem_shared>>) target(%dma_start3A_210 : memref<624x32xf32, #tpu.memory_space<hbm>>) target_semaphore(%run_scoped3A : memref<!tpu.dma_semaphore, #tpu.memory_space<semaphore_mem>>)
        %dma_wait3A_213 = arith.constant 0 : i32
        %dma_wait3A_214 = tpu.memref_slice %arg4[%arg0, %mul3A_207, %dma_wait3A_213] : memref<2x10000x32xf32, #tpu.memory_space<hbm>> -> memref<1x624x32xf32, #tpu.memory_space<hbm>>
        %dma_wait3A_215 = tpu.memref_squeeze %dma_wait3A_214 : memref<1x624x32xf32, #tpu.memory_space<hbm>> -> memref<624x32xf32, #tpu.memory_space<hbm>>
        %dma_wait3A_216 = arith.constant 0 : i32
        %dma_wait3A_217 = tpu.memref_slice %arg9[%mul3A_205, %dma_wait3A_216] : memref<10000x32xf32, #tpu.memory_space<vmem_shared>> -> memref<624x32xf32, #tpu.memory_space<vmem_shared>>
        tpu.wait_dma2 semaphore(%run_scoped3A : memref<!tpu.dma_semaphore, #tpu.memory_space<semaphore_mem>>) src(%dma_wait3A_217 : memref<624x32xf32, #tpu.memory_space<vmem_shared>>) dst(%dma_wait3A_215 : memref<624x32xf32, #tpu.memory_space<hbm>>)
        tpu.yield
      }) : () -> ()
    } else {
    }
    %eq3A = arith.constant 15 : i32
    %eq3A_200 = arith.cmpi eq, %arg1, %eq3A : i32
    %convert_element_type3A_201 = arith.extui %eq3A_200 : i1 to i32
    %cond3A_202 = arith.constant 0 : i32
    %cond3A_203 = arith.cmpi ne, %convert_element_type3A_201, %cond3A_202 : i32
    scf.if %cond3A_203 {
      "tpu.region"() ({
        %run_scoped3A = tpu.sem_alloc : memref<!tpu.dma_semaphore, #tpu.memory_space<semaphore_mem>>
        %dma_start3A_204 = arith.constant 9360 : i32
        %dma_start3A_205 = arith.constant 0 : i32
        %dma_start3A_206 = tpu.memref_slice %arg4[%arg0, %dma_start3A_204, %dma_start3A_205] : memref<2x10000x32xf32, #tpu.memory_space<hbm>> -> memref<1x640x32xf32, #tpu.memory_space<hbm>>
        %dma_start3A_207 = tpu.memref_squeeze %dma_start3A_206 : memref<1x640x32xf32, #tpu.memory_space<hbm>> -> memref<640x32xf32, #tpu.memory_space<hbm>>
        %dma_start3A_208 = arith.constant 9360 : i32
        %dma_start3A_209 = arith.constant 0 : i32
        %dma_start3A_210 = tpu.memref_slice %arg9[%dma_start3A_208, %dma_start3A_209] : memref<10000x32xf32, #tpu.memory_space<vmem_shared>> -> memref<640x32xf32, #tpu.memory_space<vmem_shared>>
        tpu.enqueue_dma source(%dma_start3A_210 : memref<640x32xf32, #tpu.memory_space<vmem_shared>>) target(%dma_start3A_207 : memref<640x32xf32, #tpu.memory_space<hbm>>) target_semaphore(%run_scoped3A : memref<!tpu.dma_semaphore, #tpu.memory_space<semaphore_mem>>)
        %dma_wait3A_211 = arith.constant 9360 : i32
        %dma_wait3A_212 = arith.constant 0 : i32
        %dma_wait3A_213 = tpu.memref_slice %arg4[%arg0, %dma_wait3A_211, %dma_wait3A_212] : memref<2x10000x32xf32, #tpu.memory_space<hbm>> -> memref<1x640x32xf32, #tpu.memory_space<hbm>>
        %dma_wait3A_214 = tpu.memref_squeeze %dma_wait3A_213 : memref<1x640x32xf32, #tpu.memory_space<hbm>> -> memref<640x32xf32, #tpu.memory_space<hbm>>
        %dma_wait3A_215 = arith.constant 9360 : i32
        %dma_wait3A_216 = arith.constant 0 : i32
        %dma_wait3A_217 = tpu.memref_slice %arg9[%dma_wait3A_215, %dma_wait3A_216] : memref<10000x32xf32, #tpu.memory_space<vmem_shared>> -> memref<640x32xf32, #tpu.memory_space<vmem_shared>>
        tpu.wait_dma2 semaphore(%run_scoped3A : memref<!tpu.dma_semaphore, #tpu.memory_space<semaphore_mem>>) src(%dma_wait3A_217 : memref<640x32xf32, #tpu.memory_space<vmem_shared>>) dst(%dma_wait3A_214 : memref<640x32xf32, #tpu.memory_space<hbm>>)
        tpu.yield
      }) : () -> ()
    } else {
    }
    return
  }
}

module attributes {stable_mosaic.version = 14 : i64} {
  func.func @_pq_body(%arg0: i32, %arg1: memref<1000x128xf32, #tpu.memory_space<vmem>>, %arg2: memref<256x32xf32, #tpu.memory_space<vmem>>, %arg3: memref<1000x32xf32, #tpu.memory_space<vmem>>, %arg4: memref<1000x32xf32, #tpu.memory_space<vmem>>) attributes {dimension_semantics = [#tpu.dimension_semantics<arbitrary>], iteration_bounds = array<i64: 10>, scalar_prefetch = 0 : i64, scratch_operands = 0 : i64, tpu.core_type = #tpu.core_type<tc>, window_params = [{transform_indices = @transform_0, window_bounds = array<i64: 1000, 128>}, {pipeline_mode = #tpu.pipeline_mode<synchronous>, transform_indices = @transform_1, window_bounds = array<i64: 256, 32>}, {transform_indices = @transform_2, window_bounds = array<i64: 1000, 32>}, {transform_indices = @transform_3, window_bounds = array<i64: 1000, 32>}]} {
    %get3A = arith.constant 0 : index
    %get3A_0 = arith.constant 0 : index
    %get3A_1 = vector.load %arg1[%get3A, %get3A_0] : memref<1000x128xf32, #tpu.memory_space<vmem>>, vector<1000x128xf32>
    %get3A_2 = arith.constant 0 : index
    %get3A_3 = arith.constant 0 : index
    %get3A_4 = vector.load %arg2[%get3A_2, %get3A_3] : memref<256x32xf32, #tpu.memory_space<vmem>>, vector<128x32xf32>
    %get3A_5 = arith.constant 128 : index
    %get3A_6 = arith.constant 0 : index
    %get3A_7 = vector.load %arg2[%get3A_5, %get3A_6] : memref<256x32xf32, #tpu.memory_space<vmem>>, vector<128x32xf32>
    %sub3A = arith.subf %get3A_4, %get3A_7 : vector<128x32xf32>
    %get3A_8 = arith.constant 128 : index
    %get3A_9 = arith.constant 0 : index
    %get3A_10 = vector.load %arg2[%get3A_8, %get3A_9] : memref<256x32xf32, #tpu.memory_space<vmem>>, vector<128x32xf32>
    %dot_general3A = arith.constant dense<0.000000e+00> : vector<1000x32xf32>
    %dot_general3A_11 = tpu.matmul %get3A_1, %sub3A, %dot_general3A {dimension_numbers = #tpu.dot_dimension_numbers<[1], [0], [0], [1], [0, 0, 1, 1], [], []>, transpose_lhs_hint = false} : vector<1000x128xf32>, vector<128x32xf32>, vector<1000x32xf32> -> vector<1000x32xf32>
    %swap3A = arith.constant 0 : index
    %swap3A_12 = arith.constant 0 : index
    %swap3A_13 = vector.load %arg3[%swap3A, %swap3A_12] : memref<1000x32xf32, #tpu.memory_space<vmem>>, vector<1000x32xf32>
    tpu.vector_store %arg3[%swap3A, %swap3A_12], %dot_general3A_11 {strides = array<i32>} : memref<1000x32xf32, #tpu.memory_space<vmem>>, vector<1000x32xf32>,
    %dot_general3A_14 = arith.constant dense<0.000000e+00> : vector<1000x32xf32>
    %dot_general3A_15 = tpu.matmul %get3A_1, %get3A_10, %dot_general3A_14 {dimension_numbers = #tpu.dot_dimension_numbers<[1], [0], [0], [1], [0, 0, 1, 1], [], []>, transpose_lhs_hint = false} : vector<1000x128xf32>, vector<128x32xf32>, vector<1000x32xf32> -> vector<1000x32xf32>
    %swap3A_16 = arith.constant 0 : index
    %swap3A_17 = arith.constant 0 : index
    %swap3A_18 = vector.load %arg4[%swap3A_16, %swap3A_17] : memref<1000x32xf32, #tpu.memory_space<vmem>>, vector<1000x32xf32>
    tpu.vector_store %arg4[%swap3A_16, %swap3A_17], %dot_general3A_15 {strides = array<i32>} : memref<1000x32xf32, #tpu.memory_space<vmem>>, vector<1000x32xf32>,
    return
  }
  func.func @transform_0(%arg0: i32) -> (i32, i32) {
    %c0_i32 = arith.constant 0 : i32
    %c0_i32_0 = arith.constant 0 : i32
    return %arg0, %c0_i32 : i32, i32
  }
  func.func @transform_1(%arg0: i32) -> (i32, i32) {
    %c0_i32 = arith.constant 0 : i32
    %c0_i32_0 = arith.constant 0 : i32
    %c0_i32_1 = arith.constant 0 : i32
    return %c0_i32, %c0_i32_0 : i32, i32
  }
  func.func @transform_2(%arg0: i32) -> (i32, i32) {
    %c0_i32 = arith.constant 0 : i32
    %c0_i32_0 = arith.constant 0 : i32
    return %arg0, %c0_i32 : i32, i32
  }
  func.func @transform_3(%arg0: i32) -> (i32, i32) {
    %c0_i32 = arith.constant 0 : i32
    %c0_i32_0 = arith.constant 0 : i32
    return %arg0, %c0_i32 : i32, i32
  }
}

module attributes {stable_mosaic.version = 14 : i64} {
  func.func @_mlp_body(%arg0: i32, %arg1: memref<8000x128xf32, #tpu.memory_space<vmem>>, %arg2: memref<1x128xf32, #tpu.memory_space<vmem>>, %arg3: memref<32x32xf32, #tpu.memory_space<vmem>>, %arg4: memref<1x128xf32, #tpu.memory_space<vmem>>, %arg5: memref<32x32xf32, #tpu.memory_space<vmem>>, %arg6: memref<1x128xf32, #tpu.memory_space<vmem>>, %arg7: memref<8000x128xf32, #tpu.memory_space<vmem>>) attributes {dimension_semantics = [#tpu.dimension_semantics<arbitrary>], iteration_bounds = array<i64: 10>, scalar_prefetch = 0 : i64, scratch_operands = 0 : i64, tpu.core_type = #tpu.core_type<tc>, window_params = [{transform_indices = @transform_0, window_bounds = array<i64: 8000, 128>}, {pipeline_mode = #tpu.pipeline_mode<synchronous>, transform_indices = @transform_1, window_bounds = array<i64: 1, 128>}, {pipeline_mode = #tpu.pipeline_mode<synchronous>, transform_indices = @transform_2, window_bounds = array<i64: 32, 32>}, {pipeline_mode = #tpu.pipeline_mode<synchronous>, transform_indices = @transform_3, window_bounds = array<i64: 1, 128>}, {pipeline_mode = #tpu.pipeline_mode<synchronous>, transform_indices = @transform_4, window_bounds = array<i64: 32, 32>}, {pipeline_mode = #tpu.pipeline_mode<synchronous>, transform_indices = @transform_5, window_bounds = array<i64: 1, 128>}, {transform_indices = @transform_6, window_bounds = array<i64: 8000, 128>}]} {
    %iota3A = tpu.iota {dimensions = array<i32: 0>} : vector<4x4xi32>
    %iota3A_0 = tpu.iota {dimensions = array<i32: 1>} : vector<4x4xi32>
    %add3A = arith.constant 0 : i32
    %add3A_1 = vector.broadcast %add3A : i32 to vector<4x4xi32>
    %add3A_2 = arith.addi %iota3A, %add3A_1 : vector<4x4xi32>
    %eq3A = arith.cmpi eq, %add3A_2, %iota3A_0 : vector<4x4xi32>
    %convert_element_type3A = arith.extui %eq3A : vector<4x4xi1> to vector<4x4xi32>
    %convert_element_type3A_3 = arith.sitofp %convert_element_type3A : vector<4x4xi32> to vector<4x4xf32>
    %get3A = arith.constant 0 : index
    %get3A_4 = arith.constant 0 : index
    %get3A_5 = vector.load %arg3[%get3A, %get3A_4] : memref<32x32xf32, #tpu.memory_space<vmem>>, vector<32x32xf32>
    %broadcast_in_dim3A = vector.shape_cast %convert_element_type3A_3 : vector<4x4xf32> to vector<4x1x4x1xf32>
    %broadcast_in_dim3A_6 = vector.shape_cast %get3A_5 : vector<32x32xf32> to vector<1x32x1x32xf32>
    %mul3A = vector.broadcast %broadcast_in_dim3A : vector<4x1x4x1xf32> to vector<4x32x4x32xf32>
    %mul3A_7 = vector.broadcast %broadcast_in_dim3A_6 : vector<1x32x1x32xf32> to vector<4x32x4x32xf32>
    %mul3A_8 = arith.mulf %mul3A, %mul3A_7 : vector<4x32x4x32xf32>
    %reshape3A = vector.shape_cast %mul3A_8 : vector<4x32x4x32xf32> to vector<128x128xf32>
    %get3A_9 = arith.constant 0 : index
    %get3A_10 = arith.constant 0 : index
    %get3A_11 = vector.load %arg5[%get3A_9, %get3A_10] : memref<32x32xf32, #tpu.memory_space<vmem>>, vector<32x32xf32>
    %broadcast_in_dim3A_12 = vector.shape_cast %convert_element_type3A_3 : vector<4x4xf32> to vector<4x1x4x1xf32>
    %broadcast_in_dim3A_13 = vector.shape_cast %get3A_11 : vector<32x32xf32> to vector<1x32x1x32xf32>
    %mul3A_14 = vector.broadcast %broadcast_in_dim3A_12 : vector<4x1x4x1xf32> to vector<4x32x4x32xf32>
    %mul3A_15 = vector.broadcast %broadcast_in_dim3A_13 : vector<1x32x1x32xf32> to vector<4x32x4x32xf32>
    %mul3A_16 = arith.mulf %mul3A_14, %mul3A_15 : vector<4x32x4x32xf32>
    %reshape3A_17 = vector.shape_cast %mul3A_16 : vector<4x32x4x32xf32> to vector<128x128xf32>
    %get3A_18 = arith.constant 0 : index
    %get3A_19 = arith.constant 0 : index
    %get3A_20 = vector.load %arg1[%get3A_18, %get3A_19] : memref<8000x128xf32, #tpu.memory_space<vmem>>, vector<8000x128xf32>
    %get3A_21 = arith.constant 0 : index
    %get3A_22 = arith.constant 0 : index
    %get3A_23 = vector.load %arg2[%get3A_21, %get3A_22] : memref<1x128xf32, #tpu.memory_space<vmem>>, vector<1x128xf32>
    %add3A_24 = vector.broadcast %get3A_23 : vector<1x128xf32> to vector<8000x128xf32>
    %add3A_25 = arith.addf %get3A_20, %add3A_24 : vector<8000x128xf32>
    %max3A = arith.constant 0.000000e+00 : f32
    %max3A_26 = vector.broadcast %max3A : f32 to vector<8000x128xf32>
    %max3A_27 = arith.maximumf %add3A_25, %max3A_26 : vector<8000x128xf32>
    %dot_general3A = arith.constant dense<0.000000e+00> : vector<8000x128xf32>
    %dot_general3A_28 = tpu.matmul %max3A_27, %reshape3A, %dot_general3A {dimension_numbers = #tpu.dot_dimension_numbers<[1], [0], [0], [1], [0, 0, 1, 1], [], []>, transpose_lhs_hint = false} : vector<8000x128xf32>, vector<128x128xf32>, vector<8000x128xf32> -> vector<8000x128xf32>
    %get3A_29 = arith.constant 0 : index
    %get3A_30 = arith.constant 0 : index
    %get3A_31 = vector.load %arg4[%get3A_29, %get3A_30] : memref<1x128xf32, #tpu.memory_space<vmem>>, vector<1x128xf32>
    %add3A_32 = vector.broadcast %get3A_31 : vector<1x128xf32> to vector<8000x128xf32>
    %add3A_33 = arith.addf %dot_general3A_28, %add3A_32 : vector<8000x128xf32>
    %max3A_34 = arith.constant 0.000000e+00 : f32
    %max3A_35 = vector.broadcast %max3A_34 : f32 to vector<8000x128xf32>
    %max3A_36 = arith.maximumf %add3A_33, %max3A_35 : vector<8000x128xf32>
    %dot_general3A_37 = arith.constant dense<0.000000e+00> : vector<8000x128xf32>
    %dot_general3A_38 = tpu.matmul %max3A_36, %reshape3A_17, %dot_general3A_37 {dimension_numbers = #tpu.dot_dimension_numbers<[1], [0], [0], [1], [0, 0, 1, 1], [], []>, transpose_lhs_hint = false} : vector<8000x128xf32>, vector<128x128xf32>, vector<8000x128xf32> -> vector<8000x128xf32>
    %get3A_39 = arith.constant 0 : index
    %get3A_40 = arith.constant 0 : index
    %get3A_41 = vector.load %arg6[%get3A_39, %get3A_40] : memref<1x128xf32, #tpu.memory_space<vmem>>, vector<1x128xf32>
    %add3A_42 = vector.broadcast %get3A_41 : vector<1x128xf32> to vector<8000x128xf32>
    %add3A_43 = arith.addf %dot_general3A_38, %add3A_42 : vector<8000x128xf32>
    %max3A_44 = arith.constant 0.000000e+00 : f32
    %max3A_45 = vector.broadcast %max3A_44 : f32 to vector<8000x128xf32>
    %max3A_46 = arith.maximumf %add3A_43, %max3A_45 : vector<8000x128xf32>
    %swap3A = arith.constant 0 : index
    %swap3A_47 = arith.constant 0 : index
    %swap3A_48 = vector.load %arg7[%swap3A, %swap3A_47] : memref<8000x128xf32, #tpu.memory_space<vmem>>, vector<8000x128xf32>
    tpu.vector_store %arg7[%swap3A, %swap3A_47], %max3A_46 {strides = array<i32>} : memref<8000x128xf32, #tpu.memory_space<vmem>>, vector<8000x128xf32>,
    return
  }
  func.func @transform_0(%arg0: i32) -> (i32, i32) {
    %c0_i32 = arith.constant 0 : i32
    %c0_i32_0 = arith.constant 0 : i32
    return %arg0, %c0_i32 : i32, i32
  }
  func.func @transform_1(%arg0: i32) -> (i32, i32) {
    %c0_i32 = arith.constant 0 : i32
    %c0_i32_0 = arith.constant 0 : i32
    %c0_i32_1 = arith.constant 0 : i32
    return %c0_i32, %c0_i32_0 : i32, i32
  }
  func.func @transform_2(%arg0: i32) -> (i32, i32) {
    %c0_i32 = arith.constant 0 : i32
    %c0_i32_0 = arith.constant 0 : i32
    %c0_i32_1 = arith.constant 0 : i32
    return %c0_i32, %c0_i32_0 : i32, i32
  }
  func.func @transform_3(%arg0: i32) -> (i32, i32) {
    %c0_i32 = arith.constant 0 : i32
    %c0_i32_0 = arith.constant 0 : i32
    %c0_i32_1 = arith.constant 0 : i32
    return %c0_i32, %c0_i32_0 : i32, i32
  }
  func.func @transform_4(%arg0: i32) -> (i32, i32) {
    %c0_i32 = arith.constant 0 : i32
    %c0_i32_0 = arith.constant 0 : i32
    %c0_i32_1 = arith.constant 0 : i32
    return %c0_i32, %c0_i32_0 : i32, i32
  }
  func.func @transform_5(%arg0: i32) -> (i32, i32) {
    %c0_i32 = arith.constant 0 : i32
    %c0_i32_0 = arith.constant 0 : i32
    %c0_i32_1 = arith.constant 0 : i32
    return %c0_i32, %c0_i32_0 : i32, i32
  }
  func.func @transform_6(%arg0: i32) -> (i32, i32) {
    %c0_i32 = arith.constant 0 : i32
    %c0_i32_0 = arith.constant 0 : i32
    return %arg0, %c0_i32 : i32, i32
  }
}

module attributes {stable_mosaic.version = 14 : i64} {
  func.func @_flow_body(%arg0: i32, %arg1: memref<2x1000x32xf32, #tpu.memory_space<vmem>>, %arg2: memref<2x1000x16xf32, #tpu.memory_space<vmem>>, %arg3: memref<1000x32xf32, #tpu.memory_space<vmem>>, %arg4: memref<32x32xf32, #tpu.memory_space<vmem>>, %arg5: memref<1x32xf32, #tpu.memory_space<vmem>>, %arg6: memref<32x32xf32, #tpu.memory_space<vmem>>, %arg7: memref<1x32xf32, #tpu.memory_space<vmem>>, %arg8: memref<32x192xf32, #tpu.memory_space<vmem>>, %arg9: memref<1x192xf32, #tpu.memory_space<vmem>>, %arg10: memref<32x192xf32, #tpu.memory_space<vmem>>, %arg11: memref<1x192xf32, #tpu.memory_space<vmem>>, %arg12: memref<32x6xf32, #tpu.memory_space<vmem>>, %arg13: memref<1x6xf32, #tpu.memory_space<vmem>>, %arg14: memref<1000x32xf32, #tpu.memory_space<vmem>>, %arg15: memref<1000x32xf32, #tpu.memory_space<vmem>>, %arg16: memref<1000x32xf32, #tpu.memory_space<vmem>>, %arg17: memref<1000x32xf32, #tpu.memory_space<vmem>>, %arg18: memref<1000x1xf32, #tpu.memory_space<vmem>>) attributes {dimension_semantics = [#tpu.dimension_semantics<arbitrary>], iteration_bounds = array<i64: 10>, scalar_prefetch = 0 : i64, scratch_operands = 0 : i64, tpu.core_type = #tpu.core_type<tc>, window_params = [{transform_indices = @transform_0, window_bounds = array<i64: 2, 1000, 32>}, {transform_indices = @transform_1, window_bounds = array<i64: 2, 1000, 16>}, {transform_indices = @transform_2, window_bounds = array<i64: 1000, 32>}, {pipeline_mode = #tpu.pipeline_mode<synchronous>, transform_indices = @transform_3, window_bounds = array<i64: 32, 32>}, {pipeline_mode = #tpu.pipeline_mode<synchronous>, transform_indices = @transform_4, window_bounds = array<i64: 1, 32>}, {pipeline_mode = #tpu.pipeline_mode<synchronous>, transform_indices = @transform_5, window_bounds = array<i64: 32, 32>}, {pipeline_mode = #tpu.pipeline_mode<synchronous>, transform_indices = @transform_6, window_bounds = array<i64: 1, 32>}, {pipeline_mode = #tpu.pipeline_mode<synchronous>, transform_indices = @transform_7, window_bounds = array<i64: 32, 192>}, {pipeline_mode = #tpu.pipeline_mode<synchronous>, transform_indices = @transform_8, window_bounds = array<i64: 1, 192>}, {pipeline_mode = #tpu.pipeline_mode<synchronous>, transform_indices = @transform_9, window_bounds = array<i64: 32, 192>}, {pipeline_mode = #tpu.pipeline_mode<synchronous>, transform_indices = @transform_10, window_bounds = array<i64: 1, 192>}, {pipeline_mode = #tpu.pipeline_mode<synchronous>, transform_indices = @transform_11, window_bounds = array<i64: 32, 6>}, {pipeline_mode = #tpu.pipeline_mode<synchronous>, transform_indices = @transform_12, window_bounds = array<i64: 1, 6>}, {transform_indices = @transform_13, window_bounds = array<i64: 1000, 32>}, {transform_indices = @transform_14, window_bounds = array<i64: 1000, 32>}, {transform_indices = @transform_15, window_bounds = array<i64: 1000, 32>}, {transform_indices = @transform_16, window_bounds = array<i64: 1000, 32>}, {transform_indices = @transform_17, window_bounds = array<i64: 1000, 1>}]} {
    %get3A = arith.constant 0 : index
    %get3A_0 = arith.constant 0 : index
    %get3A_1 = arith.constant 0 : index
    %get3A_2 = vector.load %arg2[%get3A, %get3A_0, %get3A_1] : memref<2x1000x16xf32, #tpu.memory_space<vmem>>, vector<1x1000x16xf32>
    %get3A_3 = vector.shape_cast %get3A_2 : vector<1x1000x16xf32> to vector<1000x16xf32>
    %slice3A = vector.extract_strided_slice %get3A_3 {offsets = [0, 0], sizes = [1000, 1], strides = [1, 1]} : vector<1000x16xf32> to vector<1000x1xf32>
    %get3A_4 = arith.constant 1 : index
    %get3A_5 = arith.constant 0 : index
    %get3A_6 = arith.constant 0 : index
    %get3A_7 = vector.load %arg2[%get3A_4, %get3A_5, %get3A_6] : memref<2x1000x16xf32, #tpu.memory_space<vmem>>, vector<1x1000x16xf32>
    %get3A_8 = vector.shape_cast %get3A_7 : vector<1x1000x16xf32> to vector<1000x16xf32>
    %slice3A_9 = vector.extract_strided_slice %get3A_8 {offsets = [0, 0], sizes = [1000, 1], strides = [1, 1]} : vector<1000x16xf32> to vector<1000x1xf32>
    %add3A = arith.addf %slice3A, %slice3A_9 : vector<1000x1xf32>
    %get3A_10 = arith.constant 0 : index
    %get3A_11 = arith.constant 0 : index
    %get3A_12 = arith.constant 0 : index
    %get3A_13 = vector.load %arg1[%get3A_10, %get3A_11, %get3A_12] : memref<2x1000x32xf32, #tpu.memory_space<vmem>>, vector<1x1000x32xf32>
    %get3A_14 = vector.shape_cast %get3A_13 : vector<1x1000x32xf32> to vector<1000x32xf32>
    %get3A_15 = arith.constant 1 : index
    %get3A_16 = arith.constant 0 : index
    %get3A_17 = arith.constant 0 : index
    %get3A_18 = vector.load %arg1[%get3A_15, %get3A_16, %get3A_17] : memref<2x1000x32xf32, #tpu.memory_space<vmem>>, vector<1x1000x32xf32>
    %get3A_19 = vector.shape_cast %get3A_18 : vector<1x1000x32xf32> to vector<1000x32xf32>
    %add3A_20 = arith.addf %get3A_14, %get3A_19 : vector<1000x32xf32>
    %max3A = arith.constant 1.000000e+00 : f32
    %max3A_21 = vector.broadcast %max3A : f32 to vector<1000x1xf32>
    %max3A_22 = arith.maximumf %add3A, %max3A_21 : vector<1000x1xf32>
    %div3A = vector.broadcast %max3A_22 : vector<1000x1xf32> to vector<1000x32xf32>
    %div3A_23 = arith.divf %add3A_20, %div3A : vector<1000x32xf32>
    %transpose3A = tpu.transpose %div3A_23, [1, 0] : vector<1000x32xf32> -> vector<32x1000xf32>
    %get3A_24 = arith.constant 0 : index
    %get3A_25 = arith.constant 0 : index
    %get3A_26 = vector.load %arg4[%get3A_24, %get3A_25] : memref<32x32xf32, #tpu.memory_space<vmem>>, vector<32x32xf32>
    %transpose3A_27 = tpu.transpose %get3A_26, [1, 0] : vector<32x32xf32> -> vector<32x32xf32>
    %get3A_28 = arith.constant 0 : index
    %get3A_29 = arith.constant 0 : index
    %get3A_30 = vector.load %arg5[%get3A_28, %get3A_29] : memref<1x32xf32, #tpu.memory_space<vmem>>, vector<1x32xf32>
    %transpose3A_31 = tpu.transpose %get3A_30, [1, 0] : vector<1x32xf32> -> vector<32x1xf32>
    %dot_general3A = arith.constant dense<0.000000e+00> : vector<32x1000xf32>
    %dot_general3A_32 = tpu.matmul %transpose3A_27, %transpose3A, %dot_general3A {dimension_numbers = #tpu.dot_dimension_numbers<[1], [0], [0], [1], [0, 0, 1, 1], [], []>, transpose_lhs_hint = false} : vector<32x32xf32>, vector<32x1000xf32>, vector<32x1000xf32> -> vector<32x1000xf32>
    %add3A_33 = vector.broadcast %transpose3A_31 : vector<32x1xf32> to vector<32x1000xf32>
    %add3A_34 = arith.addf %dot_general3A_32, %add3A_33 : vector<32x1000xf32>
    %get3A_35 = arith.constant 0 : index
    %get3A_36 = arith.constant 0 : index
    %get3A_37 = vector.load %arg6[%get3A_35, %get3A_36] : memref<32x32xf32, #tpu.memory_space<vmem>>, vector<32x32xf32>
    %transpose3A_38 = tpu.transpose %get3A_37, [1, 0] : vector<32x32xf32> -> vector<32x32xf32>
    %get3A_39 = arith.constant 0 : index
    %get3A_40 = arith.constant 0 : index
    %get3A_41 = vector.load %arg7[%get3A_39, %get3A_40] : memref<1x32xf32, #tpu.memory_space<vmem>>, vector<1x32xf32>
    %transpose3A_42 = tpu.transpose %get3A_41, [1, 0] : vector<1x32xf32> -> vector<32x1xf32>
    %dot_general3A_43 = arith.constant dense<0.000000e+00> : vector<32x1000xf32>
    %dot_general3A_44 = tpu.matmul %transpose3A_38, %transpose3A, %dot_general3A_43 {dimension_numbers = #tpu.dot_dimension_numbers<[1], [0], [0], [1], [0, 0, 1, 1], [], []>, transpose_lhs_hint = false} : vector<32x32xf32>, vector<32x1000xf32>, vector<32x1000xf32> -> vector<32x1000xf32>
    %add3A_45 = vector.broadcast %transpose3A_42 : vector<32x1xf32> to vector<32x1000xf32>
    %add3A_46 = arith.addf %dot_general3A_44, %add3A_45 : vector<32x1000xf32>
    %get3A_47 = arith.constant 0 : index
    %get3A_48 = arith.constant 0 : index
    %get3A_49 = vector.load %arg8[%get3A_47, %get3A_48] : memref<32x192xf32, #tpu.memory_space<vmem>>, vector<32x192xf32>
    %transpose3A_50 = tpu.transpose %get3A_49, [1, 0] : vector<32x192xf32> -> vector<192x32xf32>
    %get3A_51 = arith.constant 0 : index
    %get3A_52 = arith.constant 0 : index
    %get3A_53 = vector.load %arg9[%get3A_51, %get3A_52] : memref<1x192xf32, #tpu.memory_space<vmem>>, vector<1x192xf32>
    %transpose3A_54 = tpu.transpose %get3A_53, [1, 0] : vector<1x192xf32> -> vector<192x1xf32>
    %dot_general3A_55 = arith.constant dense<0.000000e+00> : vector<192x1000xf32>
    %dot_general3A_56 = tpu.matmul %transpose3A_50, %transpose3A, %dot_general3A_55 {dimension_numbers = #tpu.dot_dimension_numbers<[1], [0], [0], [1], [0, 0, 1, 1], [], []>, transpose_lhs_hint = false} : vector<192x32xf32>, vector<32x1000xf32>, vector<192x1000xf32> -> vector<192x1000xf32>
    %add3A_57 = vector.broadcast %transpose3A_54 : vector<192x1xf32> to vector<192x1000xf32>
    %add3A_58 = arith.addf %dot_general3A_56, %add3A_57 : vector<192x1000xf32>
    %get3A_59 = arith.constant 0 : index
    %get3A_60 = arith.constant 0 : index
    %get3A_61 = vector.load %arg10[%get3A_59, %get3A_60] : memref<32x192xf32, #tpu.memory_space<vmem>>, vector<32x192xf32>
    %transpose3A_62 = tpu.transpose %get3A_61, [1, 0] : vector<32x192xf32> -> vector<192x32xf32>
    %get3A_63 = arith.constant 0 : index
    %get3A_64 = arith.constant 0 : index
    %get3A_65 = vector.load %arg11[%get3A_63, %get3A_64] : memref<1x192xf32, #tpu.memory_space<vmem>>, vector<1x192xf32>
    %transpose3A_66 = tpu.transpose %get3A_65, [1, 0] : vector<1x192xf32> -> vector<192x1xf32>
    %dot_general3A_67 = arith.constant dense<0.000000e+00> : vector<192x1000xf32>
    %dot_general3A_68 = tpu.matmul %transpose3A_62, %transpose3A, %dot_general3A_67 {dimension_numbers = #tpu.dot_dimension_numbers<[1], [0], [0], [1], [0, 0, 1, 1], [], []>, transpose_lhs_hint = false} : vector<192x32xf32>, vector<32x1000xf32>, vector<192x1000xf32> -> vector<192x1000xf32>
    %add3A_69 = vector.broadcast %transpose3A_66 : vector<192x1xf32> to vector<192x1000xf32>
    %add3A_70 = arith.addf %dot_general3A_68, %add3A_69 : vector<192x1000xf32>
    %get3A_71 = arith.constant 0 : index
    %get3A_72 = arith.constant 0 : index
    %get3A_73 = vector.load %arg12[%get3A_71, %get3A_72] : memref<32x6xf32, #tpu.memory_space<vmem>>, vector<32x6xf32>
    %transpose3A_74 = tpu.transpose %get3A_73, [1, 0] : vector<32x6xf32> -> vector<6x32xf32>
    %get3A_75 = arith.constant 0 : index
    %get3A_76 = arith.constant 0 : index
    %get3A_77 = vector.load %arg13[%get3A_75, %get3A_76] : memref<1x6xf32, #tpu.memory_space<vmem>>, vector<1x6xf32>
    %transpose3A_78 = tpu.transpose %get3A_77, [1, 0] : vector<1x6xf32> -> vector<6x1xf32>
    %dot_general3A_79 = arith.constant dense<0.000000e+00> : vector<6x1000xf32>
    %dot_general3A_80 = tpu.matmul %transpose3A_74, %transpose3A, %dot_general3A_79 {dimension_numbers = #tpu.dot_dimension_numbers<[1], [0], [0], [1], [0, 0, 1, 1], [], []>, transpose_lhs_hint = false} : vector<6x32xf32>, vector<32x1000xf32>, vector<6x1000xf32> -> vector<6x1000xf32>
    %add3A_81 = vector.broadcast %transpose3A_78 : vector<6x1xf32> to vector<6x1000xf32>
    %add3A_82 = arith.addf %dot_general3A_80, %add3A_81 : vector<6x1000xf32>
    %get3A_83 = arith.constant 0 : index
    %get3A_84 = arith.constant 0 : index
    %get3A_85 = vector.load %arg3[%get3A_83, %get3A_84] : memref<1000x32xf32, #tpu.memory_space<vmem>>, vector<1000x32xf32>
    %transpose3A_86 = tpu.transpose %get3A_85, [1, 0] : vector<1000x32xf32> -> vector<32x1000xf32>
    %mul3A = arith.constant 5.000000e-01 : f32
    %mul3A_87 = vector.broadcast %mul3A : f32 to vector<32x1000xf32>
    %mul3A_88 = arith.mulf %mul3A_87, %add3A_46 : vector<32x1000xf32>
    %exp3A = math.exp %mul3A_88 : vector<32x1000xf32>
    %mul3A_89 = arith.mulf %transpose3A_86, %exp3A : vector<32x1000xf32>
    %add3A_90 = arith.addf %add3A_34, %mul3A_89 : vector<32x1000xf32>
    %transpose3A_91 = tpu.transpose %add3A_34, [1, 0] : vector<32x1000xf32> -> vector<1000x32xf32>
    %swap3A = arith.constant 0 : index
    %swap3A_92 = arith.constant 0 : index
    %swap3A_93 = vector.load %arg14[%swap3A, %swap3A_92] : memref<1000x32xf32, #tpu.memory_space<vmem>>, vector<1000x32xf32>
    tpu.vector_store %arg14[%swap3A, %swap3A_92], %transpose3A_91 {strides = array<i32>} : memref<1000x32xf32, #tpu.memory_space<vmem>>, vector<1000x32xf32>,
    %transpose3A_94 = tpu.transpose %add3A_46, [1, 0] : vector<32x1000xf32> -> vector<1000x32xf32>
    %swap3A_95 = arith.constant 0 : index
    %swap3A_96 = arith.constant 0 : index
    %swap3A_97 = vector.load %arg15[%swap3A_95, %swap3A_96] : memref<1000x32xf32, #tpu.memory_space<vmem>>, vector<1000x32xf32>
    tpu.vector_store %arg15[%swap3A_95, %swap3A_96], %transpose3A_94 {strides = array<i32>} : memref<1000x32xf32, #tpu.memory_space<vmem>>, vector<1000x32xf32>,
    %transpose3A_98 = tpu.transpose %add3A_90, [1, 0] : vector<32x1000xf32> -> vector<1000x32xf32>
    %swap3A_99 = arith.constant 0 : index
    %swap3A_100 = arith.constant 0 : index
    %swap3A_101 = vector.load %arg16[%swap3A_99, %swap3A_100] : memref<1000x32xf32, #tpu.memory_space<vmem>>, vector<1000x32xf32>
    tpu.vector_store %arg16[%swap3A_99, %swap3A_100], %transpose3A_98 {strides = array<i32>} : memref<1000x32xf32, #tpu.memory_space<vmem>>, vector<1000x32xf32>,
    %broadcast_in_dim3A = arith.constant 0.000000e+00 : f32
    %broadcast_in_dim3A_102 = vector.broadcast %broadcast_in_dim3A : f32 to vector<1x1000xf32>
    %slice3A_103 = vector.extract_strided_slice %add3A_58 {offsets = [0, 0], sizes = [32, 1000], strides = [1, 1]} : vector<192x1000xf32> to vector<32x1000xf32>
    %slice3A_104 = vector.extract_strided_slice %add3A_70 {offsets = [0, 0], sizes = [32, 1000], strides = [1, 1]} : vector<192x1000xf32> to vector<32x1000xf32>
    %slice3A_105 = vector.extract_strided_slice %add3A_82 {offsets = [0, 0], sizes = [1, 1000], strides = [1, 1]} : vector<6x1000xf32> to vector<1x1000xf32>
    %mul3A_106 = arith.mulf %slice3A_104, %slice3A_103 : vector<32x1000xf32>
    %reduce_sum3A = arith.constant dense<0.000000e+00> : vector<1000xf32>
    %reduce_sum3A_107 = vector.multi_reduction <add>, %mul3A_106, %reduce_sum3A [0] : vector<32x1000xf32> to vector<1000xf32>
    %broadcast_in_dim3A_108 = vector.shape_cast %reduce_sum3A_107 : vector<1000xf32> to vector<1x1000xf32>
    %custom_jvp_call3A = arith.constant 0.000000e+00 : f32
    %max3A_109 = vector.broadcast %custom_jvp_call3A : f32 to vector<1x1000xf32>
    %max3A_110 = arith.maximumf %broadcast_in_dim3A_108, %max3A_109 : vector<1x1000xf32>
    %sub3A = vector.broadcast %custom_jvp_call3A : f32 to vector<1x1000xf32>
    %sub3A_111 = arith.subf %broadcast_in_dim3A_108, %sub3A : vector<1x1000xf32>
    %ne3A = arith.cmpf one, %sub3A_111, %sub3A_111 : vector<1x1000xf32>
    %add3A_112 = vector.broadcast %custom_jvp_call3A : f32 to vector<1x1000xf32>
    %add3A_113 = arith.addf %broadcast_in_dim3A_108, %add3A_112 : vector<1x1000xf32>
    %abs3A = math.absf %sub3A_111 : vector<1x1000xf32>
    %neg3A = arith.constant 0.000000e+00 : f32
    %neg3A_114 = vector.broadcast %neg3A : f32 to vector<1x1000xf32>
    %neg3A_115 = arith.subf %neg3A_114, %abs3A : vector<1x1000xf32>
    %exp3A_116 = math.exp %neg3A_115 : vector<1x1000xf32>
    %log1p3A = math.log1p %exp3A_116 : vector<1x1000xf32>
    %add3A_117 = arith.addf %max3A_110, %log1p3A : vector<1x1000xf32>
    %select_n3A = arith.select %ne3A, %add3A_113, %add3A_117 : vector<1x1000xi1>, vector<1x1000xf32>
    %add3A_118 = arith.constant -1.000000e+00 : f32
    %add3A_119 = vector.broadcast %add3A_118 : f32 to vector<1x1000xf32>
    %add3A_120 = arith.addf %add3A_119, %select_n3A : vector<1x1000xf32>
    %mul3A_121 = arith.mulf %slice3A_104, %slice3A_104 : vector<32x1000xf32>
    %reduce_sum3A_122 = arith.constant dense<0.000000e+00> : vector<1000xf32>
    %reduce_sum3A_123 = vector.multi_reduction <add>, %mul3A_121, %reduce_sum3A_122 [0] : vector<32x1000xf32> to vector<1000xf32>
    %broadcast_in_dim3A_124 = vector.shape_cast %reduce_sum3A_123 : vector<1000xf32> to vector<1x1000xf32>
    %sub3A_125 = arith.subf %add3A_120, %broadcast_in_dim3A_108 : vector<1x1000xf32>
    %div3A_126 = arith.divf %sub3A_125, %broadcast_in_dim3A_124 : vector<1x1000xf32>
    %mul3A_127 = vector.broadcast %div3A_126 : vector<1x1000xf32> to vector<32x1000xf32>
    %mul3A_128 = arith.mulf %mul3A_127, %slice3A_104 : vector<32x1000xf32>
    %add3A_129 = arith.addf %slice3A_103, %mul3A_128 : vector<32x1000xf32>
    %mul3A_130 = arith.mulf %slice3A_104, %add3A_90 : vector<32x1000xf32>
    %reduce_sum3A_131 = arith.constant dense<0.000000e+00> : vector<1000xf32>
    %reduce_sum3A_132 = vector.multi_reduction <add>, %mul3A_130, %reduce_sum3A_131 [0] : vector<32x1000xf32> to vector<1000xf32>
    %broadcast_in_dim3A_133 = vector.shape_cast %reduce_sum3A_132 : vector<1000xf32> to vector<1x1000xf32>
    %add3A_134 = arith.addf %broadcast_in_dim3A_133, %slice3A_105 : vector<1x1000xf32>
    %tanh3A = math.tanh %add3A_134 : vector<1x1000xf32>
    %mul3A_135 = vector.broadcast %tanh3A : vector<1x1000xf32> to vector<32x1000xf32>
    %mul3A_136 = arith.mulf %add3A_129, %mul3A_135 : vector<32x1000xf32>
    %add3A_137 = arith.addf %add3A_90, %mul3A_136 : vector<32x1000xf32>
    %mul3A_138 = arith.mulf %slice3A_104, %add3A_129 : vector<32x1000xf32>
    %reduce_sum3A_139 = arith.constant dense<0.000000e+00> : vector<1000xf32>
    %reduce_sum3A_140 = vector.multi_reduction <add>, %mul3A_138, %reduce_sum3A_139 [0] : vector<32x1000xf32> to vector<1000xf32>
    %broadcast_in_dim3A_141 = vector.shape_cast %reduce_sum3A_140 : vector<1000xf32> to vector<1x1000xf32>
    %mul3A_142 = arith.mulf %tanh3A, %tanh3A : vector<1x1000xf32>
    %sub3A_143 = arith.constant 1.000000e+00 : f32
    %sub3A_144 = vector.broadcast %sub3A_143 : f32 to vector<1x1000xf32>
    %sub3A_145 = arith.subf %sub3A_144, %mul3A_142 : vector<1x1000xf32>
    %mul3A_146 = arith.mulf %sub3A_145, %broadcast_in_dim3A_141 : vector<1x1000xf32>
    %add3A_147 = arith.constant 1.000000e+00 : f32
    %add3A_148 = vector.broadcast %add3A_147 : f32 to vector<1x1000xf32>
    %add3A_149 = arith.addf %add3A_148, %mul3A_146 : vector<1x1000xf32>
    %abs3A_150 = math.absf %add3A_149 : vector<1x1000xf32>
    %log3A = math.log %abs3A_150 : vector<1x1000xf32>
    %add3A_151 = arith.addf %broadcast_in_dim3A_102, %log3A : vector<1x1000xf32>
    %slice3A_152 = vector.extract_strided_slice %add3A_58 {offsets = [32, 0], sizes = [32, 1000], strides = [1, 1]} : vector<192x1000xf32> to vector<32x1000xf32>
    %slice3A_153 = vector.extract_strided_slice %add3A_70 {offsets = [32, 0], sizes = [32, 1000], strides = [1, 1]} : vector<192x1000xf32> to vector<32x1000xf32>
    %slice3A_154 = vector.extract_strided_slice %add3A_82 {offsets = [1, 0], sizes = [1, 1000], strides = [1, 1]} : vector<6x1000xf32> to vector<1x1000xf32>
    %mul3A_155 = arith.mulf %slice3A_153, %slice3A_152 : vector<32x1000xf32>
    %reduce_sum3A_156 = arith.constant dense<0.000000e+00> : vector<1000xf32>
    %reduce_sum3A_157 = vector.multi_reduction <add>, %mul3A_155, %reduce_sum3A_156 [0] : vector<32x1000xf32> to vector<1000xf32>
    %broadcast_in_dim3A_158 = vector.shape_cast %reduce_sum3A_157 : vector<1000xf32> to vector<1x1000xf32>
    %custom_jvp_call3A_159 = arith.constant 0.000000e+00 : f32
    %max3A_160 = vector.broadcast %custom_jvp_call3A_159 : f32 to vector<1x1000xf32>
    %max3A_161 = arith.maximumf %broadcast_in_dim3A_158, %max3A_160 : vector<1x1000xf32>
    %sub3A_162 = vector.broadcast %custom_jvp_call3A_159 : f32 to vector<1x1000xf32>
    %sub3A_163 = arith.subf %broadcast_in_dim3A_158, %sub3A_162 : vector<1x1000xf32>
    %ne3A_164 = arith.cmpf one, %sub3A_163, %sub3A_163 : vector<1x1000xf32>
    %add3A_165 = vector.broadcast %custom_jvp_call3A_159 : f32 to vector<1x1000xf32>
    %add3A_166 = arith.addf %broadcast_in_dim3A_158, %add3A_165 : vector<1x1000xf32>
    %abs3A_167 = math.absf %sub3A_163 : vector<1x1000xf32>
    %neg3A_168 = arith.constant 0.000000e+00 : f32
    %neg3A_169 = vector.broadcast %neg3A_168 : f32 to vector<1x1000xf32>
    %neg3A_170 = arith.subf %neg3A_169, %abs3A_167 : vector<1x1000xf32>
    %exp3A_171 = math.exp %neg3A_170 : vector<1x1000xf32>
    %log1p3A_172 = math.log1p %exp3A_171 : vector<1x1000xf32>
    %add3A_173 = arith.addf %max3A_161, %log1p3A_172 : vector<1x1000xf32>
    %select_n3A_174 = arith.select %ne3A_164, %add3A_166, %add3A_173 : vector<1x1000xi1>, vector<1x1000xf32>
    %add3A_175 = arith.constant -1.000000e+00 : f32
    %add3A_176 = vector.broadcast %add3A_175 : f32 to vector<1x1000xf32>
    %add3A_177 = arith.addf %add3A_176, %select_n3A_174 : vector<1x1000xf32>
    %mul3A_178 = arith.mulf %slice3A_153, %slice3A_153 : vector<32x1000xf32>
    %reduce_sum3A_179 = arith.constant dense<0.000000e+00> : vector<1000xf32>
    %reduce_sum3A_180 = vector.multi_reduction <add>, %mul3A_178, %reduce_sum3A_179 [0] : vector<32x1000xf32> to vector<1000xf32>
    %broadcast_in_dim3A_181 = vector.shape_cast %reduce_sum3A_180 : vector<1000xf32> to vector<1x1000xf32>
    %sub3A_182 = arith.subf %add3A_177, %broadcast_in_dim3A_158 : vector<1x1000xf32>
    %div3A_183 = arith.divf %sub3A_182, %broadcast_in_dim3A_181 : vector<1x1000xf32>
    %mul3A_184 = vector.broadcast %div3A_183 : vector<1x1000xf32> to vector<32x1000xf32>
    %mul3A_185 = arith.mulf %mul3A_184, %slice3A_153 : vector<32x1000xf32>
    %add3A_186 = arith.addf %slice3A_152, %mul3A_185 : vector<32x1000xf32>
    %mul3A_187 = arith.mulf %slice3A_153, %add3A_137 : vector<32x1000xf32>
    %reduce_sum3A_188 = arith.constant dense<0.000000e+00> : vector<1000xf32>
    %reduce_sum3A_189 = vector.multi_reduction <add>, %mul3A_187, %reduce_sum3A_188 [0] : vector<32x1000xf32> to vector<1000xf32>
    %broadcast_in_dim3A_190 = vector.shape_cast %reduce_sum3A_189 : vector<1000xf32> to vector<1x1000xf32>
    %add3A_191 = arith.addf %broadcast_in_dim3A_190, %slice3A_154 : vector<1x1000xf32>
    %tanh3A_192 = math.tanh %add3A_191 : vector<1x1000xf32>
    %mul3A_193 = vector.broadcast %tanh3A_192 : vector<1x1000xf32> to vector<32x1000xf32>
    %mul3A_194 = arith.mulf %add3A_186, %mul3A_193 : vector<32x1000xf32>
    %add3A_195 = arith.addf %add3A_137, %mul3A_194 : vector<32x1000xf32>
    %mul3A_196 = arith.mulf %slice3A_153, %add3A_186 : vector<32x1000xf32>
    %reduce_sum3A_197 = arith.constant dense<0.000000e+00> : vector<1000xf32>
    %reduce_sum3A_198 = vector.multi_reduction <add>, %mul3A_196, %reduce_sum3A_197 [0] : vector<32x1000xf32> to vector<1000xf32>
    %broadcast_in_dim3A_199 = vector.shape_cast %reduce_sum3A_198 : vector<1000xf32> to vector<1x1000xf32>
    %mul3A_200 = arith.mulf %tanh3A_192, %tanh3A_192 : vector<1x1000xf32>
    %sub3A_201 = arith.constant 1.000000e+00 : f32
    %sub3A_202 = vector.broadcast %sub3A_201 : f32 to vector<1x1000xf32>
    %sub3A_203 = arith.subf %sub3A_202, %mul3A_200 : vector<1x1000xf32>
    %mul3A_204 = arith.mulf %sub3A_203, %broadcast_in_dim3A_199 : vector<1x1000xf32>
    %add3A_205 = arith.constant 1.000000e+00 : f32
    %add3A_206 = vector.broadcast %add3A_205 : f32 to vector<1x1000xf32>
    %add3A_207 = arith.addf %add3A_206, %mul3A_204 : vector<1x1000xf32>
    %abs3A_208 = math.absf %add3A_207 : vector<1x1000xf32>
    %log3A_209 = math.log %abs3A_208 : vector<1x1000xf32>
    %add3A_210 = arith.addf %add3A_151, %log3A_209 : vector<1x1000xf32>
    %slice3A_211 = vector.extract_strided_slice %add3A_58 {offsets = [64, 0], sizes = [32, 1000], strides = [1, 1]} : vector<192x1000xf32> to vector<32x1000xf32>
    %slice3A_212 = vector.extract_strided_slice %add3A_70 {offsets = [64, 0], sizes = [32, 1000], strides = [1, 1]} : vector<192x1000xf32> to vector<32x1000xf32>
    %slice3A_213 = vector.extract_strided_slice %add3A_82 {offsets = [2, 0], sizes = [1, 1000], strides = [1, 1]} : vector<6x1000xf32> to vector<1x1000xf32>
    %mul3A_214 = arith.mulf %slice3A_212, %slice3A_211 : vector<32x1000xf32>
    %reduce_sum3A_215 = arith.constant dense<0.000000e+00> : vector<1000xf32>
    %reduce_sum3A_216 = vector.multi_reduction <add>, %mul3A_214, %reduce_sum3A_215 [0] : vector<32x1000xf32> to vector<1000xf32>
    %broadcast_in_dim3A_217 = vector.shape_cast %reduce_sum3A_216 : vector<1000xf32> to vector<1x1000xf32>
    %custom_jvp_call3A_218 = arith.constant 0.000000e+00 : f32
    %max3A_219 = vector.broadcast %custom_jvp_call3A_218 : f32 to vector<1x1000xf32>
    %max3A_220 = arith.maximumf %broadcast_in_dim3A_217, %max3A_219 : vector<1x1000xf32>
    %sub3A_221 = vector.broadcast %custom_jvp_call3A_218 : f32 to vector<1x1000xf32>
    %sub3A_222 = arith.subf %broadcast_in_dim3A_217, %sub3A_221 : vector<1x1000xf32>
    %ne3A_223 = arith.cmpf one, %sub3A_222, %sub3A_222 : vector<1x1000xf32>
    %add3A_224 = vector.broadcast %custom_jvp_call3A_218 : f32 to vector<1x1000xf32>
    %add3A_225 = arith.addf %broadcast_in_dim3A_217, %add3A_224 : vector<1x1000xf32>
    %abs3A_226 = math.absf %sub3A_222 : vector<1x1000xf32>
    %neg3A_227 = arith.constant 0.000000e+00 : f32
    %neg3A_228 = vector.broadcast %neg3A_227 : f32 to vector<1x1000xf32>
    %neg3A_229 = arith.subf %neg3A_228, %abs3A_226 : vector<1x1000xf32>
    %exp3A_230 = math.exp %neg3A_229 : vector<1x1000xf32>
    %log1p3A_231 = math.log1p %exp3A_230 : vector<1x1000xf32>
    %add3A_232 = arith.addf %max3A_220, %log1p3A_231 : vector<1x1000xf32>
    %select_n3A_233 = arith.select %ne3A_223, %add3A_225, %add3A_232 : vector<1x1000xi1>, vector<1x1000xf32>
    %add3A_234 = arith.constant -1.000000e+00 : f32
    %add3A_235 = vector.broadcast %add3A_234 : f32 to vector<1x1000xf32>
    %add3A_236 = arith.addf %add3A_235, %select_n3A_233 : vector<1x1000xf32>
    %mul3A_237 = arith.mulf %slice3A_212, %slice3A_212 : vector<32x1000xf32>
    %reduce_sum3A_238 = arith.constant dense<0.000000e+00> : vector<1000xf32>
    %reduce_sum3A_239 = vector.multi_reduction <add>, %mul3A_237, %reduce_sum3A_238 [0] : vector<32x1000xf32> to vector<1000xf32>
    %broadcast_in_dim3A_240 = vector.shape_cast %reduce_sum3A_239 : vector<1000xf32> to vector<1x1000xf32>
    %sub3A_241 = arith.subf %add3A_236, %broadcast_in_dim3A_217 : vector<1x1000xf32>
    %div3A_242 = arith.divf %sub3A_241, %broadcast_in_dim3A_240 : vector<1x1000xf32>
    %mul3A_243 = vector.broadcast %div3A_242 : vector<1x1000xf32> to vector<32x1000xf32>
    %mul3A_244 = arith.mulf %mul3A_243, %slice3A_212 : vector<32x1000xf32>
    %add3A_245 = arith.addf %slice3A_211, %mul3A_244 : vector<32x1000xf32>
    %mul3A_246 = arith.mulf %slice3A_212, %add3A_195 : vector<32x1000xf32>
    %reduce_sum3A_247 = arith.constant dense<0.000000e+00> : vector<1000xf32>
    %reduce_sum3A_248 = vector.multi_reduction <add>, %mul3A_246, %reduce_sum3A_247 [0] : vector<32x1000xf32> to vector<1000xf32>
    %broadcast_in_dim3A_249 = vector.shape_cast %reduce_sum3A_248 : vector<1000xf32> to vector<1x1000xf32>
    %add3A_250 = arith.addf %broadcast_in_dim3A_249, %slice3A_213 : vector<1x1000xf32>
    %tanh3A_251 = math.tanh %add3A_250 : vector<1x1000xf32>
    %mul3A_252 = vector.broadcast %tanh3A_251 : vector<1x1000xf32> to vector<32x1000xf32>
    %mul3A_253 = arith.mulf %add3A_245, %mul3A_252 : vector<32x1000xf32>
    %add3A_254 = arith.addf %add3A_195, %mul3A_253 : vector<32x1000xf32>
    %mul3A_255 = arith.mulf %slice3A_212, %add3A_245 : vector<32x1000xf32>
    %reduce_sum3A_256 = arith.constant dense<0.000000e+00> : vector<1000xf32>
    %reduce_sum3A_257 = vector.multi_reduction <add>, %mul3A_255, %reduce_sum3A_256 [0] : vector<32x1000xf32> to vector<1000xf32>
    %broadcast_in_dim3A_258 = vector.shape_cast %reduce_sum3A_257 : vector<1000xf32> to vector<1x1000xf32>
    %mul3A_259 = arith.mulf %tanh3A_251, %tanh3A_251 : vector<1x1000xf32>
    %sub3A_260 = arith.constant 1.000000e+00 : f32
    %sub3A_261 = vector.broadcast %sub3A_260 : f32 to vector<1x1000xf32>
    %sub3A_262 = arith.subf %sub3A_261, %mul3A_259 : vector<1x1000xf32>
    %mul3A_263 = arith.mulf %sub3A_262, %broadcast_in_dim3A_258 : vector<1x1000xf32>
    %add3A_264 = arith.constant 1.000000e+00 : f32
    %add3A_265 = vector.broadcast %add3A_264 : f32 to vector<1x1000xf32>
    %add3A_266 = arith.addf %add3A_265, %mul3A_263 : vector<1x1000xf32>
    %abs3A_267 = math.absf %add3A_266 : vector<1x1000xf32>
    %log3A_268 = math.log %abs3A_267 : vector<1x1000xf32>
    %add3A_269 = arith.addf %add3A_210, %log3A_268 : vector<1x1000xf32>
    %slice3A_270 = vector.extract_strided_slice %add3A_58 {offsets = [96, 0], sizes = [32, 1000], strides = [1, 1]} : vector<192x1000xf32> to vector<32x1000xf32>
    %slice3A_271 = vector.extract_strided_slice %add3A_70 {offsets = [96, 0], sizes = [32, 1000], strides = [1, 1]} : vector<192x1000xf32> to vector<32x1000xf32>
    %slice3A_272 = vector.extract_strided_slice %add3A_82 {offsets = [3, 0], sizes = [1, 1000], strides = [1, 1]} : vector<6x1000xf32> to vector<1x1000xf32>
    %mul3A_273 = arith.mulf %slice3A_271, %slice3A_270 : vector<32x1000xf32>
    %reduce_sum3A_274 = arith.constant dense<0.000000e+00> : vector<1000xf32>
    %reduce_sum3A_275 = vector.multi_reduction <add>, %mul3A_273, %reduce_sum3A_274 [0] : vector<32x1000xf32> to vector<1000xf32>
    %broadcast_in_dim3A_276 = vector.shape_cast %reduce_sum3A_275 : vector<1000xf32> to vector<1x1000xf32>
    %custom_jvp_call3A_277 = arith.constant 0.000000e+00 : f32
    %max3A_278 = vector.broadcast %custom_jvp_call3A_277 : f32 to vector<1x1000xf32>
    %max3A_279 = arith.maximumf %broadcast_in_dim3A_276, %max3A_278 : vector<1x1000xf32>
    %sub3A_280 = vector.broadcast %custom_jvp_call3A_277 : f32 to vector<1x1000xf32>
    %sub3A_281 = arith.subf %broadcast_in_dim3A_276, %sub3A_280 : vector<1x1000xf32>
    %ne3A_282 = arith.cmpf one, %sub3A_281, %sub3A_281 : vector<1x1000xf32>
    %add3A_283 = vector.broadcast %custom_jvp_call3A_277 : f32 to vector<1x1000xf32>
    %add3A_284 = arith.addf %broadcast_in_dim3A_276, %add3A_283 : vector<1x1000xf32>
    %abs3A_285 = math.absf %sub3A_281 : vector<1x1000xf32>
    %neg3A_286 = arith.constant 0.000000e+00 : f32
    %neg3A_287 = vector.broadcast %neg3A_286 : f32 to vector<1x1000xf32>
    %neg3A_288 = arith.subf %neg3A_287, %abs3A_285 : vector<1x1000xf32>
    %exp3A_289 = math.exp %neg3A_288 : vector<1x1000xf32>
    %log1p3A_290 = math.log1p %exp3A_289 : vector<1x1000xf32>
    %add3A_291 = arith.addf %max3A_279, %log1p3A_290 : vector<1x1000xf32>
    %select_n3A_292 = arith.select %ne3A_282, %add3A_284, %add3A_291 : vector<1x1000xi1>, vector<1x1000xf32>
    %add3A_293 = arith.constant -1.000000e+00 : f32
    %add3A_294 = vector.broadcast %add3A_293 : f32 to vector<1x1000xf32>
    %add3A_295 = arith.addf %add3A_294, %select_n3A_292 : vector<1x1000xf32>
    %mul3A_296 = arith.mulf %slice3A_271, %slice3A_271 : vector<32x1000xf32>
    %reduce_sum3A_297 = arith.constant dense<0.000000e+00> : vector<1000xf32>
    %reduce_sum3A_298 = vector.multi_reduction <add>, %mul3A_296, %reduce_sum3A_297 [0] : vector<32x1000xf32> to vector<1000xf32>
    %broadcast_in_dim3A_299 = vector.shape_cast %reduce_sum3A_298 : vector<1000xf32> to vector<1x1000xf32>
    %sub3A_300 = arith.subf %add3A_295, %broadcast_in_dim3A_276 : vector<1x1000xf32>
    %div3A_301 = arith.divf %sub3A_300, %broadcast_in_dim3A_299 : vector<1x1000xf32>
    %mul3A_302 = vector.broadcast %div3A_301 : vector<1x1000xf32> to vector<32x1000xf32>
    %mul3A_303 = arith.mulf %mul3A_302, %slice3A_271 : vector<32x1000xf32>
    %add3A_304 = arith.addf %slice3A_270, %mul3A_303 : vector<32x1000xf32>
    %mul3A_305 = arith.mulf %slice3A_271, %add3A_254 : vector<32x1000xf32>
    %reduce_sum3A_306 = arith.constant dense<0.000000e+00> : vector<1000xf32>
    %reduce_sum3A_307 = vector.multi_reduction <add>, %mul3A_305, %reduce_sum3A_306 [0] : vector<32x1000xf32> to vector<1000xf32>
    %broadcast_in_dim3A_308 = vector.shape_cast %reduce_sum3A_307 : vector<1000xf32> to vector<1x1000xf32>
    %add3A_309 = arith.addf %broadcast_in_dim3A_308, %slice3A_272 : vector<1x1000xf32>
    %tanh3A_310 = math.tanh %add3A_309 : vector<1x1000xf32>
    %mul3A_311 = vector.broadcast %tanh3A_310 : vector<1x1000xf32> to vector<32x1000xf32>
    %mul3A_312 = arith.mulf %add3A_304, %mul3A_311 : vector<32x1000xf32>
    %add3A_313 = arith.addf %add3A_254, %mul3A_312 : vector<32x1000xf32>
    %mul3A_314 = arith.mulf %slice3A_271, %add3A_304 : vector<32x1000xf32>
    %reduce_sum3A_315 = arith.constant dense<0.000000e+00> : vector<1000xf32>
    %reduce_sum3A_316 = vector.multi_reduction <add>, %mul3A_314, %reduce_sum3A_315 [0] : vector<32x1000xf32> to vector<1000xf32>
    %broadcast_in_dim3A_317 = vector.shape_cast %reduce_sum3A_316 : vector<1000xf32> to vector<1x1000xf32>
    %mul3A_318 = arith.mulf %tanh3A_310, %tanh3A_310 : vector<1x1000xf32>
    %sub3A_319 = arith.constant 1.000000e+00 : f32
    %sub3A_320 = vector.broadcast %sub3A_319 : f32 to vector<1x1000xf32>
    %sub3A_321 = arith.subf %sub3A_320, %mul3A_318 : vector<1x1000xf32>
    %mul3A_322 = arith.mulf %sub3A_321, %broadcast_in_dim3A_317 : vector<1x1000xf32>
    %add3A_323 = arith.constant 1.000000e+00 : f32
    %add3A_324 = vector.broadcast %add3A_323 : f32 to vector<1x1000xf32>
    %add3A_325 = arith.addf %add3A_324, %mul3A_322 : vector<1x1000xf32>
    %abs3A_326 = math.absf %add3A_325 : vector<1x1000xf32>
    %log3A_327 = math.log %abs3A_326 : vector<1x1000xf32>
    %add3A_328 = arith.addf %add3A_269, %log3A_327 : vector<1x1000xf32>
    %slice3A_329 = vector.extract_strided_slice %add3A_58 {offsets = [128, 0], sizes = [32, 1000], strides = [1, 1]} : vector<192x1000xf32> to vector<32x1000xf32>
    %slice3A_330 = vector.extract_strided_slice %add3A_70 {offsets = [128, 0], sizes = [32, 1000], strides = [1, 1]} : vector<192x1000xf32> to vector<32x1000xf32>
    %slice3A_331 = vector.extract_strided_slice %add3A_82 {offsets = [4, 0], sizes = [1, 1000], strides = [1, 1]} : vector<6x1000xf32> to vector<1x1000xf32>
    %mul3A_332 = arith.mulf %slice3A_330, %slice3A_329 : vector<32x1000xf32>
    %reduce_sum3A_333 = arith.constant dense<0.000000e+00> : vector<1000xf32>
    %reduce_sum3A_334 = vector.multi_reduction <add>, %mul3A_332, %reduce_sum3A_333 [0] : vector<32x1000xf32> to vector<1000xf32>
    %broadcast_in_dim3A_335 = vector.shape_cast %reduce_sum3A_334 : vector<1000xf32> to vector<1x1000xf32>
    %custom_jvp_call3A_336 = arith.constant 0.000000e+00 : f32
    %max3A_337 = vector.broadcast %custom_jvp_call3A_336 : f32 to vector<1x1000xf32>
    %max3A_338 = arith.maximumf %broadcast_in_dim3A_335, %max3A_337 : vector<1x1000xf32>
    %sub3A_339 = vector.broadcast %custom_jvp_call3A_336 : f32 to vector<1x1000xf32>
    %sub3A_340 = arith.subf %broadcast_in_dim3A_335, %sub3A_339 : vector<1x1000xf32>
    %ne3A_341 = arith.cmpf one, %sub3A_340, %sub3A_340 : vector<1x1000xf32>
    %add3A_342 = vector.broadcast %custom_jvp_call3A_336 : f32 to vector<1x1000xf32>
    %add3A_343 = arith.addf %broadcast_in_dim3A_335, %add3A_342 : vector<1x1000xf32>
    %abs3A_344 = math.absf %sub3A_340 : vector<1x1000xf32>
    %neg3A_345 = arith.constant 0.000000e+00 : f32
    %neg3A_346 = vector.broadcast %neg3A_345 : f32 to vector<1x1000xf32>
    %neg3A_347 = arith.subf %neg3A_346, %abs3A_344 : vector<1x1000xf32>
    %exp3A_348 = math.exp %neg3A_347 : vector<1x1000xf32>
    %log1p3A_349 = math.log1p %exp3A_348 : vector<1x1000xf32>
    %add3A_350 = arith.addf %max3A_338, %log1p3A_349 : vector<1x1000xf32>
    %select_n3A_351 = arith.select %ne3A_341, %add3A_343, %add3A_350 : vector<1x1000xi1>, vector<1x1000xf32>
    %add3A_352 = arith.constant -1.000000e+00 : f32
    %add3A_353 = vector.broadcast %add3A_352 : f32 to vector<1x1000xf32>
    %add3A_354 = arith.addf %add3A_353, %select_n3A_351 : vector<1x1000xf32>
    %mul3A_355 = arith.mulf %slice3A_330, %slice3A_330 : vector<32x1000xf32>
    %reduce_sum3A_356 = arith.constant dense<0.000000e+00> : vector<1000xf32>
    %reduce_sum3A_357 = vector.multi_reduction <add>, %mul3A_355, %reduce_sum3A_356 [0] : vector<32x1000xf32> to vector<1000xf32>
    %broadcast_in_dim3A_358 = vector.shape_cast %reduce_sum3A_357 : vector<1000xf32> to vector<1x1000xf32>
    %sub3A_359 = arith.subf %add3A_354, %broadcast_in_dim3A_335 : vector<1x1000xf32>
    %div3A_360 = arith.divf %sub3A_359, %broadcast_in_dim3A_358 : vector<1x1000xf32>
    %mul3A_361 = vector.broadcast %div3A_360 : vector<1x1000xf32> to vector<32x1000xf32>
    %mul3A_362 = arith.mulf %mul3A_361, %slice3A_330 : vector<32x1000xf32>
    %add3A_363 = arith.addf %slice3A_329, %mul3A_362 : vector<32x1000xf32>
    %mul3A_364 = arith.mulf %slice3A_330, %add3A_313 : vector<32x1000xf32>
    %reduce_sum3A_365 = arith.constant dense<0.000000e+00> : vector<1000xf32>
    %reduce_sum3A_366 = vector.multi_reduction <add>, %mul3A_364, %reduce_sum3A_365 [0] : vector<32x1000xf32> to vector<1000xf32>
    %broadcast_in_dim3A_367 = vector.shape_cast %reduce_sum3A_366 : vector<1000xf32> to vector<1x1000xf32>
    %add3A_368 = arith.addf %broadcast_in_dim3A_367, %slice3A_331 : vector<1x1000xf32>
    %tanh3A_369 = math.tanh %add3A_368 : vector<1x1000xf32>
    %mul3A_370 = vector.broadcast %tanh3A_369 : vector<1x1000xf32> to vector<32x1000xf32>
    %mul3A_371 = arith.mulf %add3A_363, %mul3A_370 : vector<32x1000xf32>
    %add3A_372 = arith.addf %add3A_313, %mul3A_371 : vector<32x1000xf32>
    %mul3A_373 = arith.mulf %slice3A_330, %add3A_363 : vector<32x1000xf32>
    %reduce_sum3A_374 = arith.constant dense<0.000000e+00> : vector<1000xf32>
    %reduce_sum3A_375 = vector.multi_reduction <add>, %mul3A_373, %reduce_sum3A_374 [0] : vector<32x1000xf32> to vector<1000xf32>
    %broadcast_in_dim3A_376 = vector.shape_cast %reduce_sum3A_375 : vector<1000xf32> to vector<1x1000xf32>
    %mul3A_377 = arith.mulf %tanh3A_369, %tanh3A_369 : vector<1x1000xf32>
    %sub3A_378 = arith.constant 1.000000e+00 : f32
    %sub3A_379 = vector.broadcast %sub3A_378 : f32 to vector<1x1000xf32>
    %sub3A_380 = arith.subf %sub3A_379, %mul3A_377 : vector<1x1000xf32>
    %mul3A_381 = arith.mulf %sub3A_380, %broadcast_in_dim3A_376 : vector<1x1000xf32>
    %add3A_382 = arith.constant 1.000000e+00 : f32
    %add3A_383 = vector.broadcast %add3A_382 : f32 to vector<1x1000xf32>
    %add3A_384 = arith.addf %add3A_383, %mul3A_381 : vector<1x1000xf32>
    %abs3A_385 = math.absf %add3A_384 : vector<1x1000xf32>
    %log3A_386 = math.log %abs3A_385 : vector<1x1000xf32>
    %add3A_387 = arith.addf %add3A_328, %log3A_386 : vector<1x1000xf32>
    %slice3A_388 = vector.extract_strided_slice %add3A_58 {offsets = [160, 0], sizes = [32, 1000], strides = [1, 1]} : vector<192x1000xf32> to vector<32x1000xf32>
    %slice3A_389 = vector.extract_strided_slice %add3A_70 {offsets = [160, 0], sizes = [32, 1000], strides = [1, 1]} : vector<192x1000xf32> to vector<32x1000xf32>
    %slice3A_390 = vector.extract_strided_slice %add3A_82 {offsets = [5, 0], sizes = [1, 1000], strides = [1, 1]} : vector<6x1000xf32> to vector<1x1000xf32>
    %mul3A_391 = arith.mulf %slice3A_389, %slice3A_388 : vector<32x1000xf32>
    %reduce_sum3A_392 = arith.constant dense<0.000000e+00> : vector<1000xf32>
    %reduce_sum3A_393 = vector.multi_reduction <add>, %mul3A_391, %reduce_sum3A_392 [0] : vector<32x1000xf32> to vector<1000xf32>
    %broadcast_in_dim3A_394 = vector.shape_cast %reduce_sum3A_393 : vector<1000xf32> to vector<1x1000xf32>
    %custom_jvp_call3A_395 = arith.constant 0.000000e+00 : f32
    %max3A_396 = vector.broadcast %custom_jvp_call3A_395 : f32 to vector<1x1000xf32>
    %max3A_397 = arith.maximumf %broadcast_in_dim3A_394, %max3A_396 : vector<1x1000xf32>
    %sub3A_398 = vector.broadcast %custom_jvp_call3A_395 : f32 to vector<1x1000xf32>
    %sub3A_399 = arith.subf %broadcast_in_dim3A_394, %sub3A_398 : vector<1x1000xf32>
    %ne3A_400 = arith.cmpf one, %sub3A_399, %sub3A_399 : vector<1x1000xf32>
    %add3A_401 = vector.broadcast %custom_jvp_call3A_395 : f32 to vector<1x1000xf32>
    %add3A_402 = arith.addf %broadcast_in_dim3A_394, %add3A_401 : vector<1x1000xf32>
    %abs3A_403 = math.absf %sub3A_399 : vector<1x1000xf32>
    %neg3A_404 = arith.constant 0.000000e+00 : f32
    %neg3A_405 = vector.broadcast %neg3A_404 : f32 to vector<1x1000xf32>
    %neg3A_406 = arith.subf %neg3A_405, %abs3A_403 : vector<1x1000xf32>
    %exp3A_407 = math.exp %neg3A_406 : vector<1x1000xf32>
    %log1p3A_408 = math.log1p %exp3A_407 : vector<1x1000xf32>
    %add3A_409 = arith.addf %max3A_397, %log1p3A_408 : vector<1x1000xf32>
    %select_n3A_410 = arith.select %ne3A_400, %add3A_402, %add3A_409 : vector<1x1000xi1>, vector<1x1000xf32>
    %add3A_411 = arith.constant -1.000000e+00 : f32
    %add3A_412 = vector.broadcast %add3A_411 : f32 to vector<1x1000xf32>
    %add3A_413 = arith.addf %add3A_412, %select_n3A_410 : vector<1x1000xf32>
    %mul3A_414 = arith.mulf %slice3A_389, %slice3A_389 : vector<32x1000xf32>
    %reduce_sum3A_415 = arith.constant dense<0.000000e+00> : vector<1000xf32>
    %reduce_sum3A_416 = vector.multi_reduction <add>, %mul3A_414, %reduce_sum3A_415 [0] : vector<32x1000xf32> to vector<1000xf32>
    %broadcast_in_dim3A_417 = vector.shape_cast %reduce_sum3A_416 : vector<1000xf32> to vector<1x1000xf32>
    %sub3A_418 = arith.subf %add3A_413, %broadcast_in_dim3A_394 : vector<1x1000xf32>
    %div3A_419 = arith.divf %sub3A_418, %broadcast_in_dim3A_417 : vector<1x1000xf32>
    %mul3A_420 = vector.broadcast %div3A_419 : vector<1x1000xf32> to vector<32x1000xf32>
    %mul3A_421 = arith.mulf %mul3A_420, %slice3A_389 : vector<32x1000xf32>
    %add3A_422 = arith.addf %slice3A_388, %mul3A_421 : vector<32x1000xf32>
    %mul3A_423 = arith.mulf %slice3A_389, %add3A_372 : vector<32x1000xf32>
    %reduce_sum3A_424 = arith.constant dense<0.000000e+00> : vector<1000xf32>
    %reduce_sum3A_425 = vector.multi_reduction <add>, %mul3A_423, %reduce_sum3A_424 [0] : vector<32x1000xf32> to vector<1000xf32>
    %broadcast_in_dim3A_426 = vector.shape_cast %reduce_sum3A_425 : vector<1000xf32> to vector<1x1000xf32>
    %add3A_427 = arith.addf %broadcast_in_dim3A_426, %slice3A_390 : vector<1x1000xf32>
    %tanh3A_428 = math.tanh %add3A_427 : vector<1x1000xf32>
    %mul3A_429 = vector.broadcast %tanh3A_428 : vector<1x1000xf32> to vector<32x1000xf32>
    %mul3A_430 = arith.mulf %add3A_422, %mul3A_429 : vector<32x1000xf32>
    %add3A_431 = arith.addf %add3A_372, %mul3A_430 : vector<32x1000xf32>
    %mul3A_432 = arith.mulf %slice3A_389, %add3A_422 : vector<32x1000xf32>
    %reduce_sum3A_433 = arith.constant dense<0.000000e+00> : vector<1000xf32>
    %reduce_sum3A_434 = vector.multi_reduction <add>, %mul3A_432, %reduce_sum3A_433 [0] : vector<32x1000xf32> to vector<1000xf32>
    %broadcast_in_dim3A_435 = vector.shape_cast %reduce_sum3A_434 : vector<1000xf32> to vector<1x1000xf32>
    %mul3A_436 = arith.mulf %tanh3A_428, %tanh3A_428 : vector<1x1000xf32>
    %sub3A_437 = arith.constant 1.000000e+00 : f32
    %sub3A_438 = vector.broadcast %sub3A_437 : f32 to vector<1x1000xf32>
    %sub3A_439 = arith.subf %sub3A_438, %mul3A_436 : vector<1x1000xf32>
    %mul3A_440 = arith.mulf %sub3A_439, %broadcast_in_dim3A_435 : vector<1x1000xf32>
    %add3A_441 = arith.constant 1.000000e+00 : f32
    %add3A_442 = vector.broadcast %add3A_441 : f32 to vector<1x1000xf32>
    %add3A_443 = arith.addf %add3A_442, %mul3A_440 : vector<1x1000xf32>
    %abs3A_444 = math.absf %add3A_443 : vector<1x1000xf32>
    %log3A_445 = math.log %abs3A_444 : vector<1x1000xf32>
    %add3A_446 = arith.addf %add3A_387, %log3A_445 : vector<1x1000xf32>
    %transpose3A_447 = tpu.transpose %add3A_431, [1, 0] : vector<32x1000xf32> -> vector<1000x32xf32>
    %swap3A_448 = arith.constant 0 : index
    %swap3A_449 = arith.constant 0 : index
    %swap3A_450 = vector.load %arg17[%swap3A_448, %swap3A_449] : memref<1000x32xf32, #tpu.memory_space<vmem>>, vector<1000x32xf32>
    tpu.vector_store %arg17[%swap3A_448, %swap3A_449], %transpose3A_447 {strides = array<i32>} : memref<1000x32xf32, #tpu.memory_space<vmem>>, vector<1000x32xf32>,
    %transpose3A_451 = tpu.transpose %add3A_446, [1, 0] : vector<1x1000xf32> -> vector<1000x1xf32>
    %swap3A_452 = arith.constant 0 : index
    %swap3A_453 = arith.constant 0 : index
    %swap3A_454 = vector.load %arg18[%swap3A_452, %swap3A_453] : memref<1000x1xf32, #tpu.memory_space<vmem>>, vector<1000x1xf32>
    tpu.vector_store %arg18[%swap3A_452, %swap3A_453], %transpose3A_451 {strides = array<i32>} : memref<1000x1xf32, #tpu.memory_space<vmem>>, vector<1000x1xf32>,
    return
  }
  func.func @transform_0(%arg0: i32) -> (i32, i32, i32) {
    %c0_i32 = arith.constant 0 : i32
    %c0_i32_0 = arith.constant 0 : i32
    %c0_i32_1 = arith.constant 0 : i32
    return %c0_i32, %arg0, %c0_i32_0 : i32, i32, i32
  }
  func.func @transform_1(%arg0: i32) -> (i32, i32, i32) {
    %c0_i32 = arith.constant 0 : i32
    %c0_i32_0 = arith.constant 0 : i32
    %c0_i32_1 = arith.constant 0 : i32
    return %c0_i32, %arg0, %c0_i32_0 : i32, i32, i32
  }
  func.func @transform_2(%arg0: i32) -> (i32, i32) {
    %c0_i32 = arith.constant 0 : i32
    %c0_i32_0 = arith.constant 0 : i32
    return %arg0, %c0_i32 : i32, i32
  }
  func.func @transform_3(%arg0: i32) -> (i32, i32) {
    %c0_i32 = arith.constant 0 : i32
    %c0_i32_0 = arith.constant 0 : i32
    %c0_i32_1 = arith.constant 0 : i32
    return %c0_i32, %c0_i32_0 : i32, i32
  }
  func.func @transform_4(%arg0: i32) -> (i32, i32) {
    %c0_i32 = arith.constant 0 : i32
    %c0_i32_0 = arith.constant 0 : i32
    %c0_i32_1 = arith.constant 0 : i32
    return %c0_i32, %c0_i32_0 : i32, i32
  }
  func.func @transform_5(%arg0: i32) -> (i32, i32) {
    %c0_i32 = arith.constant 0 : i32
    %c0_i32_0 = arith.constant 0 : i32
    %c0_i32_1 = arith.constant 0 : i32
    return %c0_i32, %c0_i32_0 : i32, i32
  }
  func.func @transform_6(%arg0: i32) -> (i32, i32) {
    %c0_i32 = arith.constant 0 : i32
    %c0_i32_0 = arith.constant 0 : i32
    %c0_i32_1 = arith.constant 0 : i32
    return %c0_i32, %c0_i32_0 : i32, i32
  }
  func.func @transform_7(%arg0: i32) -> (i32, i32) {
    %c0_i32 = arith.constant 0 : i32
    %c0_i32_0 = arith.constant 0 : i32
    %c0_i32_1 = arith.constant 0 : i32
    return %c0_i32, %c0_i32_0 : i32, i32
  }
  func.func @transform_8(%arg0: i32) -> (i32, i32) {
    %c0_i32 = arith.constant 0 : i32
    %c0_i32_0 = arith.constant 0 : i32
    %c0_i32_1 = arith.constant 0 : i32
    return %c0_i32, %c0_i32_0 : i32, i32
  }
  func.func @transform_9(%arg0: i32) -> (i32, i32) {
    %c0_i32 = arith.constant 0 : i32
    %c0_i32_0 = arith.constant 0 : i32
    %c0_i32_1 = arith.constant 0 : i32
    return %c0_i32, %c0_i32_0 : i32, i32
  }
  func.func @transform_10(%arg0: i32) -> (i32, i32) {
    %c0_i32 = arith.constant 0 : i32
    %c0_i32_0 = arith.constant 0 : i32
    %c0_i32_1 = arith.constant 0 : i32
    return %c0_i32, %c0_i32_0 : i32, i32
  }
  func.func @transform_11(%arg0: i32) -> (i32, i32) {
    %c0_i32 = arith.constant 0 : i32
    %c0_i32_0 = arith.constant 0 : i32
    %c0_i32_1 = arith.constant 0 : i32
    return %c0_i32, %c0_i32_0 : i32, i32
  }
  func.func @transform_12(%arg0: i32) -> (i32, i32) {
    %c0_i32 = arith.constant 0 : i32
    %c0_i32_0 = arith.constant 0 : i32
    %c0_i32_1 = arith.constant 0 : i32
    return %c0_i32, %c0_i32_0 : i32, i32
  }
  func.func @transform_13(%arg0: i32) -> (i32, i32) {
    %c0_i32 = arith.constant 0 : i32
    %c0_i32_0 = arith.constant 0 : i32
    return %arg0, %c0_i32 : i32, i32
  }
  func.func @transform_14(%arg0: i32) -> (i32, i32) {
    %c0_i32 = arith.constant 0 : i32
    %c0_i32_0 = arith.constant 0 : i32
    return %arg0, %c0_i32 : i32, i32
  }
  func.func @transform_15(%arg0: i32) -> (i32, i32) {
    %c0_i32 = arith.constant 0 : i32
    %c0_i32_0 = arith.constant 0 : i32
    return %arg0, %c0_i32 : i32, i32
  }
  func.func @transform_16(%arg0: i32) -> (i32, i32) {
    %c0_i32 = arith.constant 0 : i32
    %c0_i32_0 = arith.constant 0 : i32
    return %arg0, %c0_i32 : i32, i32
  }
  func.func @transform_17(%arg0: i32) -> (i32, i32) {
    %c0_i32 = arith.constant 0 : i32
    %c0_i32_0 = arith.constant 0 : i32
    return %arg0, %c0_i32 : i32, i32
  }
}

</mosaic_0001>

<sc_bundles>
// kernel: kernel.10.cloned.1.call-start
scs
__scs_entry_jumppad:
0x0: {  	(pc) =	sbr.rel $0x88, $3  }
0x1: {  	(tag) =	ssettag $0x0;
	lr =	simm.s32 $0x1  }
0x2: {  	[smem:$0x3F8F] =	sst lr;
	_ =	strace $0xD0000000  }
0x3: {  	_ = 	snop  }
0x4: {  	_ = 	snop  }
0x5: {  	_ = 	snop  }
0x6: {  	_ = 	snop  }
0x7: {  	_ = 	snop  }
__scs_overlays_trampoline_lowered:
0x8: {  	[smem:$0x3F9E] =	sst s0  }
0x9: {  	[smem:$0x3F9F] =	sst s1  }
0xa: {  	[smem:$0x3FA0] =	sst s2  }
0xb: {  	[smem:$0x3FA1] =	sst s3  }
0xc: {  	[smem:$0x3FA2] =	sst s4  }
0xd: {  	[smem:$0x3FA3] =	sst s5  }
0xe: {  	[smem:$0x3FA4] =	sst s6  }
0xf: {  	[smem:$0x3FA5] =	sst s7  }
0x10: {  	[smem:$0x3FA6] =	sst s8  }
0x11: {  	[smem:$0x3FA7] =	sst s9;
	s0 =	simm.s32 @!p0 $0x0  }
0x12: {  	s1 =	sld [smem:$0x3F8D];
	s0 =	simm.s32 @p0 $0x1  }
0x13: {  	[smem:$0x3FA8] =	sst s0;
	s0 =	simm.s32 @!p1 $0x0  }
0x14: {  	s2 =	sld [smem:$0x3F8C];
	s0 =	simm.s32 @p1 $0x1  }
0x15: {  	[smem:$0x3FA9] =	sst s0;
	s0 =	simm.s32 @!p2 $0x0  }
0x16: {  	s3 =	sld [smem:$0x3FDB];
	s0 =	simm.s32 @p2 $0x1  }
0x17: {  	s4 =	simm.s32 $0x1BF5;
	[smem:$0x3FAB] =	sst s0  }
0x18: {  	s0 =	sld [smem:$0x3F8E];
	_ =	swait.ge [sflag:s4], $0x0  }
0x19: {  	s7 =	sld [smem:$0x3F8F]  }
0x1a: {  	s8 =	sadd.s32 $0xFFFFE003, lr  }
0x1b: {  	s9 =	sadd.s32 $0xFFFFFEF7, lr;
	s5 =	simm.s32 $0xFFFFFFFF;
	p2 =	slt.u32 s8, $0xFFFFF086  }
0x1c: {  	p1 =	slt.u32 s9, $0xF7A;
	s5 =	simm.s32 @!p2 $0x0  }
0x1d: {  	s5 =	simm.s32 @p1 $0x1;
	p0 =	seq.s32 s7, s2  }
0x1e: {  	s7 =	smul.u32 @!p0 $0xF7A, s2;
	p2 =	seq.s32 @!p0 s5, $0x0  }
0x1f: {  	s9 =	smul.u32 $0xF7A, s1;
	s8 =	simm.s32 @!p0 $0x1BF5;
	p2 =	por !p2, p0  }
0x20: {  	[sflag:s8] =	ssyncset.s32 @!p0 $0xFFFFF086;
	s6 =	sadd.s32 @!p0 s3, s7;
	s7 =	simm.s32 @!p0 $0x108  }
0x21: {  	s3 =	sadd.s32 s3, s9;
	s6 =	sadd.s32 @!p0 $0x88, s6;
	s7 =	simm.s32 @p2 $0x1082  }
0x22: {  	[simem:s7], [sflag:s8] =	dma.local @!p0 [hbm:s6], $0xF7A  }
0x23: {  	s9 =	sor.u32 $0xD0000000, s2;
	s6 =	simm.s32 $0x108;
	_ =	swait.ge @!p0 [sflag:s8], $0x0  }
0x24: {  	s3 =	sadd.s32 $0x88, s3;
	s6 =	simm.s32 @!p1 $0x1082;
	[sflag:s4] =	ssyncset.s32 $0xFFFFF086  }
0x25: {  	[simem:s6], [sflag:s4] =	dma.local [hbm:s3], $0xF7A  }
0x26: {  	[smem:$0x3F8F] =	sst s1;
	(tag) =	ssettag s2;
	_ =	strace s9  }
0x27: {  	s1 =	sld [smem:$0x3F9F]  }
0x28: {  	s2 =	sld [smem:$0x3FA0]  }
0x29: {  	s4 =	sld [smem:$0x3FA2]  }
0x2a: {  	p0 =	seq.s32 s5, $0x0;
	s5 =	sld [smem:$0x3FA3]  }
0x2b: {  	s6 =	sld [smem:$0x3FA4]  }
0x2c: {  	s7 =	sld [smem:$0x3FA5]  }
0x2d: {  	s3 =	simm.s32 $0x108;
	s8 =	sld [smem:$0x3FA6]  }
0x2e: {  	s3 =	simm.s32 @!p0 $0x1082;
	s9 =	sld [smem:$0x3FA7]  }
0x2f: {  	lr =	sadd.s32 s0, s3;
	s0 =	sld [smem:$0x3F9E]  }
0x30: {  	s3 =	sld [smem:$0x3FA1]  }
0x31: {  	[smem:$0x3FAA] =	sst s10  }
0x32: {  	s10 =	sld [smem:$0x3FA8];
	_ =	sdelay $0x3  }
0x33: {  	p0 =	seq.s32 s10, $0x1;
	s10 =	sld [smem:$0x3FAA];
	_ =	sdelay $0x3  }
0x34: {  	[smem:$0x3FAA] =	sst s10  }
0x35: {  	s10 =	sld [smem:$0x3FA9];
	_ =	sdelay $0x3  }
0x36: {  	p1 =	seq.s32 s10, $0x1;
	s10 =	sld [smem:$0x3FAA];
	_ =	sdelay $0x3  }
0x37: {  	[smem:$0x3FAA] =	sst s10  }
0x38: {  	s10 =	sld [smem:$0x3FAB]  }
0x39: {  	_ = 	snop;
	(pc) =	sbr.ind lr, $3  }
0x3a: {  	_ = 	snop  }
0x3b: {  	_ = 	snop  }
0x3c: {  	p2 =	seq.s32 s10, $0x1;
	s10 =	sld [smem:$0x3FAA]  }
0x3d: {  	_ =	shalt  }
0x3e: {  	_ =	shalt  }
0x3f: {  	_ =	shalt  }
0x40: {  	_ =	shalt  }
0x41: {  	_ =	shalt  }
0x42: {  	_ =	shalt  }
0x43: {  	_ =	shalt  }
0x44: {  	_ =	shalt  }
0x45: {  	_ =	shalt  }
0x46: {  	_ =	shalt  }
0x47: {  	_ =	shalt  }
0x48: {  	_ =	shalt  }
0x49: {  	_ =	shalt  }
0x4a: {  	_ =	shalt  }
0x4b: {  	_ =	shalt  }
0x4c: {  	_ =	shalt  }
0x4d: {  	_ =	shalt  }
0x4e: {  	_ =	shalt  }
0x4f: {  	_ =	shalt  }
0x50: {  	_ =	shalt  }
0x51: {  	_ =	shalt  }
0x52: {  	_ =	shalt  }
0x53: {  	_ =	shalt  }
0x54: {  	_ =	shalt  }
0x55: {  	_ =	shalt  }
0x56: {  	_ =	shalt  }
0x57: {  	_ =	shalt  }
0x58: {  	_ =	shalt  }
0x59: {  	_ =	shalt  }
0x5a: {  	_ =	shalt  }
0x5b: {  	_ =	shalt  }
0x5c: {  	_ =	shalt  }
0x5d: {  	_ =	shalt  }
0x5e: {  	_ =	shalt  }
0x5f: {  	_ =	shalt  }
0x60: {  	_ =	shalt  }
0x61: {  	_ =	shalt  }
0x62: {  	_ =	shalt  }
0x63: {  	_ =	shalt  }
0x64: {  	_ =	shalt  }
0x65: {  	_ =	shalt  }
0x66: {  	_ =	shalt  }
0x67: {  	_ =	shalt  }
0x68: {  	_ =	shalt  }
0x69: {  	_ =	shalt  }
0x6a: {  	_ =	shalt  }
0x6b: {  	_ =	shalt  }
0x6c: {  	_ =	shalt  }
0x6d: {  	_ =	shalt  }
0x6e: {  	_ =	shalt  }
0x6f: {  	_ =	shalt  }
0x70: {  	_ =	shalt  }
0x71: {  	_ =	shalt  }
0x72: {  	_ =	shalt  }
0x73: {  	_ =	shalt  }
0x74: {  	_ =	shalt  }
0x75: {  	_ =	shalt  }
0x76: {  	_ =	shalt  }
0x77: {  	_ =	shalt  }
0x78: {  	_ =	shalt  }
0x79: {  	_ =	shalt  }
0x7a: {  	_ =	shalt  }
0x7b: {  	_ =	shalt  }
0x7c: {  	_ =	shalt  }
0x7d: {  	_ =	shalt  }
0x7e: {  	_ =	shalt  }
0x7f: {  	_ =	shalt  }
0x80: {  	_ =	shalt  }
0x81: {  	_ =	shalt  }
0x82: {  	_ =	shalt  }
0x83: {  	_ =	shalt  }
0x84: {  	_ =	shalt  }
0x85: {  	_ =	shalt  }
0x86: {  	_ =	shalt  }
0x87: {  	_ =	shalt  }
.Lfunc_end0:
.L_simem_size_0:
called_computation.1_lowered:
.L_overlay_start_0:
0x88: {  	s2 =	sld [smem:$0x3FD9]  }
0x89: {  	s3 =	sld [smem:$0x3FFE];
	_ =	sdelay $0x1  }
0x8a: {  	s1 =	srdreg.scid  }
0x8b: {  	s0 =	sand.u32 $0x1, s1  }
0x8c: {  	s16 =	sshll.u32 s0, $0xA;
	s2 =	sadd.s32 s3, s2  }
0x8d: {  	s2 =	sadd.s32 s2, s16  }
0x8e: {  	[smem:$0x3FB6] =	sst s2  }
0x8f: {  	_ = 	snop  }
0x90: {  	(tm) =	ssettm $0x1  }
0x91: {  	s17 =	sld [smem:$0x3FFB];
	_ =	sdelay $0x3  }
0x92: {  	_ =	strace s17  }
0x93: {  	s2 =	sld [smem:$0x3FFC];
	_ =	sdelay $0x3  }
0x94: {  	_ =	strace s2  }
0x95: {  	s2 =	sld [smem:$0x3FFD];
	_ =	sdelay $0x3  }
0x96: {  	_ =	strace s2  }
0x97: {  	_ =	strace $0x8FFFFFFF  }
0x98: {  	s18 =	sld [smem:$0x3FDB];
	_ =	sdelay $0x1  }
0x99: {  	s19 =	simm.s32 $_scs_section_size  }
0x9a: {  	s4 =	simm.s32 $_size__tile_overlayer_lowered;
	s5 =	simm.s32 $_tile_overlayer_lowered  }
0x9b: {  	s22 =	simm.s32 $0x1BFF;
	s21 =	sshll.u32 s5, $0x1;
	s2 =	sadd.s32 s19, s18  }
0x9c: {  	s6 =	simm.s32 $0x0;
	s20 =	sshll.u32 s4, $0x1;
	s4 =	sadd.s32 s21, s2  }
0x9d: {  	[timem:s6], [sflag:s22] =	dma.local [hbm:s4], s20  }
0x9e: {  	_ =	swait.ge [sflag:s22], s20  }
0x9f: {  	s3 =	ssub.s32 $0x0, s20;
	[sflag:s22] =	ssyncset.done $0x0  }
0xa0: {  	[sflag:s22] =	ssyncadd.s32 s3;
	_ =	sdelay $0x1  }
0xa1: {  	s23 =	simm.s32 $0x1B8B  }
0xa2: {  	_ =	swait.ge [sflag:s23], $0x1  }
0xa3: {  	[sflag:s23] =	ssyncset.done $0x0  }
0xa4: {  	s25 =	simm.s32 $0x1B8E;
	s24 =	sld [smem:$0x3FFE];
	[sflag:s23] =	ssyncadd.s32 $0xFFFFFFFF  }
0xa5: {  	s26 =	simm.s32 $execute0_lowered;
	[smem:$0x3FD2] =	sst s25  }
0xa6: {  	s4 =	sshll.u32 s26, $0x1;
	_ =	strace $0x80000049;
	[dreg:$0x1] =	wrdreg $0xFFFFFFFF  }
0xa7: {  	s28 =	simm.s32 $_size_execute0_lowered;
	s2 =	sadd.s32 s2, s4;
	[dreg:$0x0] =	wrdreg $0x0  }
0xa8: {  	s4 =	sshll.u32 s28, $0x1;
	[dreg:$0x2] =	wrdreg s2  }
0xa9: {  	[dreg:$0x3] =	wrdreg s4  }
0xaa: {  	[dreg:$0x4] =	wrdreg $0xC0  }
0xab: {  	_ =	task [dreg:s6], $0x5FFFF  }
0xac: {  	[dreg:$0x1] =	wrdreg $0xFFFFFFFF  }
0xad: {  	[dreg:$0x0] =	wrdreg $0x60  }
0xae: {  	[dreg:$0x2] =	wrdreg s24  }
0xaf: {  	[dreg:$0x3] =	wrdreg $0x170200  }
0xb0: {  	[dreg:$0x4] =	wrdreg $0x9  }
0xb1: {  	_ =	task.clear_ibuf [dreg:s6], $0x5FFFF;
	_ =	strace $0x90000049  }
0xb2: {  	s29 =	simm.s32 $0x9;
	_ =	strace $0x8000004B  }
0xb3: {  	_ =	swait.ge [sflag:s29], $0x1  }
0xb4: {  	[sflag:s29] =	ssyncadd.s32 $0xFFFFFFFF  }
0xb5: {  	_ =	strace $0x9000004B  }
0xb6: {  	_ =	sfence  }
0xb7: {  	s30 =	sld [smem:$0x0];
	_ =	sdelay $0x2  }
0xb8: {  	s31 =	sshll.u32 s1, $0xD;
	s1 =	sshrl.u32 s1, $0x2  }
0xb9: {  	s3 =	sand.u32 $0x4000, s31;
	s1 =	sadd.s32 s1, s30  }
0xba: {  	s0 =	sor.u32 s3, s0;
	s1 =	sshll.u32 s1, $0x11  }
0xbb: {  	s0 =	sor.u32 s1, s0  }
0xbc: {  	s0 =	sadd.s32 $0x8F2B, s0  }
0xbd: {  	[sflag:s0] =	ssyncadd.remote.s32 $0x1  }
0xbe: {  	_ =	sfence.sel $0xFFFF  }
0xbf: {  	[dreg:$0x0] =	wrdreg $0xFFFFFFFF;
	(pc) =	sbr.abs _section_cstart, $3  }
0xc0: {  	[dreg:$0x1] =	wrdreg $0xFFFFFFFF  }
0xc1: {  	_ =	task.clear_ibuf [dreg:s6], $0x2FFFF;
	_ =	strace $0x9FFFFFFF  }
0xc2: {  	(tm) =	ssettm $0x7FFFFFFF  }
0xc3: {  	_ =	shalt  }
tec
execute0_lowered:
.L_overlay_start_1:
0x0: {  	(tag) =	ssettag $0x1  }
0x1: {  	s0 =	rddreg [dreg:$0x0]  }
0x2: {  	s2 =	rddreg [dreg:$0x1]  }
0x3: {  	s4 =	srdreg.scid;
	s1 =	stileid.u32;
	s3 =	simm.s32 $0x0  }
0x4: {  	s15 =	simm.s32 $0x37A0;
	s16 =	simm.s32 $0x4740;
	[smem:$0x7FF] =	sst s3  }
0x5: {  	s17 =	simm.s32 $0x56E0;
	_ =	strace $0x8000004A;
	[dreg:$0x3] =	wrdreg s15  }
0x6: {  	s18 =	simm.s32 $0x6680;
	s20 =	simm.s32 $0x7620;
	[dreg:$0x4] =	wrdreg s16  }
0x7: {  	s21 =	simm.s32 $0x85C0;
	s23 =	simm.s32 $0x9560;
	[dreg:$0x5] =	wrdreg s17  }
0x8: {  	s24 =	simm.s32 $0xB4A0;
	s25 =	simm.s32 $0xC440;
	[dreg:$0x6] =	wrdreg s18  }
0x9: {  	s26 =	simm.s32 $0xD3E0;
	s28 =	simm.s32 $0xE380;
	[dreg:$0x7] =	wrdreg s20  }
0xa: {  	s5 =	sand.u32 $0x1, s4;
	s29 =	sshll.u32 s1, $0x1;
	[dreg:$0x8] =	wrdreg s21  }
0xb: {  	s4 =	sadd.s32 $0x145C00, s0;
	s8 =	smul.u32 $0x13880, s1;
	[dreg:$0x9] =	wrdreg s23  }
0xc: {  	s10 =	smul.u32 $0x4E00, s1;
	s22 =	sadd.s32 $0x49200, s2;
	[dreg:$0xa] =	wrdreg s24  }
0xd: {  	p0 =	seq.s32 s1, $0xF;
	s6 =	sor.u32 s5, s29;
	[dreg:$0xb] =	wrdreg s25  }
0xe: {  	s9 =	ssub.s32 $0x2, s5;
	s11 =	smul.u32 $0x4E200, s5;
	[dreg:$0xc] =	wrdreg s26  }
0xf: {  	s15 =	simm.s32 $0x2800;
	[dreg:$0xd] =	wrdreg s28;
	s29 =	simm.s32 $0xF320  }
0x10: {  	s16 =	simm.s32 $0xA500;
	s17 =	simm.s32 $0x1;
	s18 =	simm.s32 $0x7D  }
0x11: {  	s20 =	simm.s32 $0x3;
	s21 =	simm.s32 $0x4;
	s22 =	sshrl.u32 @p0 s22, $0x3  }
0x12: {  	s7 =	smul.u32 $0x500, s6;
	s30 =	sshrl.u32 s9, $0x1;
	s31 =	sshrl.u32 s8, $0x2  }
0x13: {  	s6 =	smul.u32 $0x4E200, s6;
	[dreg:$0xe] =	wrdreg s29;
	s12 =	ssub.s32 s9, s30  }
0x14: {  	s5 =	sadd.s32 s31, s2;
	s13 =	sadd.s32 s10, s11;
	s30 =	simm.s32 $0x102C0  }
0x15: {  	s31 =	simm.s32 $0x11260;
	s7 =	sadd.s32 s7, s0;
	s0 =	sadd.s32 $0xD400, s0  }
0x16: {  	[dreg:$0x11] =	wrdreg s5;
	s8 =	sshrl.u32 s6, $0x3;
	s14 =	sshrl.u32 s13, $0x3  }
0x17: {  	s13 =	sshrl.u32 s11, $0x3;
	[dreg:$0xf] =	wrdreg s30;
	s9 =	sadd.s32 $0x3400, s7  }
0x18: {  	s7 =	sadd.s32 s4, s8;
	s8 =	sadd.s32 s0, s14;
	s14 =	smul.u32 $0x9C400, s1  }
0x19: {  	s24 =	simm.s32 $0x0;
	[dreg:$0x10] =	wrdreg s31;
	s0 =	sadd.s32 s0, s13  }
0x1a: {  	s13 =	sadd.s32 s10, s2;
	s10 =	smax.u32 s12, $0x1;
	s19 =	sadd.s32 s11, s14  }
0x1b: {  	[dreg:$0x12] =	wrdreg s9;
	s9 =	sadd.s32 $0x9240, s0;
	s12 =	sadd.s32 $0x7D00, s19  }
0x1c: {  	s23 =	sshrl.u32 @!p0 s13, $0x3;
	s14 =	simm.s32 $0x5;
	s12 =	sshrl.u32 s12, $0x3  }
0x1d: {  	v0 =	vimm.f32 $0.0e+00;
	s11 =	sadd.s32 $0xFA00, s19;
	s19 =	simm.s32 $0x2;
	s12 =	sadd.s32 s12, s4  }
.LBB2_1:
0x1e: {  	s0 =	simm.s32 $0x80;
	s13 =	simm.s32 $0x0  }
.LBB2_2:
0x1f: {  	p1 =	sne.s32 s0, $0x13800;
	[tilespmem:s13+$0x12200] =	vst v0;
	s25 =	smov.u32 s0;
	s0 =	sadd.s32 $0x80, s0  }
.Ltmp0:
0x20: {  	[tilespmem:s13+$0x12210] =	vst v0;
	(pc) =	sbr.rel @p1 .LBB2_2-.Ltmp0, $2  }
0x21: {  	_ =	sdelay $0x2  }
0x22: {  	s13 =	sshra.s32 s25, $0x2  }
0x23: {  	[tilespmem:s13+$0x12200] =	vst v0  }
0x24: {  	[tilespmem:s13+$0x12210] =	vst v0;
	s0 =	rddreg [dreg:$0x11];
	s1 =	simm.s32 $0x12200  }
0x25: {  	[spmem:s0] =	stream.linear.scatter [tilespmem:s1], [sflag:$0x5], $0x4E20, $0x38;
	[tilespmem:$0x1BE40] =	vst v63  }
0x26: {  	_ =	swait.ge [sflag:s14], $0x4E20  }
0x27: {  	[sflag:s14] =	ssyncset.done $0x0  }
0x28: {  	s26 =	simm.s32 $0x0;
	s31 =	rddreg [dreg:$0x12];
	[sflag:s14] =	ssyncadd.s32 $0xFFFFB1E0  }
0x29: {  	[tilespmem:s26], [sflag:$0x5] =	stream.linear.gather [hbm4b:s31+s26], $0x2800, $0x38;
	[tilespmem:$0x1BE40] =	vst v63  }
0x2a: {  	_ =	swait.ge [sflag:s14], $0x2800  }
0x2b: {  	p1 =	por $0x1, $0x1;
	[sflag:s14] =	ssyncset.done $0x0  }
0x2c: {  	p1 =	por p1, p1;
	[sflag:s14] =	ssyncadd.s32 $0xFFFFD800  }
0x2d: {  	s0 =	simm.s32 @!p1 $0x4;
	[bflag:$0x0] =	sbarrier.arrive $0xFFFF  }
0x2e: {  	[tilespmem:s15], [sflag:$0x1] =	stream.linear.gather [hbm4b:s7+s26], $0x7D00, $0x38;
	[tilespmem:$0x1BE40] =	vst v63  }
0x2f: {  	_ =	swait.ge @!p1 [sflag:s0], $0xFA0  }
0x30: {  	[sflag:s0] =	ssyncset.done @!p1 $0x0  }
0x31: {  	[sflag:s0] =	ssyncadd.s32 @!p1 $0xFFFFF060  }
0x32: {  	_ =	swait.ge @!p1 [sflag:s0], $0xFA0  }
0x33: {  	[sflag:s0] =	ssyncset.done @!p1 $0x0  }
0x34: {  	[sflag:s0] =	ssyncadd.s32 @!p1 $0xFFFFF060  }
0x35: {  	_ =	swait.ge @!p1 [sflag:s0], $0xFA0  }
0x36: {  	[sflag:s0] =	ssyncset.done @!p1 $0x0  }
0x37: {  	[sflag:s0] =	ssyncadd.s32 @!p1 $0xFFFFF060  }
0x38: {  	_ =	swait.ge @!p1 [sflag:s0], $0xFA0  }
0x39: {  	[sflag:s0] =	ssyncset.done @!p1 $0x0  }
0x3a: {  	[sflag:s0] =	ssyncadd.s32 @!p1 $0xFFFFF060  }
0x3b: {  	_ =	swait.ge @!p1 [sflag:s0], $0xFA0  }
0x3c: {  	[sflag:s0] =	ssyncset.done @!p1 $0x0  }
0x3d: {  	[sflag:s0] =	ssyncadd.s32 @!p1 $0xFFFFF060  }
0x3e: {  	_ =	swait.ge @!p1 [sflag:s0], $0xFA0  }
0x3f: {  	[sflag:s0] =	ssyncset.done @!p1 $0x0  }
0x40: {  	[sflag:s0] =	ssyncadd.s32 @!p1 $0xFFFFF060  }
0x41: {  	_ =	swait.ge @!p1 [sflag:s0], $0xFA0  }
0x42: {  	[sflag:s0] =	ssyncset.done @!p1 $0x0  }
0x43: {  	[sflag:s0] =	ssyncadd.s32 @!p1 $0xFFFFF060  }
0x44: {  	_ =	swait.ge @!p1 [sflag:s0], $0xFA0  }
0x45: {  	[sflag:s0] =	ssyncset.done @!p1 $0x0  }
0x46: {  	[sflag:s0] =	ssyncadd.s32 @!p1 $0xFFFFF060  }
0x47: {  	[tilespmem:s16], [sflag:$0x2] =	stream.linear.gather [hbm4b:s12+s3], $0x7D00, $0x38;
	[tilespmem:$0x1BE40] =	vst v63  }
0x48: {  	_ =	swait.ge [sflag:s17], $0x7D00  }
0x49: {  	[sflag:s17] =	ssyncset.done $0x0  }
0x4a: {  	s1 =	simm.s32 $0x0;
	[sflag:s17] =	ssyncadd.s32 $0xFFFF8300  }
0x4b: {  	[spmem:s2] =	stream.indirect.scatter.add.f32 [tilespmem:s15], [sflag:$0x3], $0x20, s1, s18, $0xb8;
	[tilespmem:$0x1BE40] =	vst v63  }
0x4c: {  	s6 =	simm.s32 $0x80;
	s5 =	rddreg [dreg:$0x3]  }
0x4d: {  	[spmem:s2] =	stream.indirect.scatter.add.f32 [tilespmem:s5], [sflag:$0x3], $0x20, s6, s18, $0xb8;
	[tilespmem:$0x1BE40] =	vst v63  }
0x4e: {  	s13 =	simm.s32 $0x100;
	s25 =	rddreg [dreg:$0x4]  }
0x4f: {  	[spmem:s2] =	stream.indirect.scatter.add.f32 [tilespmem:s25], [sflag:$0x3], $0x20, s13, s18, $0xb8;
	[tilespmem:$0x1BE40] =	vst v63  }
0x50: {  	s31 =	simm.s32 $0x180;
	s26 =	rddreg [dreg:$0x5]  }
0x51: {  	[spmem:s2] =	stream.indirect.scatter.add.f32 [tilespmem:s26], [sflag:$0x3], $0x20, s31, s18, $0xb8;
	[tilespmem:$0x1BE40] =	vst v63  }
0x52: {  	s1 =	rddreg [dreg:$0x6];
	s5 =	simm.s32 $0x200  }
0x53: {  	[spmem:s2] =	stream.indirect.scatter.add.f32 [tilespmem:s1], [sflag:$0x3], $0x20, s5, s18, $0xb8;
	[tilespmem:$0x1BE40] =	vst v63  }
0x54: {  	s6 =	rddreg [dreg:$0x7];
	s26 =	simm.s32 $0x280  }
0x55: {  	[spmem:s2] =	stream.indirect.scatter.add.f32 [tilespmem:s6], [sflag:$0x3], $0x20, s26, s18, $0xb8;
	[tilespmem:$0x1BE40] =	vst v63  }
0x56: {  	p1 =	por $0x0, $0x0;
	s31 =	rddreg [dreg:$0x8];
	s1 =	simm.s32 $0x300  }
0x57: {  	[spmem:s2] =	stream.indirect.scatter.add.f32 [tilespmem:s31], [sflag:$0x3], $0x20, s1, s18, $0xb8;
	[tilespmem:$0x1BE40] =	vst v63  }
0x58: {  	s0 =	simm.s32 @!p1 $0x3;
	s5 =	rddreg [dreg:$0x9];
	s6 =	simm.s32 $0x380  }
0x59: {  	[spmem:s2] =	stream.indirect.scatter.add.f32 [tilespmem:s5], [sflag:$0x3], $0x20, s6, s18, $0xb8;
	[tilespmem:$0x1BE40] =	vst v63  }
0x5a: {  	_ =	swait.ge @!p1 [sflag:s0], $0xFA0  }
0x5b: {  	[sflag:s0] =	ssyncset.done @!p1 $0x0  }
0x5c: {  	[sflag:s0] =	ssyncadd.s32 @!p1 $0xFFFFF060  }
0x5d: {  	_ =	swait.ge @!p1 [sflag:s0], $0xFA0  }
0x5e: {  	[sflag:s0] =	ssyncset.done @!p1 $0x0  }
0x5f: {  	[sflag:s0] =	ssyncadd.s32 @!p1 $0xFFFFF060  }
0x60: {  	_ =	swait.ge @!p1 [sflag:s0], $0xFA0  }
0x61: {  	[sflag:s0] =	ssyncset.done @!p1 $0x0  }
0x62: {  	[sflag:s0] =	ssyncadd.s32 @!p1 $0xFFFFF060  }
0x63: {  	_ =	swait.ge @!p1 [sflag:s0], $0xFA0  }
0x64: {  	[sflag:s0] =	ssyncset.done @!p1 $0x0  }
0x65: {  	[sflag:s0] =	ssyncadd.s32 @!p1 $0xFFFFF060  }
0x66: {  	_ =	swait.ge @!p1 [sflag:s0], $0xFA0  }
0x67: {  	[sflag:s0] =	ssyncset.done @!p1 $0x0  }
0x68: {  	[sflag:s0] =	ssyncadd.s32 @!p1 $0xFFFFF060  }
0x69: {  	_ =	swait.ge @!p1 [sflag:s0], $0xFA0  }
0x6a: {  	[sflag:s0] =	ssyncset.done @!p1 $0x0  }
0x6b: {  	[sflag:s0] =	ssyncadd.s32 @!p1 $0xFFFFF060  }
0x6c: {  	_ =	swait.ge @!p1 [sflag:s0], $0xFA0  }
0x6d: {  	[sflag:s0] =	ssyncset.done @!p1 $0x0  }
0x6e: {  	[sflag:s0] =	ssyncadd.s32 @!p1 $0xFFFFF060  }
0x6f: {  	_ =	swait.ge @!p1 [sflag:s0], $0xFA0  }
0x70: {  	s13 =	sshrl.u32 @!p1 s11, $0x3;
	s25 =	simm.s32 @!p1 $0x0;
	[sflag:s0] =	ssyncset.done @!p1 $0x0  }
0x71: {  	s13 =	sadd.s32 @!p1 s4, s13;
	s26 =	simm.s32 @!p1 $0x2800;
	[sflag:s0] =	ssyncadd.s32 @!p1 $0xFFFFF060  }
0x72: {  	[tilespmem:s26], [sflag:$0x1] =	stream.linear.gather @!p1 [hbm4b:s13+s25], $0x7D00, $0x38;
	[tilespmem:$0x1BE40] =	vst v63  }
0x73: {  	_ =	swait.ge [sflag:s19], $0x7D00  }
0x74: {  	p6 =	por $0x0, $0x0;
	[sflag:s19] =	ssyncset.done $0x0  }
0x75: {  	s25 =	simm.s32 $0x400;
	s26 =	rddreg [dreg:$0xa];
	[sflag:s19] =	ssyncadd.s32 $0xFFFF8300  }
0x76: {  	[spmem:s2] =	stream.indirect.scatter.add.f32 [tilespmem:s16], [sflag:$0x4], $0x20, s25, s18, $0xb8;
	[tilespmem:$0x1BE40] =	vst v63  }
0x77: {  	s29 =	simm.s32 $0x4000;
	s1 =	simm.s32 $0x480;
	s31 =	rddreg [dreg:$0xb]  }
0x78: {  	[spmem:s2] =	stream.indirect.scatter.add.f32 [tilespmem:s26], [sflag:$0x4], $0x20, s1, s18, $0xb8;
	[tilespmem:$0x1BE40] =	vst v63  }
0x79: {  	s30 =	simm.s32 $0x780;
	s6 =	simm.s32 $0x500;
	s5 =	rddreg [dreg:$0xc]  }
0x7a: {  	[spmem:s2] =	stream.indirect.scatter.add.f32 [tilespmem:s31], [sflag:$0x4], $0x20, s6, s18, $0xb8;
	[tilespmem:$0x1BE40] =	vst v63  }
0x7b: {  	s28 =	sadd.s32 $0x1F40, s12;
	s13 =	rddreg [dreg:$0x10];
	s31 =	simm.s32 $0x580  }
0x7c: {  	[spmem:s2] =	stream.indirect.scatter.add.f32 [tilespmem:s5], [sflag:$0x4], $0x20, s31, s18, $0xb8;
	[tilespmem:$0x1BE40] =	vst v63  }
0x7d: {  	p1 =	por p6, p6;
	s26 =	rddreg [dreg:$0xd];
	s1 =	simm.s32 $0x600  }
0x7e: {  	[spmem:s2] =	stream.indirect.scatter.add.f32 [tilespmem:s26], [sflag:$0x4], $0x20, s1, s18, $0xb8;
	[tilespmem:$0x1BE40] =	vst v63  }
0x7f: {  	s25 =	sadd.s32 $0xFA00, s11;
	s5 =	rddreg [dreg:$0xe];
	s26 =	simm.s32 $0x680  }
0x80: {  	[spmem:s2] =	stream.indirect.scatter.add.f32 [tilespmem:s5], [sflag:$0x4], $0x20, s26, s18, $0xb8;
	[tilespmem:$0x1BE40] =	vst v63  }
0x81: {  	s6 =	rddreg [dreg:$0xf];
	s31 =	simm.s32 $0x700;
	s26 =	simm.s32 $0x2000  }
0x82: {  	[spmem:s2] =	stream.indirect.scatter.add.f32 [tilespmem:s6], [sflag:$0x4], $0x20, s31, s18, $0xb8;
	[tilespmem:$0x1BE40] =	vst v63  }
.LBB2_4:
0x83: {  	s31 =	simm.s32 @!p1 $0x4  }
0x84: {  	[spmem:s2] =	stream.indirect.scatter.add.f32 [tilespmem:s13], [sflag:$0x4], $0x20, s30, s18, $0xb8;
	[tilespmem:$0x1BE40] =	vst v63  }
0x85: {  	_ =	swait.ge @!p1 [sflag:s31], $0xFA0  }
0x86: {  	[sflag:s31] =	ssyncset.done @!p1 $0x0  }
0x87: {  	[sflag:s31] =	ssyncadd.s32 @!p1 $0xFFFFF060  }
0x88: {  	_ =	swait.ge @!p1 [sflag:s31], $0xFA0  }
0x89: {  	[sflag:s31] =	ssyncset.done @!p1 $0x0  }
0x8a: {  	[sflag:s31] =	ssyncadd.s32 @!p1 $0xFFFFF060  }
0x8b: {  	_ =	swait.ge @!p1 [sflag:s31], $0xFA0  }
0x8c: {  	[sflag:s31] =	ssyncset.done @!p1 $0x0  }
0x8d: {  	[sflag:s31] =	ssyncadd.s32 @!p1 $0xFFFFF060  }
0x8e: {  	_ =	swait.ge @!p1 [sflag:s31], $0xFA0  }
0x8f: {  	[sflag:s31] =	ssyncset.done @!p1 $0x0  }
0x90: {  	[sflag:s31] =	ssyncadd.s32 @!p1 $0xFFFFF060  }
0x91: {  	_ =	swait.ge @!p1 [sflag:s31], $0xFA0  }
0x92: {  	[sflag:s31] =	ssyncset.done @!p1 $0x0  }
0x93: {  	[sflag:s31] =	ssyncadd.s32 @!p1 $0xFFFFF060  }
0x94: {  	_ =	swait.ge @!p1 [sflag:s31], $0xFA0  }
0x95: {  	[sflag:s31] =	ssyncset.done @!p1 $0x0  }
0x96: {  	[sflag:s31] =	ssyncadd.s32 @!p1 $0xFFFFF060  }
0x97: {  	_ =	swait.ge @!p1 [sflag:s31], $0xFA0  }
0x98: {  	[sflag:s31] =	ssyncset.done @!p1 $0x0  }
0x99: {  	[sflag:s31] =	ssyncadd.s32 @!p1 $0xFFFFF060  }
0x9a: {  	_ =	swait.ge @!p1 [sflag:s31], $0xFA0  }
0x9b: {  	[sflag:s31] =	ssyncset.done @!p1 $0x0  }
0x9c: {  	[sflag:s31] =	ssyncadd.s32 @!p1 $0xFFFFF060  }
0x9d: {  	[tilespmem:s16], [sflag:$0x2] =	stream.linear.gather [hbm4b:s28+s3], $0x7D00, $0x38;
	[tilespmem:$0x1BE40] =	vst v63  }
0x9e: {  	_ =	swait.ge [sflag:s17], $0x7D00  }
0x9f: {  	[sflag:s17] =	ssyncset.done $0x0  }
0xa0: {  	s31 =	sshra.s32 s26, $0x2;
	[sflag:s17] =	ssyncadd.s32 $0xFFFF8300  }
0xa1: {  	[spmem:s2] =	stream.indirect.scatter.add.f32 [tilespmem:s15], [sflag:$0x3], $0x20, s31, s18, $0xb8;
	[tilespmem:$0x1BE40] =	vst v63  }
0xa2: {  	s1 =	sadd.s32 $0x80, s31;
	s6 =	rddreg [dreg:$0x3]  }
0xa3: {  	[spmem:s2] =	stream.indirect.scatter.add.f32 [tilespmem:s6], [sflag:$0x3], $0x20, s1, s18, $0xb8;
	[tilespmem:$0x1BE40] =	vst v63  }
0xa4: {  	p3 =	seq.s32 s29, $0x0;
	s5 =	rddreg [dreg:$0x4];
	s6 =	sadd.s32 $0x100, s31  }
0xa5: {  	[spmem:s2] =	stream.indirect.scatter.add.f32 [tilespmem:s5], [sflag:$0x3], $0x20, s6, s18, $0xb8;
	[tilespmem:$0x1BE40] =	vst v63  }
0xa6: {  	s0 =	smov.u32 s29;
	s13 =	rddreg [dreg:$0x5];
	s6 =	sadd.s32 $0x180, s31  }
0xa7: {  	[spmem:s2] =	stream.indirect.scatter.add.f32 [tilespmem:s13], [sflag:$0x3], $0x20, s6, s18, $0xb8;
	[tilespmem:$0x1BE40] =	vst v63  }
0xa8: {  	p1 =	por p3, p3;
	s5 =	rddreg [dreg:$0x6];
	s6 =	sadd.s32 $0x200, s31  }
0xa9: {  	[spmem:s2] =	stream.indirect.scatter.add.f32 [tilespmem:s5], [sflag:$0x3], $0x20, s6, s18, $0xb8;
	[tilespmem:$0x1BE40] =	vst v63  }
0xaa: {  	p3 =	seq.s32 s26, $0x8000;
	s13 =	rddreg [dreg:$0x7];
	s6 =	sadd.s32 $0x280, s31  }
0xab: {  	[spmem:s2] =	stream.indirect.scatter.add.f32 [tilespmem:s13], [sflag:$0x3], $0x20, s6, s18, $0xb8;
	[tilespmem:$0x1BE40] =	vst v63  }
0xac: {  	s26 =	smov.u32 s0;
	s5 =	rddreg [dreg:$0x8];
	s6 =	sadd.s32 $0x300, s31  }
0xad: {  	[spmem:s2] =	stream.indirect.scatter.add.f32 [tilespmem:s5], [sflag:$0x3], $0x20, s6, s18, $0xb8;
	[tilespmem:$0x1BE40] =	vst v63  }
0xae: {  	s0 =	simm.s32 @!p3 $0x3;
	s13 =	rddreg [dreg:$0x9];
	s6 =	sadd.s32 $0x380, s31  }
0xaf: {  	[spmem:s2] =	stream.indirect.scatter.add.f32 [tilespmem:s13], [sflag:$0x3], $0x20, s6, s18, $0xb8;
	[tilespmem:$0x1BE40] =	vst v63  }
0xb0: {  	_ =	swait.ge @!p3 [sflag:s0], $0xFA0  }
0xb1: {  	[sflag:s0] =	ssyncset.done @!p3 $0x0  }
0xb2: {  	[sflag:s0] =	ssyncadd.s32 @!p3 $0xFFFFF060  }
0xb3: {  	_ =	swait.ge @!p3 [sflag:s0], $0xFA0  }
0xb4: {  	[sflag:s0] =	ssyncset.done @!p3 $0x0  }
0xb5: {  	[sflag:s0] =	ssyncadd.s32 @!p3 $0xFFFFF060  }
0xb6: {  	_ =	swait.ge @!p3 [sflag:s0], $0xFA0  }
0xb7: {  	[sflag:s0] =	ssyncset.done @!p3 $0x0  }
0xb8: {  	[sflag:s0] =	ssyncadd.s32 @!p3 $0xFFFFF060  }
0xb9: {  	_ =	swait.ge @!p3 [sflag:s0], $0xFA0  }
0xba: {  	[sflag:s0] =	ssyncset.done @!p3 $0x0  }
0xbb: {  	[sflag:s0] =	ssyncadd.s32 @!p3 $0xFFFFF060  }
0xbc: {  	_ =	swait.ge @!p3 [sflag:s0], $0xFA0  }
0xbd: {  	[sflag:s0] =	ssyncset.done @!p3 $0x0  }
0xbe: {  	[sflag:s0] =	ssyncadd.s32 @!p3 $0xFFFFF060  }
0xbf: {  	_ =	swait.ge @!p3 [sflag:s0], $0xFA0  }
0xc0: {  	[sflag:s0] =	ssyncset.done @!p3 $0x0  }
0xc1: {  	[sflag:s0] =	ssyncadd.s32 @!p3 $0xFFFFF060  }
0xc2: {  	_ =	swait.ge @!p3 [sflag:s0], $0xFA0  }
0xc3: {  	[sflag:s0] =	ssyncset.done @!p3 $0x0  }
0xc4: {  	[sflag:s0] =	ssyncadd.s32 @!p3 $0xFFFFF060  }
0xc5: {  	s1 =	sshrl.u32 @!p3 s25, $0x3;
	_ =	swait.ge @!p3 [sflag:s0], $0xFA0  }
0xc6: {  	s1 =	sadd.s32 @!p3 s4, s1;
	[sflag:s0] =	ssyncset.done @!p3 $0x0  }
0xc7: {  	s5 =	simm.s32 @!p3 $0x0;
	s13 =	simm.s32 @!p3 $0x2800;
	[sflag:s0] =	ssyncadd.s32 @!p3 $0xFFFFF060  }
0xc8: {  	[tilespmem:s13], [sflag:$0x1] =	stream.linear.gather @!p3 [hbm4b:s1+s5], $0x7D00, $0x38;
	[tilespmem:$0x1BE40] =	vst v63  }
0xc9: {  	_ =	swait.ge [sflag:s19], $0x7D00  }
0xca: {  	[sflag:s19] =	ssyncset.done $0x0  }
0xcb: {  	s13 =	sadd.s32 $0x400, s31;
	[sflag:s19] =	ssyncadd.s32 $0xFFFF8300  }
0xcc: {  	[spmem:s2] =	stream.indirect.scatter.add.f32 [tilespmem:s16], [sflag:$0x4], $0x20, s13, s18, $0xb8;
	[tilespmem:$0x1BE40] =	vst v63  }
0xcd: {  	s6 =	sadd.s32 $0x480, s31;
	s1 =	rddreg [dreg:$0xa]  }
0xce: {  	[spmem:s2] =	stream.indirect.scatter.add.f32 [tilespmem:s1], [sflag:$0x4], $0x20, s6, s18, $0xb8;
	[tilespmem:$0x1BE40] =	vst v63  }
0xcf: {  	s5 =	rddreg [dreg:$0xb];
	s6 =	sadd.s32 $0x500, s31  }
0xd0: {  	[spmem:s2] =	stream.indirect.scatter.add.f32 [tilespmem:s5], [sflag:$0x4], $0x20, s6, s18, $0xb8;
	[tilespmem:$0x1BE40] =	vst v63  }
0xd1: {  	s29 =	sadd.s32 $0x2000, s29;
	s0 =	sadd.s32 $0x580, s31;
	s13 =	rddreg [dreg:$0xc]  }
0xd2: {  	[spmem:s2] =	stream.indirect.scatter.add.f32 [tilespmem:s13], [sflag:$0x4], $0x20, s0, s18, $0xb8;
	[tilespmem:$0x1BE40] =	vst v63  }
0xd3: {  	p2 =	sne.s32 s29, $0xA000;
	s1 =	rddreg [dreg:$0xd];
	s5 =	sadd.s32 $0x600, s31  }
0xd4: {  	[spmem:s2] =	stream.indirect.scatter.add.f32 [tilespmem:s1], [sflag:$0x4], $0x20, s5, s18, $0xb8;
	[tilespmem:$0x1BE40] =	vst v63  }
.Ltmp1:
0xd5: {  	s30 =	sadd.s32 $0x780, s31;
	s6 =	rddreg [dreg:$0xe];
	(pc) =	sbr.rel @p2 .LBB2_4-.Ltmp1, $4  }
0xd6: {  	s28 =	sadd.s32 $0x1F40, s28;
	s0 =	rddreg [dreg:$0xf];
	s5 =	sadd.s32 $0x680, s31  }
0xd7: {  	[spmem:s2] =	stream.indirect.scatter.add.f32 [tilespmem:s6], [sflag:$0x4], $0x20, s5, s18, $0xb8;
	[tilespmem:$0x1BE40] =	vst v63  }
0xd8: {  	s25 =	sadd.s32 $0xFA00, s25;
	s13 =	rddreg [dreg:$0x10];
	s31 =	sadd.s32 $0x700, s31  }
0xd9: {  	[spmem:s2] =	stream.indirect.scatter.add.f32 [tilespmem:s0], [sflag:$0x4], $0x20, s31, s18, $0xb8;
	[tilespmem:$0x1BE40] =	vst v63  }
0xda: {  	s0 =	simm.s32 @!p1 $0x4  }
0xdb: {  	[spmem:s2] =	stream.indirect.scatter.add.f32 [tilespmem:s13], [sflag:$0x4], $0x20, s30, s18, $0xb8;
	[tilespmem:$0x1BE40] =	vst v63  }
0xdc: {  	_ =	swait.ge @!p1 [sflag:s0], $0xFA0  }
0xdd: {  	[sflag:s0] =	ssyncset.done @!p1 $0x0  }
0xde: {  	[sflag:s0] =	ssyncadd.s32 @!p1 $0xFFFFF060  }
0xdf: {  	_ =	swait.ge @!p1 [sflag:s0], $0xFA0  }
0xe0: {  	[sflag:s0] =	ssyncset.done @!p1 $0x0  }
0xe1: {  	[sflag:s0] =	ssyncadd.s32 @!p1 $0xFFFFF060  }
0xe2: {  	_ =	swait.ge @!p1 [sflag:s0], $0xFA0  }
0xe3: {  	[sflag:s0] =	ssyncset.done @!p1 $0x0  }
0xe4: {  	[sflag:s0] =	ssyncadd.s32 @!p1 $0xFFFFF060  }
0xe5: {  	_ =	swait.ge @!p1 [sflag:s0], $0xFA0  }
0xe6: {  	[sflag:s0] =	ssyncset.done @!p1 $0x0  }
0xe7: {  	[sflag:s0] =	ssyncadd.s32 @!p1 $0xFFFFF060  }
0xe8: {  	_ =	swait.ge @!p1 [sflag:s0], $0xFA0  }
0xe9: {  	[sflag:s0] =	ssyncset.done @!p1 $0x0  }
0xea: {  	[sflag:s0] =	ssyncadd.s32 @!p1 $0xFFFFF060  }
0xeb: {  	_ =	swait.ge @!p1 [sflag:s0], $0xFA0  }
0xec: {  	[sflag:s0] =	ssyncset.done @!p1 $0x0  }
0xed: {  	[sflag:s0] =	ssyncadd.s32 @!p1 $0xFFFFF060  }
0xee: {  	_ =	swait.ge @!p1 [sflag:s0], $0xFA0  }
0xef: {  	[sflag:s0] =	ssyncset.done @!p1 $0x0  }
0xf0: {  	[sflag:s0] =	ssyncadd.s32 @!p1 $0xFFFFF060  }
0xf1: {  	_ =	swait.ge @!p1 [sflag:s0], $0xFA0  }
0xf2: {  	[sflag:s0] =	ssyncset.done @!p1 $0x0  }
0xf3: {  	[sflag:s0] =	ssyncadd.s32 @!p1 $0xFFFFF060  }
0xf4: {  	[tilespmem:s16], [sflag:$0x2] =	stream.linear.gather [hbm4b:s28+s3], $0x7D00, $0x38;
	[tilespmem:$0x1BE40] =	vst v63  }
0xf5: {  	_ =	swait.ge [sflag:s17], $0x7D00  }
0xf6: {  	[sflag:s17] =	ssyncset.done $0x0  }
0xf7: {  	s0 =	sshra.s32 s26, $0x2;
	[sflag:s17] =	ssyncadd.s32 $0xFFFF8300  }
0xf8: {  	[spmem:s2] =	stream.indirect.scatter.add.f32 [tilespmem:s15], [sflag:$0x3], $0x20, s0, s18, $0xb8;
	[tilespmem:$0x1BE40] =	vst v63  }
0xf9: {  	s5 =	sadd.s32 $0x80, s0;
	s1 =	rddreg [dreg:$0x3]  }
0xfa: {  	[spmem:s2] =	stream.indirect.scatter.add.f32 [tilespmem:s1], [sflag:$0x3], $0x20, s5, s18, $0xb8;
	[tilespmem:$0x1BE40] =	vst v63  }
0xfb: {  	s28 =	sadd.s32 $0x100, s0;
	s6 =	rddreg [dreg:$0x4]  }
0xfc: {  	[spmem:s2] =	stream.indirect.scatter.add.f32 [tilespmem:s6], [sflag:$0x3], $0x20, s28, s18, $0xb8;
	[tilespmem:$0x1BE40] =	vst v63  }
0xfd: {  	s30 =	sadd.s32 $0x180, s0;
	s29 =	rddreg [dreg:$0x5]  }
0xfe: {  	[spmem:s2] =	stream.indirect.scatter.add.f32 [tilespmem:s29], [sflag:$0x3], $0x20, s30, s18, $0xb8;
	[tilespmem:$0x1BE40] =	vst v63  }
0xff: {  	s31 =	rddreg [dreg:$0x6];
	s5 =	sadd.s32 $0x200, s0  }
0x100: {  	[spmem:s2] =	stream.indirect.scatter.add.f32 [tilespmem:s31], [sflag:$0x3], $0x20, s5, s18, $0xb8;
	[tilespmem:$0x1BE40] =	vst v63  }
0x101: {  	s13 =	rddreg [dreg:$0x7];
	s28 =	sadd.s32 $0x280, s0  }
0x102: {  	[spmem:s2] =	stream.indirect.scatter.add.f32 [tilespmem:s13], [sflag:$0x3], $0x20, s28, s18, $0xb8;
	[tilespmem:$0x1BE40] =	vst v63  }
0x103: {  	p1 =	seq.s32 s26, $0x8000;
	s29 =	rddreg [dreg:$0x8];
	s30 =	sadd.s32 $0x300, s0  }
0x104: {  	[spmem:s2] =	stream.indirect.scatter.add.f32 [tilespmem:s29], [sflag:$0x3], $0x20, s30, s18, $0xb8;
	[tilespmem:$0x1BE40] =	vst v63  }
0x105: {  	s1 =	simm.s32 @!p1 $0x3;
	s6 =	sadd.s32 $0x380, s0;
	s31 =	rddreg [dreg:$0x9]  }
0x106: {  	[spmem:s2] =	stream.indirect.scatter.add.f32 [tilespmem:s31], [sflag:$0x3], $0x20, s6, s18, $0xb8;
	[tilespmem:$0x1BE40] =	vst v63  }
0x107: {  	_ =	swait.ge @!p1 [sflag:s1], $0xFA0  }
0x108: {  	[sflag:s1] =	ssyncset.done @!p1 $0x0  }
0x109: {  	[sflag:s1] =	ssyncadd.s32 @!p1 $0xFFFFF060  }
0x10a: {  	_ =	swait.ge @!p1 [sflag:s1], $0xFA0  }
0x10b: {  	[sflag:s1] =	ssyncset.done @!p1 $0x0  }
0x10c: {  	[sflag:s1] =	ssyncadd.s32 @!p1 $0xFFFFF060  }
0x10d: {  	_ =	swait.ge @!p1 [sflag:s1], $0xFA0  }
0x10e: {  	[sflag:s1] =	ssyncset.done @!p1 $0x0  }
0x10f: {  	[sflag:s1] =	ssyncadd.s32 @!p1 $0xFFFFF060  }
0x110: {  	_ =	swait.ge @!p1 [sflag:s1], $0xFA0  }
0x111: {  	[sflag:s1] =	ssyncset.done @!p1 $0x0  }
0x112: {  	[sflag:s1] =	ssyncadd.s32 @!p1 $0xFFFFF060  }
0x113: {  	_ =	swait.ge @!p1 [sflag:s1], $0xFA0  }
0x114: {  	[sflag:s1] =	ssyncset.done @!p1 $0x0  }
0x115: {  	[sflag:s1] =	ssyncadd.s32 @!p1 $0xFFFFF060  }
0x116: {  	_ =	swait.ge @!p1 [sflag:s1], $0xFA0  }
0x117: {  	[sflag:s1] =	ssyncset.done @!p1 $0x0  }
0x118: {  	[sflag:s1] =	ssyncadd.s32 @!p1 $0xFFFFF060  }
0x119: {  	_ =	swait.ge @!p1 [sflag:s1], $0xFA0  }
0x11a: {  	[sflag:s1] =	ssyncset.done @!p1 $0x0  }
0x11b: {  	[sflag:s1] =	ssyncadd.s32 @!p1 $0xFFFFF060  }
0x11c: {  	s5 =	sshrl.u32 @!p1 s25, $0x3;
	_ =	swait.ge @!p1 [sflag:s1], $0xFA0  }
0x11d: {  	s5 =	sadd.s32 @!p1 s4, s5;
	[sflag:s1] =	ssyncset.done @!p1 $0x0  }
0x11e: {  	s13 =	simm.s32 @!p1 $0x2800;
	s6 =	simm.s32 @!p1 $0x0;
	[sflag:s1] =	ssyncadd.s32 @!p1 $0xFFFFF060  }
0x11f: {  	[tilespmem:s13], [sflag:$0x1] =	stream.linear.gather @!p1 [hbm4b:s5+s6], $0x7D00, $0x38;
	[tilespmem:$0x1BE40] =	vst v63  }
0x120: {  	_ =	swait.ge [sflag:s19], $0x7D00  }
0x121: {  	[sflag:s19] =	ssyncset.done $0x0  }
0x122: {  	s13 =	sadd.s32 $0x400, s0;
	[sflag:s19] =	ssyncadd.s32 $0xFFFF8300  }
0x123: {  	[spmem:s2] =	stream.indirect.scatter.add.f32 [tilespmem:s16], [sflag:$0x4], $0x20, s13, s18, $0xb8;
	[tilespmem:$0x1BE40] =	vst v63  }
0x124: {  	s28 =	sadd.s32 $0x480, s0;
	s25 =	rddreg [dreg:$0xa]  }
0x125: {  	[spmem:s2] =	stream.indirect.scatter.add.f32 [tilespmem:s25], [sflag:$0x4], $0x20, s28, s18, $0xb8;
	[tilespmem:$0x1BE40] =	vst v63  }
0x126: {  	s30 =	sadd.s32 $0x500, s0;
	s26 =	rddreg [dreg:$0xb]  }
0x127: {  	[spmem:s2] =	stream.indirect.scatter.add.f32 [tilespmem:s26], [sflag:$0x4], $0x20, s30, s18, $0xb8;
	[tilespmem:$0x1BE40] =	vst v63  }
0x128: {  	s29 =	rddreg [dreg:$0xc];
	s13 =	sadd.s32 $0x580, s0  }
0x129: {  	[spmem:s2] =	stream.indirect.scatter.add.f32 [tilespmem:s29], [sflag:$0x4], $0x20, s13, s18, $0xb8;
	[tilespmem:$0x1BE40] =	vst v63  }
0x12a: {  	s31 =	rddreg [dreg:$0xd];
	s25 =	sadd.s32 $0x600, s0  }
0x12b: {  	[spmem:s2] =	stream.indirect.scatter.add.f32 [tilespmem:s31], [sflag:$0x4], $0x20, s25, s18, $0xb8;
	[tilespmem:$0x1BE40] =	vst v63  }
0x12c: {  	s26 =	rddreg [dreg:$0xe];
	s29 =	sadd.s32 $0x680, s0  }
0x12d: {  	[spmem:s2] =	stream.indirect.scatter.add.f32 [tilespmem:s26], [sflag:$0x4], $0x20, s29, s18, $0xb8;
	[tilespmem:$0x1BE40] =	vst v63  }
0x12e: {  	s28 =	rddreg [dreg:$0xf];
	s31 =	sadd.s32 $0x700, s0  }
0x12f: {  	[spmem:s2] =	stream.indirect.scatter.add.f32 [tilespmem:s28], [sflag:$0x4], $0x20, s31, s18, $0xb8;
	[tilespmem:$0x1BE40] =	vst v63  }
0x130: {  	s30 =	rddreg [dreg:$0x10];
	s0 =	sadd.s32 $0x780, s0  }
0x131: {  	[spmem:s2] =	stream.indirect.scatter.add.f32 [tilespmem:s30], [sflag:$0x4], $0x20, s0, s18, $0xb8;
	[tilespmem:$0x1BE40] =	vst v63  }
0x132: {  	_ =	swait.ge [sflag:s20], $0xFA0  }
0x133: {  	[sflag:s20] =	ssyncset.done $0x0  }
0x134: {  	[sflag:s20] =	ssyncadd.s32 $0xFFFFF060  }
0x135: {  	_ =	swait.ge [sflag:s20], $0xFA0  }
0x136: {  	[sflag:s20] =	ssyncset.done $0x0  }
0x137: {  	[sflag:s20] =	ssyncadd.s32 $0xFFFFF060  }
0x138: {  	_ =	swait.ge [sflag:s20], $0xFA0  }
0x139: {  	[sflag:s20] =	ssyncset.done $0x0  }
0x13a: {  	[sflag:s20] =	ssyncadd.s32 $0xFFFFF060  }
0x13b: {  	_ =	swait.ge [sflag:s20], $0xFA0  }
0x13c: {  	[sflag:s20] =	ssyncset.done $0x0  }
0x13d: {  	[sflag:s20] =	ssyncadd.s32 $0xFFFFF060  }
0x13e: {  	_ =	swait.ge [sflag:s20], $0xFA0  }
0x13f: {  	[sflag:s20] =	ssyncset.done $0x0  }
0x140: {  	[sflag:s20] =	ssyncadd.s32 $0xFFFFF060  }
0x141: {  	_ =	swait.ge [sflag:s20], $0xFA0  }
0x142: {  	[sflag:s20] =	ssyncset.done $0x0  }
0x143: {  	[sflag:s20] =	ssyncadd.s32 $0xFFFFF060  }
0x144: {  	_ =	swait.ge [sflag:s20], $0xFA0  }
0x145: {  	[sflag:s20] =	ssyncset.done $0x0  }
0x146: {  	[sflag:s20] =	ssyncadd.s32 $0xFFFFF060  }
0x147: {  	_ =	swait.ge [sflag:s20], $0xFA0  }
0x148: {  	[sflag:s20] =	ssyncset.done $0x0  }
0x149: {  	[sflag:s20] =	ssyncadd.s32 $0xFFFFF060  }
0x14a: {  	_ =	swait.ge [sflag:s21], $0xFA0  }
0x14b: {  	[sflag:s21] =	ssyncset.done $0x0  }
0x14c: {  	[sflag:s21] =	ssyncadd.s32 $0xFFFFF060  }
0x14d: {  	_ =	swait.ge [sflag:s21], $0xFA0  }
0x14e: {  	[sflag:s21] =	ssyncset.done $0x0  }
0x14f: {  	[sflag:s21] =	ssyncadd.s32 $0xFFFFF060  }
0x150: {  	_ =	swait.ge [sflag:s21], $0xFA0  }
0x151: {  	[sflag:s21] =	ssyncset.done $0x0  }
0x152: {  	[sflag:s21] =	ssyncadd.s32 $0xFFFFF060  }
0x153: {  	_ =	swait.ge [sflag:s21], $0xFA0  }
0x154: {  	[sflag:s21] =	ssyncset.done $0x0  }
0x155: {  	[sflag:s21] =	ssyncadd.s32 $0xFFFFF060  }
0x156: {  	_ =	swait.ge [sflag:s21], $0xFA0  }
0x157: {  	[sflag:s21] =	ssyncset.done $0x0  }
0x158: {  	[sflag:s21] =	ssyncadd.s32 $0xFFFFF060  }
0x159: {  	_ =	swait.ge [sflag:s21], $0xFA0  }
0x15a: {  	[sflag:s21] =	ssyncset.done $0x0  }
0x15b: {  	[sflag:s21] =	ssyncadd.s32 $0xFFFFF060  }
0x15c: {  	_ =	swait.ge [sflag:s21], $0xFA0  }
0x15d: {  	[sflag:s21] =	ssyncset.done $0x0  }
0x15e: {  	[sflag:s21] =	ssyncadd.s32 $0xFFFFF060  }
0x15f: {  	_ =	swait.ge [sflag:s21], $0xFA0  }
0x160: {  	[sflag:s21] =	ssyncset.done $0x0  }
0x161: {  	[sflag:s21] =	ssyncadd.s32 $0xFFFFF060  }
0x162: {  	s0 =	simm.s32 @p0 $0x1FC5;
	[bflag:$0x0] =	sbarrier.arrive $0xFFFF  }
0x163: {  	[hbm:s9], [sflag:s0] =	dma.local @p0 [spmem:s22], $0xA00  }
0x164: {  	s0 =	simm.s32 @p0 $0x5  }
0x165: {  	s1 =	stileid.u32;
	_ =	swait.ge @p0 [sflag:s0], $0xA00  }
0x166: {  	s24 =	sadd.s32 $0x1, s24;
	s1 =	sshll.u32 @!p0 s1, $0x6;
	[sflag:s0] =	ssyncset.done @p0 $0x0  }
0x167: {  	p1 =	sne.s32 s24, s10;
	[sflag:s0] =	ssyncadd.s32 @p0 $0xFFFFF600;
	s0 =	sor.u32 @!p0 $0x1C05, s1  }
0x168: {  	[hbm:s8], [sflag:s0] =	dma.local @!p0 [spmem:s23], $0x9C0  }
.Ltmp2:
0x169: {  	_ = 	snop;
	(pc) =	sbr.rel @p1 .LBB2_1-.Ltmp2, $4  }
0x16a: {  	s0 =	simm.s32 @!p0 $0x5  }
0x16b: {  	_ =	swait.ge @!p0 [sflag:s0], $0x9C0  }
0x16c: {  	[sflag:s0] =	ssyncset.done @!p0 $0x0  }
0x16d: {  	[sflag:s0] =	ssyncadd.s32 @!p0 $0xFFFFF640  }
0x16e: {  	_ =	sfence.sel $0x180000  }
0x16f: {  	[bflag:$0x0] =	sbarrier.arrive $0xFFFF  }
0x170: {  	_ =	strace $0x9000004A  }
0x171: {  	s0 =	stileid.u32;
	[bflag:$0x2] =	sbarrier.arrive $0xFFFF  }
0x172: {  	p0 =	sne.s32 s0, $0x0;
	s0 =	rddreg [dreg:$0x2]  }
0x173: {  	s0 =	sadd.s32 @!p0 $0x100000, s0  }
0x174: {  	[sflag:s0] =	ssyncadd.tile.s32 @!p0 $0x1;
	_ =	shalt  }
.Lfunc_end2:
_tile_overlayer_lowered:
.L_overlay_start_2:
0x175: {  	(tag) =	ssettag $0x2  }
0x176: {  	s0 =	rddreg [dreg:$0x0];
	s2 =	stileid.u32  }
0x177: {  	s1 =	rddreg [dreg:$0x1];
	p0 =	sne.s32 s2, $0x0  }
0x178: {  	s3 =	rddreg [dreg:$0x2];
	[bflag:$0x3] =	sbarrier.arrive $0xFFFF;
	s2 =	simm.s32 @!p0 $0x1C05  }
0x179: {  	[timem:s3], [sflag:s2] =	dma.local @!p0 [hbm:s0], s1  }
0x17a: {  	s0 =	simm.s32 @!p0 $0x5  }
0x17b: {  	_ =	swait.ge @!p0 [sflag:s0], s1  }
0x17c: {  	s1 =	ssub.s32 @!p0 $0x0, s1;
	[sflag:s0] =	ssyncset.done @!p0 $0x0  }
0x17d: {  	[sflag:s0] =	ssyncadd.s32 @!p0 s1  }
0x17e: {  	[bflag:$0x3] =	sbarrier.arrive $0xFFFF  }
0x17f: {  	_ =	shalt  }

// kernel: kernel.7.cloned.1.call-start
scs
__scs_entry_jumppad:
0x0: {  	(pc) =	sbr.rel $0x88, $3  }
0x1: {  	(tag) =	ssettag $0x0;
	lr =	simm.s32 $0x1  }
0x2: {  	[smem:$0x3F8F] =	sst lr;
	_ =	strace $0xD0000000  }
0x3: {  	_ = 	snop  }
0x4: {  	_ = 	snop  }
0x5: {  	_ = 	snop  }
0x6: {  	_ = 	snop  }
0x7: {  	_ = 	snop  }
__scs_overlays_trampoline_lowered:
0x8: {  	[smem:$0x3F9E] =	sst s0  }
0x9: {  	[smem:$0x3F9F] =	sst s1  }
0xa: {  	[smem:$0x3FA0] =	sst s2  }
0xb: {  	[smem:$0x3FA1] =	sst s3  }
0xc: {  	[smem:$0x3FA2] =	sst s4  }
0xd: {  	[smem:$0x3FA3] =	sst s5  }
0xe: {  	[smem:$0x3FA4] =	sst s6  }
0xf: {  	[smem:$0x3FA5] =	sst s7  }
0x10: {  	[smem:$0x3FA6] =	sst s8  }
0x11: {  	[smem:$0x3FA7] =	sst s9;
	s0 =	simm.s32 @!p0 $0x0  }
0x12: {  	s1 =	sld [smem:$0x3F8D];
	s0 =	simm.s32 @p0 $0x1  }
0x13: {  	[smem:$0x3FA8] =	sst s0;
	s0 =	simm.s32 @!p1 $0x0  }
0x14: {  	s2 =	sld [smem:$0x3F8C];
	s0 =	simm.s32 @p1 $0x1  }
0x15: {  	[smem:$0x3FA9] =	sst s0;
	s0 =	simm.s32 @!p2 $0x0  }
0x16: {  	s3 =	sld [smem:$0x3FDB];
	s0 =	simm.s32 @p2 $0x1  }
0x17: {  	s4 =	simm.s32 $0x1BF5;
	[smem:$0x3FAB] =	sst s0  }
0x18: {  	s0 =	sld [smem:$0x3F8E];
	_ =	swait.ge [sflag:s4], $0x0  }
0x19: {  	s7 =	sld [smem:$0x3F8F]  }
0x1a: {  	s8 =	sadd.s32 $0xFFFFE003, lr  }
0x1b: {  	s9 =	sadd.s32 $0xFFFFFEF7, lr;
	s5 =	simm.s32 $0xFFFFFFFF;
	p2 =	slt.u32 s8, $0xFFFFF086  }
0x1c: {  	p1 =	slt.u32 s9, $0xF7A;
	s5 =	simm.s32 @!p2 $0x0  }
0x1d: {  	s5 =	simm.s32 @p1 $0x1;
	p0 =	seq.s32 s7, s2  }
0x1e: {  	s7 =	smul.u32 @!p0 $0xF7A, s2;
	p2 =	seq.s32 @!p0 s5, $0x0  }
0x1f: {  	s9 =	smul.u32 $0xF7A, s1;
	s8 =	simm.s32 @!p0 $0x1BF5;
	p2 =	por !p2, p0  }
0x20: {  	[sflag:s8] =	ssyncset.s32 @!p0 $0xFFFFF086;
	s6 =	sadd.s32 @!p0 s3, s7;
	s7 =	simm.s32 @!p0 $0x108  }
0x21: {  	s3 =	sadd.s32 s3, s9;
	s6 =	sadd.s32 @!p0 $0x88, s6;
	s7 =	simm.s32 @p2 $0x1082  }
0x22: {  	[simem:s7], [sflag:s8] =	dma.local @!p0 [hbm:s6], $0xF7A  }
0x23: {  	s9 =	sor.u32 $0xD0000000, s2;
	s6 =	simm.s32 $0x108;
	_ =	swait.ge @!p0 [sflag:s8], $0x0  }
0x24: {  	s3 =	sadd.s32 $0x88, s3;
	s6 =	simm.s32 @!p1 $0x1082;
	[sflag:s4] =	ssyncset.s32 $0xFFFFF086  }
0x25: {  	[simem:s6], [sflag:s4] =	dma.local [hbm:s3], $0xF7A  }
0x26: {  	[smem:$0x3F8F] =	sst s1;
	(tag) =	ssettag s2;
	_ =	strace s9  }
0x27: {  	s1 =	sld [smem:$0x3F9F]  }
0x28: {  	s2 =	sld [smem:$0x3FA0]  }
0x29: {  	s4 =	sld [smem:$0x3FA2]  }
0x2a: {  	p0 =	seq.s32 s5, $0x0;
	s5 =	sld [smem:$0x3FA3]  }
0x2b: {  	s6 =	sld [smem:$0x3FA4]  }
0x2c: {  	s7 =	sld [smem:$0x3FA5]  }
0x2d: {  	s3 =	simm.s32 $0x108;
	s8 =	sld [smem:$0x3FA6]  }
0x2e: {  	s3 =	simm.s32 @!p0 $0x1082;
	s9 =	sld [smem:$0x3FA7]  }
0x2f: {  	lr =	sadd.s32 s0, s3;
	s0 =	sld [smem:$0x3F9E]  }
0x30: {  	s3 =	sld [smem:$0x3FA1]  }
0x31: {  	[smem:$0x3FAA] =	sst s10  }
0x32: {  	s10 =	sld [smem:$0x3FA8];
	_ =	sdelay $0x3  }
0x33: {  	p0 =	seq.s32 s10, $0x1;
	s10 =	sld [smem:$0x3FAA];
	_ =	sdelay $0x3  }
0x34: {  	[smem:$0x3FAA] =	sst s10  }
0x35: {  	s10 =	sld [smem:$0x3FA9];
	_ =	sdelay $0x3  }
0x36: {  	p1 =	seq.s32 s10, $0x1;
	s10 =	sld [smem:$0x3FAA];
	_ =	sdelay $0x3  }
0x37: {  	[smem:$0x3FAA] =	sst s10  }
0x38: {  	s10 =	sld [smem:$0x3FAB]  }
0x39: {  	_ = 	snop;
	(pc) =	sbr.ind lr, $3  }
0x3a: {  	_ = 	snop  }
0x3b: {  	_ = 	snop  }
0x3c: {  	p2 =	seq.s32 s10, $0x1;
	s10 =	sld [smem:$0x3FAA]  }
0x3d: {  	_ =	shalt  }
0x3e: {  	_ =	shalt  }
0x3f: {  	_ =	shalt  }
0x40: {  	_ =	shalt  }
0x41: {  	_ =	shalt  }
0x42: {  	_ =	shalt  }
0x43: {  	_ =	shalt  }
0x44: {  	_ =	shalt  }
0x45: {  	_ =	shalt  }
0x46: {  	_ =	shalt  }
0x47: {  	_ =	shalt  }
0x48: {  	_ =	shalt  }
0x49: {  	_ =	shalt  }
0x4a: {  	_ =	shalt  }
0x4b: {  	_ =	shalt  }
0x4c: {  	_ =	shalt  }
0x4d: {  	_ =	shalt  }
0x4e: {  	_ =	shalt  }
0x4f: {  	_ =	shalt  }
0x50: {  	_ =	shalt  }
0x51: {  	_ =	shalt  }
0x52: {  	_ =	shalt  }
0x53: {  	_ =	shalt  }
0x54: {  	_ =	shalt  }
0x55: {  	_ =	shalt  }
0x56: {  	_ =	shalt  }
0x57: {  	_ =	shalt  }
0x58: {  	_ =	shalt  }
0x59: {  	_ =	shalt  }
0x5a: {  	_ =	shalt  }
0x5b: {  	_ =	shalt  }
0x5c: {  	_ =	shalt  }
0x5d: {  	_ =	shalt  }
0x5e: {  	_ =	shalt  }
0x5f: {  	_ =	shalt  }
0x60: {  	_ =	shalt  }
0x61: {  	_ =	shalt  }
0x62: {  	_ =	shalt  }
0x63: {  	_ =	shalt  }
0x64: {  	_ =	shalt  }
0x65: {  	_ =	shalt  }
0x66: {  	_ =	shalt  }
0x67: {  	_ =	shalt  }
0x68: {  	_ =	shalt  }
0x69: {  	_ =	shalt  }
0x6a: {  	_ =	shalt  }
0x6b: {  	_ =	shalt  }
0x6c: {  	_ =	shalt  }
0x6d: {  	_ =	shalt  }
0x6e: {  	_ =	shalt  }
0x6f: {  	_ =	shalt  }
0x70: {  	_ =	shalt  }
0x71: {  	_ =	shalt  }
0x72: {  	_ =	shalt  }
0x73: {  	_ =	shalt  }
0x74: {  	_ =	shalt  }
0x75: {  	_ =	shalt  }
0x76: {  	_ =	shalt  }
0x77: {  	_ =	shalt  }
0x78: {  	_ =	shalt  }
0x79: {  	_ =	shalt  }
0x7a: {  	_ =	shalt  }
0x7b: {  	_ =	shalt  }
0x7c: {  	_ =	shalt  }
0x7d: {  	_ =	shalt  }
0x7e: {  	_ =	shalt  }
0x7f: {  	_ =	shalt  }
0x80: {  	_ =	shalt  }
0x81: {  	_ =	shalt  }
0x82: {  	_ =	shalt  }
0x83: {  	_ =	shalt  }
0x84: {  	_ =	shalt  }
0x85: {  	_ =	shalt  }
0x86: {  	_ =	shalt  }
0x87: {  	_ =	shalt  }
.Lfunc_end0:
.L_simem_size_0:
called_computation_lowered:
.L_overlay_start_0:
0x88: {  	s2 =	sld [smem:$0x3FD9]  }
0x89: {  	s3 =	sld [smem:$0x3FFE];
	_ =	sdelay $0x1  }
0x8a: {  	s1 =	srdreg.scid  }
0x8b: {  	s0 =	sand.u32 $0x1, s1  }
0x8c: {  	s14 =	sshll.u32 s0, $0xA;
	s2 =	sadd.s32 s3, s2  }
0x8d: {  	s2 =	sadd.s32 s2, s14  }
0x8e: {  	[smem:$0x3FB6] =	sst s2  }
0x8f: {  	_ = 	snop  }
0x90: {  	s2 =	sld [smem:$0x3FD0];
	_ =	sdelay $0x2  }
0x91: {  	s15 =	simm.s32 $0xA;
	s4 =	simm.s32 $0x10  }
0x92: {  	[smem:s4], [sflag:s15] =	dma.local [hbm:s2], $0x1  }
0x93: {  	_ =	swait.eq [sflag:s15], $0x1  }
0x94: {  	s16 =	sld [smem:$0x10]  }
0x95: {  	s17 =	sld [smem:$0x11]  }
0x96: {  	s5 =	sld [smem:$0x12];
	[sflag:s15] =	ssyncset.done $0x0  }
0x97: {  	s6 =	sld [smem:$0x14];
	[sflag:s15] =	ssyncadd.s32 $0xFFFFFFFF  }
0x98: {  	s18 =	sld [smem:$0x15];
	(tm) =	ssettm $0x1  }
0x99: {  	s7 =	sld [smem:$0x3FFB];
	_ =	sdelay $0x3  }
0x9a: {  	_ =	strace s7  }
0x9b: {  	s7 =	sld [smem:$0x3FFC];
	_ =	sdelay $0x3  }
0x9c: {  	_ =	strace s7  }
0x9d: {  	s7 =	sld [smem:$0x3FFD];
	_ =	sdelay $0x3  }
0x9e: {  	_ =	strace s7  }
0x9f: {  	_ =	strace $0x8FFFFFFF  }
0xa0: {  	s19 =	sld [smem:$0x3FDB];
	_ =	sdelay $0x1  }
0xa1: {  	s8 =	simm.s32 $_scs_section_size  }
0xa2: {  	s9 =	simm.s32 $_size__tile_overlayer_lowered;
	s10 =	simm.s32 $_tile_overlayer_lowered  }
0xa3: {  	s22 =	simm.s32 $0x1BFF;
	s21 =	sshll.u32 s10, $0x1;
	s7 =	sadd.s32 s8, s19  }
0xa4: {  	s11 =	simm.s32 $0x0;
	s20 =	sshll.u32 s9, $0x1;
	s9 =	sadd.s32 s21, s7  }
0xa5: {  	[timem:s11], [sflag:s22] =	dma.local [hbm:s9], s20  }
0xa6: {  	_ =	swait.ge [sflag:s22], s20  }
0xa7: {  	s8 =	ssub.s32 $0x0, s20;
	[sflag:s22] =	ssyncset.done $0x0  }
0xa8: {  	[sflag:s22] =	ssyncadd.s32 s8;
	_ =	sdelay $0x1  }
0xa9: {  	s23 =	simm.s32 $0x1B8B  }
0xaa: {  	_ =	swait.ge [sflag:s23], $0x1  }
0xab: {  	[sflag:s23] =	ssyncset.done $0x0  }
0xac: {  	s25 =	simm.s32 $0x1B8E;
	s24 =	sld [smem:$0x3FFE];
	[sflag:s23] =	ssyncadd.s32 $0xFFFFFFFF  }
0xad: {  	s26 =	simm.s32 $execute0_lowered;
	[smem:$0x3FD2] =	sst s25  }
0xae: {  	s9 =	sshll.u32 s26, $0x1;
	_ =	strace $0x80000046;
	[dreg:$0x1] =	wrdreg $0xFFFFFFFF  }
0xaf: {  	s28 =	simm.s32 $_size_execute0_lowered;
	s7 =	sadd.s32 s7, s9;
	[dreg:$0x0] =	wrdreg $0x0  }
0xb0: {  	s9 =	sshll.u32 s28, $0x1;
	[dreg:$0x2] =	wrdreg s7  }
0xb1: {  	[dreg:$0x3] =	wrdreg s9  }
0xb2: {  	[dreg:$0x4] =	wrdreg $0xC0  }
0xb3: {  	_ =	task [dreg:s11], $0x5FFFF  }
0xb4: {  	[dreg:$0x1] =	wrdreg $0xFFFFFFFF  }
0xb5: {  	[dreg:$0x0] =	wrdreg $0x60  }
0xb6: {  	[dreg:$0x2] =	wrdreg s18  }
0xb7: {  	[dreg:$0x3] =	wrdreg s6  }
0xb8: {  	[dreg:$0x4] =	wrdreg s5  }
0xb9: {  	[dreg:$0x5] =	wrdreg s17  }
0xba: {  	[dreg:$0x6] =	wrdreg s24  }
0xbb: {  	[dreg:$0x7] =	wrdreg s16  }
0xbc: {  	[dreg:$0x8] =	wrdreg $0x19F000  }
0xbd: {  	[dreg:$0x9] =	wrdreg $0x9  }
0xbe: {  	_ =	task.clear_ibuf [dreg:s11], $0xAFFFF;
	_ =	strace $0x90000046  }
0xbf: {  	s29 =	simm.s32 $0x9;
	_ =	strace $0x80000048  }
0xc0: {  	_ =	swait.ge [sflag:s29], $0x1  }
0xc1: {  	[sflag:s29] =	ssyncadd.s32 $0xFFFFFFFF  }
0xc2: {  	_ =	strace $0x90000048  }
0xc3: {  	_ =	sfence  }
0xc4: {  	s30 =	sld [smem:$0x0];
	_ =	sdelay $0x2  }
0xc5: {  	s31 =	sshll.u32 s1, $0xD;
	s1 =	sshrl.u32 s1, $0x2  }
0xc6: {  	s3 =	sand.u32 $0x4000, s31;
	s1 =	sadd.s32 s1, s30  }
0xc7: {  	s0 =	sor.u32 s3, s0;
	s1 =	sshll.u32 s1, $0x11  }
0xc8: {  	s0 =	sor.u32 s1, s0  }
0xc9: {  	s0 =	sadd.s32 $0x8F2B, s0  }
0xca: {  	[sflag:s0] =	ssyncadd.remote.s32 $0x1  }
0xcb: {  	_ =	sfence.sel $0xFFFF  }
0xcc: {  	[dreg:$0x0] =	wrdreg $0xFFFFFFFF;
	(pc) =	sbr.abs _section_cstart, $3  }
0xcd: {  	[dreg:$0x1] =	wrdreg $0xFFFFFFFF  }
0xce: {  	_ =	task.clear_ibuf [dreg:s11], $0x2FFFF;
	_ =	strace $0x9FFFFFFF  }
0xcf: {  	(tm) =	ssettm $0x7FFFFFFF  }
tec
execute0_lowered:
.L_overlay_start_1:
0x0: {  	(tag) =	ssettag $0x1  }
0x1: {  	s0 =	rddreg [dreg:$0x0]  }
0x2: {  	s1 =	rddreg [dreg:$0x1]  }
0x3: {  	s2 =	rddreg [dreg:$0x2]  }
0x4: {  	s3 =	rddreg [dreg:$0x3]  }
0x5: {  	s6 =	rddreg [dreg:$0x4];
	s4 =	srdreg.scid  }
0x6: {  	s17 =	stileid.u32;
	s7 =	rddreg [dreg:$0x5]  }
0x7: {  	s16 =	simm.s32 $0x7;
	s19 =	simm.s32 $0x3E8;
	s11 =	smul.u32 $0x9C40, s17  }
0x8: {  	s28 =	simm.s32 $0x3;
	s29 =	simm.s32 $0x2;
	s15 =	smul.u32 $0x2700, s17  }
0x9: {  	s30 =	simm.s32 $0x4;
	s8 =	sand.u32 $0x1, s4;
	s21 =	smul.u32 $0x9C400, s17  }
0xa: {  	s31 =	simm.s32 $0x5;
	s5 =	sshll.u32 s17, $0x1;
	s13 =	smul.u32 $0x27100, s8  }
0xb: {  	s4 =	rddreg [dreg:$0x6];
	s9 =	sor.u32 s8, s5;
	s22 =	smul.u32 $0x4E200, s8  }
0xc: {  	p0 =	seq.s32 s17, $0xF;
	s5 =	simm.s32 $0x0;
	s10 =	smul.u32 $0x500, s9  }
0xd: {  	s12 =	ssub.s32 $0x2, s8;
	[smem:$0x7FF] =	sst s5;
	s9 =	smul.u32 $0x4E2, s9  }
0xe: {  	s14 =	sshrl.u32 s12, $0x1;
	s11 =	sshrl.u32 s11, $0x2;
	s8 =	sadd.s32 s15, s4  }
0xf: {  	_ =	strace $0x80000047;
	s12 =	ssub.s32 s12, s14;
	s11 =	sadd.s32 s11, s4  }
0x10: {  	s20 =	sadd.s32 s15, s13;
	s24 =	sshrl.u32 s13, $0x3;
	s15 =	simm.s32 $0x0  }
0x11: {  	s10 =	sadd.s32 s10, s6;
	[dreg:$0x8] =	wrdreg s11;
	s2 =	sadd.s32 s2, s9  }
0x12: {  	s6 =	sadd.s32 $0xD400, s6;
	s3 =	sadd.s32 s3, s9;
	[dreg:$0x9] =	wrdreg s2  }
0x13: {  	s26 =	smax.u32 s12, $0x1;
	[dreg:$0xa] =	wrdreg s3;
	s2 =	sshrl.u32 s20, $0x3  }
0x14: {  	s23 =	sadd.s32 $0x3400, s10;
	s3 =	sadd.s32 s22, s21;
	[dreg:$0xe] =	wrdreg s26  }
0x15: {  	s20 =	simm.s32 $0x7620;
	s21 =	simm.s32 $0x7D;
	s22 =	simm.s32 $0x17020  }
0x16: {  	s26 =	simm.s32 $0x1;
	[dreg:$0xb] =	wrdreg s23;
	s2 =	sadd.s32 s7, s2  }
0x17: {  	s25 =	sadd.s32 $0x7D00, s3;
	s3 =	sshrl.u32 s3, $0x3;
	s23 =	simm.s32 $0xF320  }
0x18: {  	[dreg:$0xc] =	wrdreg s2;
	s2 =	sadd.s32 s7, s24;
	s7 =	sshrl.u32 s25, $0x3  }
0x19: {  	s13 =	sadd.s32 s3, s6;
	s25 =	sshrl.u32 @!p0 s8, $0x3;
	s2 =	sadd.s32 $0x4920, s2  }
0x1a: {  	s3 =	simm.s32 $0x6;
	[dreg:$0xd] =	wrdreg s2;
	s2 =	sadd.s32 $0x24900, s4  }
0x1b: {  	v0 =	vimm.f32 $0.0e+00;
	v1 =	vimm.f32 $1.000000000e+00;
	s14 =	sadd.s32 s7, s6;
	s7 =	simm.s32 $0x2710;
	s24 =	sshrl.u32 @p0 s2, $0x3  }
.LBB2_1:
0x1c: {  	s2 =	simm.s32 $0x40;
	s6 =	simm.s32 $0x0  }
.LBB2_2:
0x1d: {  	p1 =	sne.s32 s2, $0x9C00;
	[tilespmem:s6+$0x177F0] =	vst v0;
	s6 =	smov.u32 s2;
	s2 =	sadd.s32 $0x40, s2  }
.Ltmp0:
0x1e: {  	(pc) =	sbr.rel @p1 .LBB2_2-.Ltmp0, $2  }
0x1f: {  	_ =	sdelay $0x2  }
0x20: {  	s6 =	sshra.s32 s6, $0x2  }
0x21: {  	[tilespmem:s6+$0x177F0] =	vst v0;
	s2 =	rddreg [dreg:$0x8];
	s10 =	simm.s32 $0x177F0  }
0x22: {  	[spmem:s2] =	stream.linear.scatter [tilespmem:s10], [sflag:$0x7], $0x2710, $0x38;
	[tilespmem:$0x1C610] =	vst v63  }
0x23: {  	_ =	swait.ge [sflag:s16], $0x2710  }
0x24: {  	[sflag:s16] =	ssyncset.done $0x0  }
0x25: {  	s11 =	simm.s32 $0x0;
	s12 =	rddreg [dreg:$0x9];
	[sflag:s16] =	ssyncadd.s32 $0xFFFFD8F0  }
0x26: {  	[tilespmem:s11], [sflag:$0x7] =	stream.linear.gather [hbm4b:s12+s11], $0x2710, $0x38;
	[tilespmem:$0x1C610] =	vst v63  }
0x27: {  	_ =	swait.ge [sflag:s16], $0x2710  }
0x28: {  	[sflag:s16] =	ssyncset.done $0x0  }
0x29: {  	s17 =	rddreg [dreg:$0xa];
	[sflag:s16] =	ssyncadd.s32 $0xFFFFD8F0  }
0x2a: {  	[tilespmem:s7], [sflag:$0x7] =	stream.linear.gather [hbm4b:s17+s11], $0x2710, $0x38;
	[tilespmem:$0x1C610] =	vst v63  }
0x2b: {  	_ =	swait.ge [sflag:s16], $0x2710  }
0x2c: {  	[sflag:s16] =	ssyncset.done $0x0  }
0x2d: {  	s8 =	simm.s32 $0x4E20;
	s18 =	rddreg [dreg:$0xb];
	[sflag:s16] =	ssyncadd.s32 $0xFFFFD8F0  }
0x2e: {  	[tilespmem:s8], [sflag:$0x7] =	stream.linear.gather [hbm4b:s18+s11], $0x2800, $0x38;
	[tilespmem:$0x1C610] =	vst v63  }
0x2f: {  	_ =	swait.ge [sflag:s16], $0x2800  }
0x30: {  	[sflag:s16] =	ssyncset.done $0x0  }
0x31: {  	s6 =	simm.s32 $0x0;
	s2 =	simm.s32 $0x40;
	[sflag:s16] =	ssyncadd.s32 $0xFFFFD800  }
.LBB2_4:
0x32: {  	p1 =	sne.s32 s2, $0x1F00;
	[tilespmem:s6+$0x17020] =	vst v1;
	s6 =	smov.u32 s2;
	s2 =	sadd.s32 $0x40, s2  }
.Ltmp1:
0x33: {  	(pc) =	sbr.rel @p1 .LBB2_4-.Ltmp1, $2  }
0x34: {  	_ =	sdelay $0x2  }
0x35: {  	s6 =	sshra.s32 s6, $0x2  }
0x36: {  	[tilespmem:s6+$0x17020] =	vst v1  }
0x37: {  	[bflag:$0x0] =	sbarrier.arrive $0xFFFF  }
0x38: {  	[tilespmem:s20], [sflag:$0x1] =	stream.indirect.gather [hbm4b:s0+s19], $0x20, s7, s19, $0xb8;
	[tilespmem:$0x1C610] =	vst v63  }
0x39: {  	s2 =	simm.s32 $0x4E20  }
0x3a: {  	[spmem:s4] =	stream.indirect.scatter.add.f32 [tilespmem:s22], [sflag:$0x4], $0x10, s2, s21, $0xb8;
	[tilespmem:$0x1C610] =	vst v63  }
0x3b: {  	s6 =	simm.s32 $0x4EA0  }
0x3c: {  	[spmem:s4] =	stream.indirect.scatter.add.f32 [tilespmem:s22], [sflag:$0x4], $0x10, s6, s21, $0xb8;
	[tilespmem:$0x1C610] =	vst v63  }
0x3d: {  	s7 =	simm.s32 $0x4F20  }
0x3e: {  	[spmem:s4] =	stream.indirect.scatter.add.f32 [tilespmem:s22], [sflag:$0x4], $0x10, s7, s21, $0xb8;
	[tilespmem:$0x1C610] =	vst v63  }
0x3f: {  	s8 =	simm.s32 $0x4FA0  }
0x40: {  	[spmem:s4] =	stream.indirect.scatter.add.f32 [tilespmem:s22], [sflag:$0x4], $0x10, s8, s21, $0xb8;
	[tilespmem:$0x1C610] =	vst v63  }
0x41: {  	s9 =	simm.s32 $0x5020  }
0x42: {  	[spmem:s4] =	stream.indirect.scatter.add.f32 [tilespmem:s22], [sflag:$0x4], $0x10, s9, s21, $0xb8;
	[tilespmem:$0x1C610] =	vst v63  }
0x43: {  	s10 =	simm.s32 $0x50A0  }
0x44: {  	[spmem:s4] =	stream.indirect.scatter.add.f32 [tilespmem:s22], [sflag:$0x4], $0x10, s10, s21, $0xb8;
	[tilespmem:$0x1C610] =	vst v63  }
0x45: {  	s11 =	simm.s32 $0x5120;
	p1 =	por $0x1, $0x1  }
0x46: {  	[spmem:s4] =	stream.indirect.scatter.add.f32 [tilespmem:s22], [sflag:$0x4], $0x10, s11, s21, $0xb8;
	[tilespmem:$0x1C610] =	vst v63  }
0x47: {  	s12 =	simm.s32 $0x51A0;
	s2 =	simm.s32 @!p1 $0x6  }
0x48: {  	[spmem:s4] =	stream.indirect.scatter.add.f32 [tilespmem:s22], [sflag:$0x4], $0x10, s12, s21, $0xb8;
	[tilespmem:$0x1C610] =	vst v63  }
0x49: {  	_ =	swait.ge @!p1 [sflag:s2], $0x7D00  }
0x4a: {  	[sflag:s2] =	ssyncset.done @!p1 $0x0  }
0x4b: {  	s17 =	simm.s32 $0x2AF8;
	[sflag:s2] =	ssyncadd.s32 @!p1 $0xFFFF8300  }
0x4c: {  	[tilespmem:s23], [sflag:$0x2] =	stream.indirect.gather [hbm4b:s0+s19], $0x20, s17, s19, $0xb8;
	[tilespmem:$0x1C610] =	vst v63  }
0x4d: {  	_ =	swait.ge [sflag:s26], $0x7D00  }
0x4e: {  	[sflag:s26] =	ssyncset.done $0x0  }
0x4f: {  	s18 =	simm.s32 $0x0;
	[sflag:s26] =	ssyncadd.s32 $0xFFFF8300  }
0x50: {  	[tilespmem:s20], [sflag:$0x3] =	stream.indirect.gather.add.f32 [hbm:s1], $0x20, s18, s19, $0xb8;
	[tilespmem:$0x1C610] =	vst v63  }
0x51: {  	s6 =	simm.s32 $0x5220  }
0x52: {  	[spmem:s4] =	stream.indirect.scatter.add.f32 [tilespmem:s22], [sflag:$0x4], $0x10, s6, s21, $0xb8;
	[tilespmem:$0x1C610] =	vst v63  }
0x53: {  	s7 =	simm.s32 $0x52A0  }
0x54: {  	[spmem:s4] =	stream.indirect.scatter.add.f32 [tilespmem:s22], [sflag:$0x4], $0x10, s7, s21, $0xb8;
	[tilespmem:$0x1C610] =	vst v63  }
0x55: {  	s8 =	simm.s32 $0x5320  }
0x56: {  	[spmem:s4] =	stream.indirect.scatter.add.f32 [tilespmem:s22], [sflag:$0x4], $0x10, s8, s21, $0xb8;
	[tilespmem:$0x1C610] =	vst v63  }
0x57: {  	s9 =	simm.s32 $0x53A0  }
0x58: {  	[spmem:s4] =	stream.indirect.scatter.add.f32 [tilespmem:s22], [sflag:$0x4], $0x10, s9, s21, $0xb8;
	[tilespmem:$0x1C610] =	vst v63  }
0x59: {  	s10 =	simm.s32 $0x5420  }
0x5a: {  	[spmem:s4] =	stream.indirect.scatter.add.f32 [tilespmem:s22], [sflag:$0x4], $0x10, s10, s21, $0xb8;
	[tilespmem:$0x1C610] =	vst v63  }
0x5b: {  	s11 =	simm.s32 $0x54A0  }
0x5c: {  	[spmem:s4] =	stream.indirect.scatter.add.f32 [tilespmem:s22], [sflag:$0x4], $0x10, s11, s21, $0xb8;
	[tilespmem:$0x1C610] =	vst v63  }
0x5d: {  	s12 =	simm.s32 $0x5520  }
0x5e: {  	[spmem:s4] =	stream.indirect.scatter.add.f32 [tilespmem:s22], [sflag:$0x4], $0x10, s12, s21, $0xb8;
	[tilespmem:$0x1C610] =	vst v63  }
0x5f: {  	s17 =	simm.s32 $0x55A0  }
0x60: {  	[spmem:s4] =	stream.indirect.scatter.add.f32 [tilespmem:s22], [sflag:$0x4], $0x10, s17, s21, $0xb8;
	[tilespmem:$0x1C610] =	vst v63  }
0x61: {  	_ =	swait.ge [sflag:s28], $0x7D00  }
0x62: {  	[sflag:s28] =	ssyncset.done $0x0  }
0x63: {  	[sflag:s28] =	ssyncadd.s32 $0xFFFF8300  }
0x64: {  	[hbm4b:s13+s5] =	stream.linear.scatter [tilespmem:s20], [sflag:$0x5], $0x7D00, $0x38;
	[tilespmem:$0x1C610] =	vst v63  }
0x65: {  	_ =	swait.ge [sflag:s29], $0x7D00  }
0x66: {  	p1 =	por $0x0, $0x0;
	[sflag:s29] =	ssyncset.done $0x0  }
0x67: {  	s18 =	simm.s32 $0x3E8;
	s6 =	simm.s32 @!p1 $0x5;
	[sflag:s29] =	ssyncadd.s32 $0xFFFF8300  }
0x68: {  	[tilespmem:s23], [sflag:$0x3] =	stream.indirect.gather.add.f32 [hbm:s1], $0x20, s18, s19, $0xb8;
	[tilespmem:$0x1C610] =	vst v63  }
0x69: {  	_ =	swait.ge @!p1 [sflag:s6], $0x7D00  }
0x6a: {  	s2 =	simm.s32 $0x2EE0;
	[sflag:s6] =	ssyncset.done @!p1 $0x0  }
0x6b: {  	s7 =	simm.s32 @!p1 $0x3E8;
	s8 =	simm.s32 @!p1 $0x7620;
	[sflag:s6] =	ssyncadd.s32 @!p1 $0xFFFF8300  }
0x6c: {  	[tilespmem:s8], [sflag:$0x1] =	stream.indirect.gather @!p1 [hbm4b:s0+s7], $0x20, s2, s7, $0xb8;
	[tilespmem:$0x1C610] =	vst v63  }
0x6d: {  	_ =	swait.ge [sflag:s28], $0x7D00  }
0x6e: {  	[sflag:s28] =	ssyncset.done $0x0  }
0x6f: {  	[sflag:s28] =	ssyncadd.s32 $0xFFFF8300  }
0x70: {  	[hbm4b:s14+s5] =	stream.linear.scatter [tilespmem:s23], [sflag:$0x6], $0x7D00, $0x38;
	[tilespmem:$0x1C610] =	vst v63  }
0x71: {  	_ =	swait.ge [sflag:s30], $0x7D0  }
0x72: {  	[sflag:s30] =	ssyncset.done $0x0  }
0x73: {  	[sflag:s30] =	ssyncadd.s32 $0xFFFFF830  }
0x74: {  	_ =	swait.ge [sflag:s30], $0x7D0  }
0x75: {  	[sflag:s30] =	ssyncset.done $0x0  }
0x76: {  	[sflag:s30] =	ssyncadd.s32 $0xFFFFF830  }
0x77: {  	_ =	swait.ge [sflag:s30], $0x7D0  }
0x78: {  	[sflag:s30] =	ssyncset.done $0x0  }
0x79: {  	[sflag:s30] =	ssyncadd.s32 $0xFFFFF830  }
0x7a: {  	_ =	swait.ge [sflag:s30], $0x7D0  }
0x7b: {  	[sflag:s30] =	ssyncset.done $0x0  }
0x7c: {  	[sflag:s30] =	ssyncadd.s32 $0xFFFFF830  }
0x7d: {  	_ =	swait.ge [sflag:s30], $0x7D0  }
0x7e: {  	[sflag:s30] =	ssyncset.done $0x0  }
0x7f: {  	[sflag:s30] =	ssyncadd.s32 $0xFFFFF830  }
0x80: {  	_ =	swait.ge [sflag:s30], $0x7D0  }
0x81: {  	[sflag:s30] =	ssyncset.done $0x0  }
0x82: {  	[sflag:s30] =	ssyncadd.s32 $0xFFFFF830  }
0x83: {  	_ =	swait.ge [sflag:s30], $0x7D0  }
0x84: {  	[sflag:s30] =	ssyncset.done $0x0  }
0x85: {  	[sflag:s30] =	ssyncadd.s32 $0xFFFFF830  }
0x86: {  	_ =	swait.ge [sflag:s30], $0x7D0  }
0x87: {  	[sflag:s30] =	ssyncset.done $0x0  }
0x88: {  	[sflag:s30] =	ssyncadd.s32 $0xFFFFF830  }
0x89: {  	_ =	swait.ge [sflag:s30], $0x7D0  }
0x8a: {  	[sflag:s30] =	ssyncset.done $0x0  }
0x8b: {  	[sflag:s30] =	ssyncadd.s32 $0xFFFFF830  }
0x8c: {  	_ =	swait.ge [sflag:s30], $0x7D0  }
0x8d: {  	[sflag:s30] =	ssyncset.done $0x0  }
0x8e: {  	[sflag:s30] =	ssyncadd.s32 $0xFFFFF830  }
0x8f: {  	_ =	swait.ge [sflag:s30], $0x7D0  }
0x90: {  	[sflag:s30] =	ssyncset.done $0x0  }
0x91: {  	[sflag:s30] =	ssyncadd.s32 $0xFFFFF830  }
0x92: {  	_ =	swait.ge [sflag:s30], $0x7D0  }
0x93: {  	[sflag:s30] =	ssyncset.done $0x0  }
0x94: {  	[sflag:s30] =	ssyncadd.s32 $0xFFFFF830  }
0x95: {  	_ =	swait.ge [sflag:s30], $0x7D0  }
0x96: {  	[sflag:s30] =	ssyncset.done $0x0  }
0x97: {  	[sflag:s30] =	ssyncadd.s32 $0xFFFFF830  }
0x98: {  	_ =	swait.ge [sflag:s30], $0x7D0  }
0x99: {  	[sflag:s30] =	ssyncset.done $0x0  }
0x9a: {  	[sflag:s30] =	ssyncadd.s32 $0xFFFFF830  }
0x9b: {  	_ =	swait.ge [sflag:s30], $0x7D0  }
0x9c: {  	s9 =	simm.s32 $0x4000;
	s18 =	sadd.s32 $0x1F40, s14;
	[sflag:s30] =	ssyncset.done $0x0  }
0x9d: {  	s6 =	simm.s32 $0x7D0;
	s7 =	simm.s32 $0x2000;
	[sflag:s30] =	ssyncadd.s32 $0xFFFFF830  }
0x9e: {  	s8 =	sadd.s32 $0x1F40, s13;
	s2 =	simm.s32 $0x36B0;
	_ =	swait.ge [sflag:s30], $0x7D0  }
.LBB2_6:
0x9f: {  	s11 =	sshra.s32 s7, $0x2  }
0xa0: {  	[sflag:s30] =	ssyncset.done $0x0;
	s10 =	smov.u32 s9;
	s9 =	sadd.s32 $0x2000, s9  }
0xa1: {  	p1 =	sne.s32 s9, $0xA000;
	s17 =	sadd.s32 $0x4E20, s11;
	[sflag:s30] =	ssyncadd.s32 $0xFFFFF830  }
0xa2: {  	[spmem:s4] =	stream.indirect.scatter.add.f32 [tilespmem:s22], [sflag:$0x4], $0x10, s17, s21, $0xb8;
	[tilespmem:$0x1C610] =	vst v63  }
0xa3: {  	s17 =	sadd.s32 $0x4EA0, s11  }
0xa4: {  	[spmem:s4] =	stream.indirect.scatter.add.f32 [tilespmem:s22], [sflag:$0x4], $0x10, s17, s21, $0xb8;
	[tilespmem:$0x1C610] =	vst v63  }
0xa5: {  	s17 =	sadd.s32 $0x4F20, s11  }
0xa6: {  	[spmem:s4] =	stream.indirect.scatter.add.f32 [tilespmem:s22], [sflag:$0x4], $0x10, s17, s21, $0xb8;
	[tilespmem:$0x1C610] =	vst v63  }
0xa7: {  	s17 =	sadd.s32 $0x4FA0, s11  }
0xa8: {  	[spmem:s4] =	stream.indirect.scatter.add.f32 [tilespmem:s22], [sflag:$0x4], $0x10, s17, s21, $0xb8;
	[tilespmem:$0x1C610] =	vst v63  }
0xa9: {  	s17 =	sadd.s32 $0x5020, s11  }
0xaa: {  	[spmem:s4] =	stream.indirect.scatter.add.f32 [tilespmem:s22], [sflag:$0x4], $0x10, s17, s21, $0xb8;
	[tilespmem:$0x1C610] =	vst v63  }
0xab: {  	s17 =	sadd.s32 $0x50A0, s11  }
0xac: {  	[spmem:s4] =	stream.indirect.scatter.add.f32 [tilespmem:s22], [sflag:$0x4], $0x10, s17, s21, $0xb8;
	[tilespmem:$0x1C610] =	vst v63  }
0xad: {  	s17 =	sadd.s32 $0x5120, s11  }
0xae: {  	[spmem:s4] =	stream.indirect.scatter.add.f32 [tilespmem:s22], [sflag:$0x4], $0x10, s17, s21, $0xb8;
	[tilespmem:$0x1C610] =	vst v63  }
0xaf: {  	p2 =	seq.s32 s7, $0x0;
	s17 =	sadd.s32 $0x51A0, s11  }
0xb0: {  	[spmem:s4] =	stream.indirect.scatter.add.f32 [tilespmem:s22], [sflag:$0x4], $0x10, s17, s21, $0xb8;
	[tilespmem:$0x1C610] =	vst v63  }
0xb1: {  	s17 =	simm.s32 @!p2 $0x6  }
0xb2: {  	_ =	swait.ge @!p2 [sflag:s17], $0x7D00  }
0xb3: {  	s12 =	sadd.s32 $0xFFFFFC18, s2;
	[sflag:s17] =	ssyncset.done @!p2 $0x0  }
0xb4: {  	[sflag:s17] =	ssyncadd.s32 @!p2 $0xFFFF8300  }
0xb5: {  	[tilespmem:s23], [sflag:$0x2] =	stream.indirect.gather [hbm4b:s0+s19], $0x20, s12, s19, $0xb8;
	[tilespmem:$0x1C610] =	vst v63  }
0xb6: {  	_ =	swait.ge [sflag:s26], $0x7D00  }
0xb7: {  	[sflag:s26] =	ssyncset.done $0x0  }
0xb8: {  	[sflag:s26] =	ssyncadd.s32 $0xFFFF8300  }
0xb9: {  	[tilespmem:s20], [sflag:$0x3] =	stream.indirect.gather.add.f32 [hbm:s1], $0x20, s6, s19, $0xb8;
	[tilespmem:$0x1C610] =	vst v63  }
0xba: {  	s12 =	sadd.s32 $0x5220, s11  }
0xbb: {  	[spmem:s4] =	stream.indirect.scatter.add.f32 [tilespmem:s22], [sflag:$0x4], $0x10, s12, s21, $0xb8;
	[tilespmem:$0x1C610] =	vst v63  }
0xbc: {  	s12 =	sadd.s32 $0x52A0, s11  }
0xbd: {  	[spmem:s4] =	stream.indirect.scatter.add.f32 [tilespmem:s22], [sflag:$0x4], $0x10, s12, s21, $0xb8;
	[tilespmem:$0x1C610] =	vst v63  }
0xbe: {  	s12 =	sadd.s32 $0x5320, s11  }
0xbf: {  	[spmem:s4] =	stream.indirect.scatter.add.f32 [tilespmem:s22], [sflag:$0x4], $0x10, s12, s21, $0xb8;
	[tilespmem:$0x1C610] =	vst v63  }
0xc0: {  	s12 =	sadd.s32 $0x53A0, s11  }
0xc1: {  	[spmem:s4] =	stream.indirect.scatter.add.f32 [tilespmem:s22], [sflag:$0x4], $0x10, s12, s21, $0xb8;
	[tilespmem:$0x1C610] =	vst v63  }
0xc2: {  	s12 =	sadd.s32 $0x5420, s11  }
0xc3: {  	[spmem:s4] =	stream.indirect.scatter.add.f32 [tilespmem:s22], [sflag:$0x4], $0x10, s12, s21, $0xb8;
	[tilespmem:$0x1C610] =	vst v63  }
0xc4: {  	s12 =	sadd.s32 $0x54A0, s11  }
0xc5: {  	[spmem:s4] =	stream.indirect.scatter.add.f32 [tilespmem:s22], [sflag:$0x4], $0x10, s12, s21, $0xb8;
	[tilespmem:$0x1C610] =	vst v63  }
0xc6: {  	s12 =	sadd.s32 $0x5520, s11  }
0xc7: {  	[spmem:s4] =	stream.indirect.scatter.add.f32 [tilespmem:s22], [sflag:$0x4], $0x10, s12, s21, $0xb8;
	[tilespmem:$0x1C610] =	vst v63  }
0xc8: {  	s11 =	sadd.s32 $0x55A0, s11  }
0xc9: {  	[spmem:s4] =	stream.indirect.scatter.add.f32 [tilespmem:s22], [sflag:$0x4], $0x10, s11, s21, $0xb8;
	[tilespmem:$0x1C610] =	vst v63  }
0xca: {  	_ =	swait.ge [sflag:s28], $0x7D00  }
0xcb: {  	[sflag:s28] =	ssyncset.done $0x0  }
0xcc: {  	[sflag:s28] =	ssyncadd.s32 $0xFFFF8300  }
0xcd: {  	[hbm4b:s8+s5] =	stream.linear.scatter [tilespmem:s20], [sflag:$0x5], $0x7D00, $0x38;
	[tilespmem:$0x1C610] =	vst v63  }
0xce: {  	_ =	swait.ge [sflag:s29], $0x7D00  }
0xcf: {  	p2 =	seq.s32 s7, $0x8000;
	s11 =	sadd.s32 $0x3E8, s6;
	[sflag:s29] =	ssyncset.done $0x0  }
0xd0: {  	s7 =	smov.u32 s10;
	s12 =	simm.s32 @!p2 $0x5;
	[sflag:s29] =	ssyncadd.s32 $0xFFFF8300  }
0xd1: {  	[tilespmem:s23], [sflag:$0x3] =	stream.indirect.gather.add.f32 [hbm:s1], $0x20, s11, s19, $0xb8;
	[tilespmem:$0x1C610] =	vst v63  }
0xd2: {  	_ =	swait.ge @!p2 [sflag:s12], $0x7D00  }
0xd3: {  	s10 =	simm.s32 @!p2 $0x3E8;
	s11 =	simm.s32 @!p2 $0x7620;
	[sflag:s12] =	ssyncset.done @!p2 $0x0  }
0xd4: {  	[sflag:s12] =	ssyncadd.s32 @!p2 $0xFFFF8300  }
0xd5: {  	[tilespmem:s11], [sflag:$0x1] =	stream.indirect.gather @!p2 [hbm4b:s0+s10], $0x20, s2, s10, $0xb8;
	[tilespmem:$0x1C610] =	vst v63  }
0xd6: {  	_ =	swait.ge [sflag:s28], $0x7D00  }
0xd7: {  	[sflag:s28] =	ssyncset.done $0x0  }
0xd8: {  	[sflag:s28] =	ssyncadd.s32 $0xFFFF8300  }
0xd9: {  	[hbm4b:s18+s5] =	stream.linear.scatter [tilespmem:s23], [sflag:$0x6], $0x7D00, $0x38;
	[tilespmem:$0x1C610] =	vst v63  }
0xda: {  	_ =	swait.ge [sflag:s30], $0x7D0  }
0xdb: {  	[sflag:s30] =	ssyncset.done $0x0  }
0xdc: {  	[sflag:s30] =	ssyncadd.s32 $0xFFFFF830  }
0xdd: {  	_ =	swait.ge [sflag:s30], $0x7D0  }
0xde: {  	[sflag:s30] =	ssyncset.done $0x0  }
0xdf: {  	[sflag:s30] =	ssyncadd.s32 $0xFFFFF830  }
0xe0: {  	_ =	swait.ge [sflag:s30], $0x7D0  }
0xe1: {  	[sflag:s30] =	ssyncset.done $0x0  }
0xe2: {  	[sflag:s30] =	ssyncadd.s32 $0xFFFFF830  }
0xe3: {  	_ =	swait.ge [sflag:s30], $0x7D0  }
0xe4: {  	[sflag:s30] =	ssyncset.done $0x0  }
0xe5: {  	[sflag:s30] =	ssyncadd.s32 $0xFFFFF830  }
0xe6: {  	_ =	swait.ge [sflag:s30], $0x7D0  }
0xe7: {  	[sflag:s30] =	ssyncset.done $0x0  }
0xe8: {  	[sflag:s30] =	ssyncadd.s32 $0xFFFFF830  }
0xe9: {  	_ =	swait.ge [sflag:s30], $0x7D0  }
0xea: {  	[sflag:s30] =	ssyncset.done $0x0  }
0xeb: {  	[sflag:s30] =	ssyncadd.s32 $0xFFFFF830  }
0xec: {  	_ =	swait.ge [sflag:s30], $0x7D0  }
0xed: {  	[sflag:s30] =	ssyncset.done $0x0  }
0xee: {  	[sflag:s30] =	ssyncadd.s32 $0xFFFFF830  }
0xef: {  	_ =	swait.ge [sflag:s30], $0x7D0  }
0xf0: {  	[sflag:s30] =	ssyncset.done $0x0  }
0xf1: {  	[sflag:s30] =	ssyncadd.s32 $0xFFFFF830  }
0xf2: {  	_ =	swait.ge [sflag:s30], $0x7D0  }
0xf3: {  	[sflag:s30] =	ssyncset.done $0x0  }
0xf4: {  	[sflag:s30] =	ssyncadd.s32 $0xFFFFF830  }
0xf5: {  	_ =	swait.ge [sflag:s30], $0x7D0  }
0xf6: {  	[sflag:s30] =	ssyncset.done $0x0  }
0xf7: {  	[sflag:s30] =	ssyncadd.s32 $0xFFFFF830  }
0xf8: {  	_ =	swait.ge [sflag:s30], $0x7D0  }
0xf9: {  	[sflag:s30] =	ssyncset.done $0x0  }
0xfa: {  	[sflag:s30] =	ssyncadd.s32 $0xFFFFF830  }
0xfb: {  	_ =	swait.ge [sflag:s30], $0x7D0  }
0xfc: {  	[sflag:s30] =	ssyncset.done $0x0  }
0xfd: {  	[sflag:s30] =	ssyncadd.s32 $0xFFFFF830  }
0xfe: {  	_ =	swait.ge [sflag:s30], $0x7D0  }
0xff: {  	[sflag:s30] =	ssyncset.done $0x0  }
0x100: {  	[sflag:s30] =	ssyncadd.s32 $0xFFFFF830  }
0x101: {  	_ =	swait.ge [sflag:s30], $0x7D0  }
0x102: {  	[sflag:s30] =	ssyncset.done $0x0  }
.Ltmp2:
0x103: {  	[sflag:s30] =	ssyncadd.s32 $0xFFFFF830;
	(pc) =	sbr.rel @p1 .LBB2_6-.Ltmp2, $4  }
0x104: {  	_ =	swait.ge [sflag:s30], $0x7D0  }
0x105: {  	[sflag:s30] =	ssyncset.done $0x0  }
0x106: {  	s6 =	sadd.s32 $0x7D0, s6;
	s18 =	sadd.s32 $0x1F40, s18;
	[sflag:s30] =	ssyncadd.s32 $0xFFFFF830  }
0x107: {  	s8 =	sadd.s32 $0x1F40, s8;
	s2 =	sadd.s32 $0x7D0, s2;
	_ =	swait.ge [sflag:s30], $0x7D0  }
0x108: {  	s9 =	sshra.s32 s7, $0x2;
	[sflag:s30] =	ssyncset.done $0x0  }
0x109: {  	s10 =	sadd.s32 $0x4E20, s9;
	[sflag:s30] =	ssyncadd.s32 $0xFFFFF830  }
0x10a: {  	[spmem:s4] =	stream.indirect.scatter.add.f32 [tilespmem:s22], [sflag:$0x4], $0x10, s10, s21, $0xb8;
	[tilespmem:$0x1C610] =	vst v63  }
0x10b: {  	s17 =	sadd.s32 $0x4EA0, s9  }
0x10c: {  	[spmem:s4] =	stream.indirect.scatter.add.f32 [tilespmem:s22], [sflag:$0x4], $0x10, s17, s21, $0xb8;
	[tilespmem:$0x1C610] =	vst v63  }
0x10d: {  	s11 =	sadd.s32 $0x4F20, s9  }
0x10e: {  	[spmem:s4] =	stream.indirect.scatter.add.f32 [tilespmem:s22], [sflag:$0x4], $0x10, s11, s21, $0xb8;
	[tilespmem:$0x1C610] =	vst v63  }
0x10f: {  	s12 =	sadd.s32 $0x4FA0, s9  }
0x110: {  	[spmem:s4] =	stream.indirect.scatter.add.f32 [tilespmem:s22], [sflag:$0x4], $0x10, s12, s21, $0xb8;
	[tilespmem:$0x1C610] =	vst v63  }
0x111: {  	s17 =	sadd.s32 $0x5020, s9  }
0x112: {  	[spmem:s4] =	stream.indirect.scatter.add.f32 [tilespmem:s22], [sflag:$0x4], $0x10, s17, s21, $0xb8;
	[tilespmem:$0x1C610] =	vst v63  }
0x113: {  	s11 =	sadd.s32 $0x50A0, s9  }
0x114: {  	[spmem:s4] =	stream.indirect.scatter.add.f32 [tilespmem:s22], [sflag:$0x4], $0x10, s11, s21, $0xb8;
	[tilespmem:$0x1C610] =	vst v63  }
0x115: {  	p1 =	seq.s32 s7, $0x0;
	s12 =	sadd.s32 $0x5120, s9  }
0x116: {  	[spmem:s4] =	stream.indirect.scatter.add.f32 [tilespmem:s22], [sflag:$0x4], $0x10, s12, s21, $0xb8;
	[tilespmem:$0x1C610] =	vst v63  }
0x117: {  	s10 =	simm.s32 @!p1 $0x6;
	s17 =	sadd.s32 $0x51A0, s9  }
0x118: {  	[spmem:s4] =	stream.indirect.scatter.add.f32 [tilespmem:s22], [sflag:$0x4], $0x10, s17, s21, $0xb8;
	[tilespmem:$0x1C610] =	vst v63  }
0x119: {  	_ =	swait.ge @!p1 [sflag:s10], $0x7D00  }
0x11a: {  	[sflag:s10] =	ssyncset.done @!p1 $0x0  }
0x11b: {  	s11 =	sadd.s32 $0xFFFFFC18, s2;
	[sflag:s10] =	ssyncadd.s32 @!p1 $0xFFFF8300  }
0x11c: {  	[tilespmem:s23], [sflag:$0x2] =	stream.indirect.gather [hbm4b:s0+s19], $0x20, s11, s19, $0xb8;
	[tilespmem:$0x1C610] =	vst v63  }
0x11d: {  	_ =	swait.ge [sflag:s26], $0x7D00  }
0x11e: {  	[sflag:s26] =	ssyncset.done $0x0  }
0x11f: {  	[sflag:s26] =	ssyncadd.s32 $0xFFFF8300  }
0x120: {  	[tilespmem:s20], [sflag:$0x3] =	stream.indirect.gather.add.f32 [hbm:s1], $0x20, s6, s19, $0xb8;
	[tilespmem:$0x1C610] =	vst v63  }
0x121: {  	s12 =	sadd.s32 $0x5220, s9  }
0x122: {  	[spmem:s4] =	stream.indirect.scatter.add.f32 [tilespmem:s22], [sflag:$0x4], $0x10, s12, s21, $0xb8;
	[tilespmem:$0x1C610] =	vst v63  }
0x123: {  	s17 =	sadd.s32 $0x52A0, s9  }
0x124: {  	[spmem:s4] =	stream.indirect.scatter.add.f32 [tilespmem:s22], [sflag:$0x4], $0x10, s17, s21, $0xb8;
	[tilespmem:$0x1C610] =	vst v63  }
0x125: {  	s11 =	sadd.s32 $0x5320, s9  }
0x126: {  	[spmem:s4] =	stream.indirect.scatter.add.f32 [tilespmem:s22], [sflag:$0x4], $0x10, s11, s21, $0xb8;
	[tilespmem:$0x1C610] =	vst v63  }
0x127: {  	s12 =	sadd.s32 $0x53A0, s9  }
0x128: {  	[spmem:s4] =	stream.indirect.scatter.add.f32 [tilespmem:s22], [sflag:$0x4], $0x10, s12, s21, $0xb8;
	[tilespmem:$0x1C610] =	vst v63  }
0x129: {  	s17 =	sadd.s32 $0x5420, s9  }
0x12a: {  	[spmem:s4] =	stream.indirect.scatter.add.f32 [tilespmem:s22], [sflag:$0x4], $0x10, s17, s21, $0xb8;
	[tilespmem:$0x1C610] =	vst v63  }
0x12b: {  	s11 =	sadd.s32 $0x54A0, s9  }
0x12c: {  	[spmem:s4] =	stream.indirect.scatter.add.f32 [tilespmem:s22], [sflag:$0x4], $0x10, s11, s21, $0xb8;
	[tilespmem:$0x1C610] =	vst v63  }
0x12d: {  	s12 =	sadd.s32 $0x5520, s9  }
0x12e: {  	[spmem:s4] =	stream.indirect.scatter.add.f32 [tilespmem:s22], [sflag:$0x4], $0x10, s12, s21, $0xb8;
	[tilespmem:$0x1C610] =	vst v63  }
0x12f: {  	s9 =	sadd.s32 $0x55A0, s9  }
0x130: {  	[spmem:s4] =	stream.indirect.scatter.add.f32 [tilespmem:s22], [sflag:$0x4], $0x10, s9, s21, $0xb8;
	[tilespmem:$0x1C610] =	vst v63  }
0x131: {  	_ =	swait.ge [sflag:s28], $0x7D00  }
0x132: {  	[sflag:s28] =	ssyncset.done $0x0  }
0x133: {  	[sflag:s28] =	ssyncadd.s32 $0xFFFF8300  }
0x134: {  	[hbm4b:s8+s5] =	stream.linear.scatter [tilespmem:s20], [sflag:$0x5], $0x7D00, $0x38;
	[tilespmem:$0x1C610] =	vst v63  }
0x135: {  	_ =	swait.ge [sflag:s29], $0x7D00  }
0x136: {  	p1 =	seq.s32 s7, $0x8000;
	[sflag:s29] =	ssyncset.done $0x0  }
0x137: {  	s7 =	simm.s32 @!p1 $0x5;
	s17 =	sadd.s32 $0x3E8, s6;
	[sflag:s29] =	ssyncadd.s32 $0xFFFF8300  }
0x138: {  	[tilespmem:s23], [sflag:$0x3] =	stream.indirect.gather.add.f32 [hbm:s1], $0x20, s17, s19, $0xb8;
	[tilespmem:$0x1C610] =	vst v63  }
0x139: {  	_ =	swait.ge @!p1 [sflag:s7], $0x7D00  }
0x13a: {  	[sflag:s7] =	ssyncset.done @!p1 $0x0  }
0x13b: {  	s6 =	simm.s32 @!p1 $0x3E8;
	[sflag:s7] =	ssyncadd.s32 @!p1 $0xFFFF8300;
	s7 =	simm.s32 @!p1 $0x7620  }
0x13c: {  	[tilespmem:s7], [sflag:$0x1] =	stream.indirect.gather @!p1 [hbm4b:s0+s6], $0x20, s2, s6, $0xb8;
	[tilespmem:$0x1C610] =	vst v63  }
0x13d: {  	_ =	swait.ge [sflag:s28], $0x7D00  }
0x13e: {  	[sflag:s28] =	ssyncset.done $0x0  }
0x13f: {  	[sflag:s28] =	ssyncadd.s32 $0xFFFF8300  }
0x140: {  	[hbm4b:s18+s5] =	stream.linear.scatter [tilespmem:s23], [sflag:$0x6], $0x7D00, $0x38;
	[tilespmem:$0x1C610] =	vst v63  }
0x141: {  	_ =	swait.ge [sflag:s30], $0x7D0  }
0x142: {  	[sflag:s30] =	ssyncset.done $0x0  }
0x143: {  	[sflag:s30] =	ssyncadd.s32 $0xFFFFF830  }
0x144: {  	_ =	swait.ge [sflag:s30], $0x7D0  }
0x145: {  	[sflag:s30] =	ssyncset.done $0x0  }
0x146: {  	[sflag:s30] =	ssyncadd.s32 $0xFFFFF830  }
0x147: {  	_ =	swait.ge [sflag:s30], $0x7D0  }
0x148: {  	[sflag:s30] =	ssyncset.done $0x0  }
0x149: {  	[sflag:s30] =	ssyncadd.s32 $0xFFFFF830  }
0x14a: {  	_ =	swait.ge [sflag:s30], $0x7D0  }
0x14b: {  	[sflag:s30] =	ssyncset.done $0x0  }
0x14c: {  	[sflag:s30] =	ssyncadd.s32 $0xFFFFF830  }
0x14d: {  	_ =	swait.ge [sflag:s30], $0x7D0  }
0x14e: {  	[sflag:s30] =	ssyncset.done $0x0  }
0x14f: {  	[sflag:s30] =	ssyncadd.s32 $0xFFFFF830  }
0x150: {  	_ =	swait.ge [sflag:s30], $0x7D0  }
0x151: {  	[sflag:s30] =	ssyncset.done $0x0  }
0x152: {  	[sflag:s30] =	ssyncadd.s32 $0xFFFFF830  }
0x153: {  	_ =	swait.ge [sflag:s30], $0x7D0  }
0x154: {  	[sflag:s30] =	ssyncset.done $0x0  }
0x155: {  	[sflag:s30] =	ssyncadd.s32 $0xFFFFF830  }
0x156: {  	_ =	swait.ge [sflag:s30], $0x7D0  }
0x157: {  	[sflag:s30] =	ssyncset.done $0x0  }
0x158: {  	[sflag:s30] =	ssyncadd.s32 $0xFFFFF830  }
0x159: {  	_ =	swait.ge [sflag:s30], $0x7D0  }
0x15a: {  	[sflag:s30] =	ssyncset.done $0x0  }
0x15b: {  	[sflag:s30] =	ssyncadd.s32 $0xFFFFF830  }
0x15c: {  	_ =	swait.ge [sflag:s30], $0x7D0  }
0x15d: {  	[sflag:s30] =	ssyncset.done $0x0  }
0x15e: {  	[sflag:s30] =	ssyncadd.s32 $0xFFFFF830  }
0x15f: {  	_ =	swait.ge [sflag:s30], $0x7D0  }
0x160: {  	[sflag:s30] =	ssyncset.done $0x0  }
0x161: {  	[sflag:s30] =	ssyncadd.s32 $0xFFFFF830  }
0x162: {  	_ =	swait.ge [sflag:s30], $0x7D0  }
0x163: {  	[sflag:s30] =	ssyncset.done $0x0  }
0x164: {  	[sflag:s30] =	ssyncadd.s32 $0xFFFFF830  }
0x165: {  	_ =	swait.ge [sflag:s30], $0x7D0  }
0x166: {  	[sflag:s30] =	ssyncset.done $0x0  }
0x167: {  	[sflag:s30] =	ssyncadd.s32 $0xFFFFF830  }
0x168: {  	_ =	swait.ge [sflag:s30], $0x7D0  }
0x169: {  	[sflag:s30] =	ssyncset.done $0x0  }
0x16a: {  	[sflag:s30] =	ssyncadd.s32 $0xFFFFF830  }
0x16b: {  	_ =	swait.ge [sflag:s30], $0x7D0  }
0x16c: {  	[sflag:s30] =	ssyncset.done $0x0  }
0x16d: {  	[sflag:s30] =	ssyncadd.s32 $0xFFFFF830  }
0x16e: {  	_ =	swait.ge [sflag:s30], $0x7D0  }
0x16f: {  	[sflag:s30] =	ssyncset.done $0x0  }
0x170: {  	[sflag:s30] =	ssyncadd.s32 $0xFFFFF830  }
0x171: {  	_ =	swait.ge [sflag:s31], $0x7D00  }
0x172: {  	[sflag:s31] =	ssyncset.done $0x0  }
0x173: {  	[sflag:s31] =	ssyncadd.s32 $0xFFFF8300  }
0x174: {  	_ =	swait.ge [sflag:s3], $0x7D00  }
0x175: {  	[sflag:s3] =	ssyncset.done $0x0  }
0x176: {  	[sflag:s3] =	ssyncadd.s32 $0xFFFF8300  }
0x177: {  	[bflag:$0x0] =	sbarrier.arrive $0xFFFF  }
0x178: {  	s2 =	simm.s32 @p0 $0x1FC7;
	s6 =	rddreg [dreg:$0xd]  }
0x179: {  	[hbm:s6], [sflag:s2] =	dma.local @p0 [spmem:s24], $0x500  }
0x17a: {  	s2 =	simm.s32 @p0 $0x7  }
0x17b: {  	s6 =	stileid.u32;
	_ =	swait.ge @p0 [sflag:s2], $0x500  }
0x17c: {  	s6 =	sshll.u32 @!p0 s6, $0x6;
	[sflag:s2] =	ssyncset.done @p0 $0x0  }
0x17d: {  	[sflag:s2] =	ssyncadd.s32 @p0 $0xFFFFFB00;
	s2 =	sor.u32 @!p0 $0x1C07, s6;
	s6 =	rddreg [dreg:$0xc]  }
0x17e: {  	[hbm:s6], [sflag:s2] =	dma.local @!p0 [spmem:s25], $0x4E0  }
0x17f: {  	s2 =	simm.s32 @!p0 $0x7  }
0x180: {  	_ =	swait.ge @!p0 [sflag:s2], $0x4E0  }
0x181: {  	s15 =	sadd.s32 $0x1, s15;
	s18 =	rddreg [dreg:$0xe]  }
0x182: {  	p1 =	sne.s32 s15, s18  }
.Ltmp3:
0x183: {  	_ = 	snop;
	(pc) =	sbr.rel @p1 .LBB2_1-.Ltmp3, $3  }
0x184: {  	_ =	sdelay $0x1  }
0x185: {  	[sflag:s2] =	ssyncset.done @!p0 $0x0  }
0x186: {  	s7 =	simm.s32 $0x2710;
	[sflag:s2] =	ssyncadd.s32 @!p0 $0xFFFFFB20  }
0x187: {  	_ =	sfence.sel $0x180000  }
0x188: {  	[bflag:$0x0] =	sbarrier.arrive $0xFFFF  }
0x189: {  	_ =	strace $0x90000047  }
0x18a: {  	s0 =	stileid.u32;
	[bflag:$0x2] =	sbarrier.arrive $0xFFFF  }
0x18b: {  	p0 =	sne.s32 s0, $0x0;
	s0 =	rddreg [dreg:$0x7]  }
0x18c: {  	s0 =	sadd.s32 @!p0 $0x100000, s0  }
0x18d: {  	[sflag:s0] =	ssyncadd.tile.s32 @!p0 $0x1;
	_ =	shalt  }
.Lfunc_end2:
_tile_overlayer_lowered:
.L_overlay_start_2:
0x18e: {  	(tag) =	ssettag $0x2  }
0x18f: {  	s0 =	rddreg [dreg:$0x0];
	s2 =	stileid.u32  }
0x190: {  	s1 =	rddreg [dreg:$0x1];
	p0 =	sne.s32 s2, $0x0  }
0x191: {  	s3 =	rddreg [dreg:$0x2];
	[bflag:$0x3] =	sbarrier.arrive $0xFFFF;
	s2 =	simm.s32 @!p0 $0x1C07  }
0x192: {  	[timem:s3], [sflag:s2] =	dma.local @!p0 [hbm:s0], s1  }
0x193: {  	s0 =	simm.s32 @!p0 $0x7  }
0x194: {  	_ =	swait.ge @!p0 [sflag:s0], s1  }
0x195: {  	s1 =	ssub.s32 @!p0 $0x0, s1;
	[sflag:s0] =	ssyncset.done @!p0 $0x0  }
0x196: {  	[sflag:s0] =	ssyncadd.s32 @!p0 s1  }
0x197: {  	[bflag:$0x3] =	sbarrier.arrive $0xFFFF  }
0x198: {  	_ =	shalt  }

</sc_bundles>
